<compile_context>
chip_gen: v7x
topology: tpu7x:2x2x1
jax: 0.10.2.dev20260603
libtpu: 0.0.44.dev20260713+nightly
codegen_flags: <defaults>
</compile_context>

<pallas_src>
import functools

import jax
import jax.numpy as jnp
from jax import lax
from jax.experimental import pallas as pl
from jax.experimental.pallas import tpu as pltpu
from jax.experimental.pallas import tpu_sc as plsc

N = 100000
D = 128
H = 128
NC = 16
ALPHA = 0.2

NUM_WORKERS = 32
CHUNK = 128
NUM_SC_CORES = 2
K0 = 25
NPS = NUM_WORKERS * K0 * CHUNK
RING = 4

PRE_ROWS = 12800
POST_ROWS = 12800


def _tc_pre(features, C, W, V):

  def body(f_ref, c_ref, w_ref, v_ref, o_ref, a_ref, b_ref):
    @pl.when(pl.program_id(0) == 0)
    def _fold():
      cw1 = jnp.dot(c_ref[...], w_ref[:H, :],
                    preferred_element_type=jnp.float32)
      cw2 = jnp.dot(c_ref[...], w_ref[H:, :],
                    preferred_element_type=jnp.float32)
      a_ref[...] = jnp.dot(cw1, v_ref[...],
                           preferred_element_type=jnp.float32)
      b_ref[...] = jnp.dot(cw2, v_ref[...],
                           preferred_element_type=jnp.float32)

    f = f_ref[...]
    ya = jnp.dot(f, a_ref[...], preferred_element_type=jnp.float32)
    yb = jnp.dot(f, b_ref[...], preferred_element_type=jnp.float32)
    o_ref[...] = jnp.concatenate(
        [ya, yb, jnp.zeros((ya.shape[0], D - 2 * NC), jnp.float32)], axis=1)

  return pl.pallas_call(
      body,
      grid=(pl.cdiv(N, PRE_ROWS),),
      in_specs=[
          pl.BlockSpec((PRE_ROWS, D), lambda i: (i, 0)),
          pl.BlockSpec((D, H), lambda i: (0, 0)),
          pl.BlockSpec((2 * H, H), lambda i: (0, 0)),
          pl.BlockSpec((H, NC), lambda i: (0, 0)),
      ],
      out_specs=pl.BlockSpec((PRE_ROWS, D), lambda i: (i, 0)),
      out_shape=jax.ShapeDtypeStruct((N, D), jnp.float32),
      scratch_shapes=[
          pltpu.VMEM((H, NC), jnp.float32),
          pltpu.VMEM((H, NC), jnp.float32),
      ],
  )(features, C, W, V)


def _sc_gather(table, i1, i2):
  mesh = plsc.VectorSubcoreMesh(core_axis_name="c", subcore_axis_name="s",
                                num_cores=NUM_SC_CORES)

  @functools.partial(
      pl.kernel,
      out_type=(
          jax.ShapeDtypeStruct((NPS // 8, D), jnp.float32),
          jax.ShapeDtypeStruct((NPS // 8, D), jnp.float32),
      ),
      mesh=mesh,
      compiler_params=pltpu.CompilerParams(use_tc_tiling_on_sc=False),
      scratch_types=[
          pltpu.VMEM((K0 * CHUNK,), jnp.int32),
          pltpu.VMEM((K0 * CHUNK,), jnp.int32),
          pltpu.VMEM((RING, CHUNK, NC), jnp.float32),
          pltpu.VMEM((RING, CHUNK, NC), jnp.float32),
          pltpu.VMEM((RING, CHUNK // 8, D), jnp.float32),
          pltpu.VMEM((RING, CHUNK // 8, D), jnp.float32),
          pltpu.SemaphoreType.DMA((RING,)),
          pltpu.SemaphoreType.DMA((RING,)),
          pltpu.SemaphoreType.DMA((RING,)),
          pltpu.SemaphoreType.DMA((RING,)),
      ],
  )
  def gather_kernel(t_hbm, i1_hbm, i2_hbm, g1_hbm, g2_hbm,
                    idx1_v, idx2_v, buf1, buf2, pk1, pk2,
                    gs1, gs2, ws1, ws2):
    cid = lax.axis_index("c")
    sid = lax.axis_index("s")
    wid = cid * 16 + sid
    kcount = K0
    cstart = wid * K0

    def fire_gather(k, b):
      pltpu.async_copy(t_hbm.at[idx1_v.at[pl.ds(k * CHUNK, CHUNK)]],
                       buf1.at[b], gs1.at[b])
      pltpu.async_copy(t_hbm.at[idx2_v.at[pl.ds(k * CHUNK, CHUNK)]],
                       buf2.at[b], gs2.at[b])

    row0 = pl.multiple_of(cstart * CHUNK, CHUNK)
    pltpu.sync_copy(i1_hbm.at[pl.ds(row0, K0 * CHUNK)], idx1_v)
    pltpu.sync_copy(i2_hbm.at[pl.ds(row0, K0 * CHUNK)], idx2_v)
    for b in range(RING):
      fire_gather(b, b)

    def wait_write(b):
      pltpu.make_async_copy(pk1.at[b], g1_hbm.at[pl.ds(0, CHUNK // 8)],
                            ws1.at[b]).wait()
      pltpu.make_async_copy(pk2.at[b], g2_hbm.at[pl.ds(0, CHUNK // 8)],
                            ws2.at[b]).wait()

    def repack(b):
      def row(r, carry):
        q = r // 8
        j = r - q * 8
        pk1[b, q, pl.dslice(j * NC, NC)] = buf1[b, r, :]
        pk2[b, q, pl.dslice(j * NC, NC)] = buf2[b, r, :]
        return carry

      lax.fori_loop(0, CHUNK, row, 0)

    def body(j, carry):
      b = lax.rem(j, RING)
      off = pl.multiple_of((cstart + j) * (CHUNK // 8), CHUNK // 8)
      pltpu.make_async_copy(t_hbm.at[pl.ds(0, CHUNK)], buf1.at[b],
                            gs1.at[b]).wait()
      pltpu.make_async_copy(t_hbm.at[pl.ds(0, CHUNK)], buf2.at[b],
                            gs2.at[b]).wait()

      @pl.when(j >= RING)
      def _drain_prev():
        wait_write(b)

      repack(b)
      pltpu.async_copy(pk1.at[b], g1_hbm.at[pl.ds(off, CHUNK // 8)],
                       ws1.at[b])
      pltpu.async_copy(pk2.at[b], g2_hbm.at[pl.ds(off, CHUNK // 8)],
                       ws2.at[b])

      @pl.when(j + RING < kcount)
      def _refill():
        fire_gather(j + RING, b)

      return carry

    lax.fori_loop(0, kcount, body, 0)

    for b in range(RING):
      wait_write(b)

  return gather_kernel(table, i1, i2)


POST_BLK = 2048


def _tc_post(g1p, g2p):

  sub = 128
  nsub = POST_BLK // sub
  subcols = 8 * sub

  def body(g1_ref, g2_ref, o_ref, bd_ref, q_ref):
    @pl.when(pl.program_id(0) == 0)
    def _build_consts():
      lane = jax.lax.broadcasted_iota(jnp.int32, (D, D), 0) // NC
      lane_t = jax.lax.broadcasted_iota(jnp.int32, (D, D), 1) // NC
      bd_ref[...] = (lane == lane_t).astype(jnp.float32)
      q_iota = jax.lax.broadcasted_iota(jnp.int32, (sub, subcols), 0)
      m_iota = jax.lax.broadcasted_iota(jnp.int32, (sub, subcols), 1)
      for j in range(8):
        q_ref[j] = jnp.logical_and(m_iota // 8 == q_iota,
                                   m_iota % 8 == j).astype(jnp.float32)

    r = g1_ref[...] + g2_ref[...]
    r = jnp.where(r >= 0, r, ALPHA * r)
    e = jnp.exp(r)
    seg = jnp.dot(e, bd_ref[...], preferred_element_type=jnp.float32)
    res = r - jnp.log(seg)

    acc = [jnp.zeros((NC, subcols), jnp.float32) for _ in range(nsub)]
    for j in range(8):
      lj = jnp.concatenate(
          [res[sub * s:sub * (s + 1), NC * j:NC * (j + 1)].T
           for s in range(nsub)], axis=0)
      pj = jnp.dot(lj, q_ref[j], preferred_element_type=jnp.float32)
      for s in range(nsub):
        acc[s] = acc[s] + pj[NC * s:NC * (s + 1), :]
    for s in range(nsub):
      o_ref[:, subcols * s:subcols * (s + 1)] = acc[s]

  return pl.pallas_call(
      body,
      grid=(pl.cdiv(N, 8 * POST_BLK),),
      in_specs=[
          pl.BlockSpec((POST_BLK, D), lambda i: (i, 0)),
          pl.BlockSpec((POST_BLK, D), lambda i: (i, 0)),
      ],
      out_specs=pl.BlockSpec((NC, 8 * POST_BLK), lambda i: (0, i)),
      out_shape=jax.ShapeDtypeStruct((NC, N), jnp.float32),
      scratch_shapes=[
          pltpu.VMEM((D, D), jnp.float32),
          pltpu.VMEM((8, sub, subcols), jnp.float32),
      ],
  )(g1p, g2p)


def kernel(features, C, W, V, n1, n2):
  def pack(idx, sub):
    pad = jnp.arange(NPS - N, dtype=jnp.int32)
    full = jnp.concatenate([idx.astype(jnp.int32), pad])
    return full * 8 + sub

  table = _tc_pre(features, C, W, V).reshape(8 * N, NC)
  g1p, g2p = _sc_gather(table, pack(n1, 0), pack(n2, 1))
  return _tc_post(g1p, g2p).T

# --- scband reference (transcript-rebuilt; emitter-appended) ---
"""Pipeline reference for scband-huf-tree-84164179132671 (READ-ONLY COPY).

The authoritative reference and input builder live on the scoring server;
editing this copy changes nothing except your own understanding.
"""

import jax, jax.numpy as jnp
import numpy as np

N = 100000
D = 128
H = 128
NC = 16
ALPHA = 0.2


def _xavier_normal(key, shape, gain=1.414):
    fan_in, fan_out = shape
    std = gain * np.sqrt(2.0 / (fan_in + fan_out))
    return jax.random.normal(key, shape, dtype=jnp.float32) * std


def setup_inputs(seed: int = 0) -> dict:
    key = jax.random.key(seed)
    k1, k2, k3, k4 = jax.random.split(key, 4)
    features = jax.random.normal(k1, (N, D), dtype=jnp.float32)
    C = _xavier_normal(k2, (D, H))
    W = _xavier_normal(k3, (2 * H, H))
    V = _xavier_normal(k4, (H, NC))
    # weight_dict realized as per-node 2-neighbor lists: node i -> neighbors (i+1)%N, (i+2)%N.
    # This exercises the len(neighbor_dict)==2 branch of HufTree.forward for every node.
    idx = jnp.arange(N, dtype=jnp.int64)
    n1 = (idx + 1) % N
    n2 = (idx + 2) % N
    return {"features": features, "C": C, "W": W, "V": V, "n1": n1, "n2": n2}


def reference(features, C, W, V, n1, n2):
    # h = features @ C  (shared projection)
    h = jnp.matmul(features, C)
    # For each node idx with exactly two neighbors (node1_idx, node2_idx):
    #   x = concat(h[node1], h[node2]); outs[idx] = x @ W
    x1 = jnp.take(h, n1, axis=0)
    x2 = jnp.take(h, n2, axis=0)
    x = jnp.concatenate([x1, x2], axis=1)
    outs = jnp.matmul(x, W)
    results = jax.nn.leaky_relu(jnp.matmul(outs, V), negative_slope=ALPHA)
    return jax.nn.log_softmax(results, axis=1)

if __name__ == "__main__":
    import jax
    _d = setup_inputs()
    print(jax.jit(kernel)(*tuple(_d.values())))

</pallas_src>

<mosaic_0001>
#map = affine_map<(d0, d1) -> (0, 0)>
#map1 = affine_map<(d0, d1) -> (0)>
module attributes {stable_mosaic.version = 14 : i64} {
  func.func @gather_kernel(%arg0: i32, %arg1: i32, %arg2: memref<800000x16xf32, #tpu.memory_space<hbm>>, %arg3: memref<102400xi32, #tpu.memory_space<hbm>>, %arg4: memref<102400xi32, #tpu.memory_space<hbm>>, %arg5: memref<12800x128xf32, #tpu.memory_space<hbm>>, %arg6: memref<12800x128xf32, #tpu.memory_space<hbm>>, %arg7: memref<3200xi32, #tpu.memory_space<vmem>>, %arg8: memref<3200xi32, #tpu.memory_space<vmem>>, %arg9: memref<4x128x16xf32, #tpu.memory_space<vmem>>, %arg10: memref<4x128x16xf32, #tpu.memory_space<vmem>>, %arg11: memref<4x16x128xf32, #tpu.memory_space<vmem>>, %arg12: memref<4x16x128xf32, #tpu.memory_space<vmem>>, %arg13: memref<4x!tpu.dma_semaphore, #tpu.memory_space<semaphore_mem>>, %arg14: memref<4x!tpu.dma_semaphore, #tpu.memory_space<semaphore_mem>>, %arg15: memref<4x!tpu.dma_semaphore, #tpu.memory_space<semaphore_mem>>, %arg16: memref<4x!tpu.dma_semaphore, #tpu.memory_space<semaphore_mem>>) attributes {dimension_semantics = [#tpu.dimension_semantics<core_parallel>, #tpu.dimension_semantics<subcore_parallel>], iteration_bounds = array<i64: 2, 16>, scalar_prefetch = 0 : i64, scratch_operands = 10 : i64, tpu.core_type = #tpu.core_type<sc_vector_subcore>, window_params = [{transform_indices = #map}, {transform_indices = #map1}, {transform_indices = #map1}, {transform_indices = #map}, {transform_indices = #map}]} {
    %mul3A = arith.constant 16 : i32
    %mul3A_0 = arith.muli %arg0, %mul3A : i32
    %add3A = arith.addi %mul3A_0, %arg1 : i32
    %mul3A_1 = arith.constant 25 : i32
    %mul3A_2 = arith.muli %add3A, %mul3A_1 : i32
    %mul3A_3 = arith.constant 128 : i32
    %mul3A_4 = arith.muli %mul3A_2, %mul3A_3 : i32
    %multiple_of3A = tpu.assume_multiple %mul3A_4, 128 : i32
    "tpu.region"() ({
      %run_scoped3A = tpu.sem_alloc : memref<!tpu.dma_semaphore, #tpu.memory_space<semaphore_mem>>
      %dma_start3A_256 = tpu.memref_slice %arg3[%multiple_of3A] : memref<102400xi32, #tpu.memory_space<hbm>> -> memref<3200xi32, #tpu.memory_space<hbm>>
      %dma_start3A_257 = tpu.memref_slice %arg3[%multiple_of3A] : memref<102400xi32, #tpu.memory_space<hbm>> -> memref<3200xi32, #tpu.memory_space<hbm>>
      tpu.enqueue_dma source(%dma_start3A_257 : memref<3200xi32, #tpu.memory_space<hbm>>) target(%arg7 : memref<3200xi32, #tpu.memory_space<vmem>>) target_semaphore(%run_scoped3A : memref<!tpu.dma_semaphore, #tpu.memory_space<semaphore_mem>>)
      %dma_wait3A_258 = tpu.memref_slice %arg3[%multiple_of3A] : memref<102400xi32, #tpu.memory_space<hbm>> -> memref<3200xi32, #tpu.memory_space<hbm>>
      %dma_wait3A_259 = tpu.memref_slice %arg3[%multiple_of3A] : memref<102400xi32, #tpu.memory_space<hbm>> -> memref<3200xi32, #tpu.memory_space<hbm>>
      tpu.wait_dma2 semaphore(%run_scoped3A : memref<!tpu.dma_semaphore, #tpu.memory_space<semaphore_mem>>) src(%dma_wait3A_259 : memref<3200xi32, #tpu.memory_space<hbm>>) dst(%arg7 : memref<3200xi32, #tpu.memory_space<vmem>>)
      tpu.yield
    }) : () -> ()
    "tpu.region"() ({
      %run_scoped3A = tpu.sem_alloc : memref<!tpu.dma_semaphore, #tpu.memory_space<semaphore_mem>>
      %dma_start3A_256 = tpu.memref_slice %arg4[%multiple_of3A] : memref<102400xi32, #tpu.memory_space<hbm>> -> memref<3200xi32, #tpu.memory_space<hbm>>
      %dma_start3A_257 = tpu.memref_slice %arg4[%multiple_of3A] : memref<102400xi32, #tpu.memory_space<hbm>> -> memref<3200xi32, #tpu.memory_space<hbm>>
      tpu.enqueue_dma source(%dma_start3A_257 : memref<3200xi32, #tpu.memory_space<hbm>>) target(%arg8 : memref<3200xi32, #tpu.memory_space<vmem>>) target_semaphore(%run_scoped3A : memref<!tpu.dma_semaphore, #tpu.memory_space<semaphore_mem>>)
      %dma_wait3A_258 = tpu.memref_slice %arg4[%multiple_of3A] : memref<102400xi32, #tpu.memory_space<hbm>> -> memref<3200xi32, #tpu.memory_space<hbm>>
      %dma_wait3A_259 = tpu.memref_slice %arg4[%multiple_of3A] : memref<102400xi32, #tpu.memory_space<hbm>> -> memref<3200xi32, #tpu.memory_space<hbm>>
      tpu.wait_dma2 semaphore(%run_scoped3A : memref<!tpu.dma_semaphore, #tpu.memory_space<semaphore_mem>>) src(%dma_wait3A_259 : memref<3200xi32, #tpu.memory_space<hbm>>) dst(%arg8 : memref<3200xi32, #tpu.memory_space<vmem>>)
      tpu.yield
    }) : () -> ()
    %dma_start3A = arith.constant 0 : i32
    %dma_start3A_5 = arith.constant 0 : i32
    %dma_start3A_6 = arith.constant 0 : i32
    %dma_start3A_7 = arith.constant 0 : i32
    %dma_start3A_8 = tpu.memref_slice %arg9[%dma_start3A, %dma_start3A_6, %dma_start3A_7] : memref<4x128x16xf32, #tpu.memory_space<vmem>> -> memref<1x128x16xf32, #tpu.memory_space<vmem>>
    %dma_start3A_9 = tpu.memref_squeeze %dma_start3A_8 : memref<1x128x16xf32, #tpu.memory_space<vmem>> -> memref<128x16xf32, #tpu.memory_space<vmem>>
    %dma_start3A_10 = arith.constant 0 : i32
    %dma_start3A_11 = tpu.memref_slice %arg7[%dma_start3A_10] : memref<3200xi32, #tpu.memory_space<vmem>> -> memref<128xi32, #tpu.memory_space<vmem>>
    %dma_start3A_12 = arith.constant 0 : i32
    %dma_start3A_13 = arith.constant 0 : i32
    %dma_start3A_14 = tpu.memref_slice %arg2[%dma_start3A_12, %dma_start3A_13] : memref<800000x16xf32, #tpu.memory_space<hbm>> -> memref<800000x16xf32, #tpu.memory_space<hbm>>
    %dma_start3A_15 = tpu.memref_slice %arg13[%dma_start3A_5] : memref<4x!tpu.dma_semaphore, #tpu.memory_space<semaphore_mem>> -> memref<1x!tpu.dma_semaphore, #tpu.memory_space<semaphore_mem>>
    %dma_start3A_16 = tpu.memref_squeeze %dma_start3A_15 : memref<1x!tpu.dma_semaphore, #tpu.memory_space<semaphore_mem>> -> memref<!tpu.dma_semaphore, #tpu.memory_space<semaphore_mem>>
    tpu.enqueue_indirect_dma source(%dma_start3A_14 : memref<800000x16xf32, #tpu.memory_space<hbm>>) target(%dma_start3A_9 : memref<128x16xf32, #tpu.memory_space<vmem>>) offsets(%dma_start3A_11 : memref<128xi32, #tpu.memory_space<vmem>>) semaphore(%dma_start3A_16 : memref<!tpu.dma_semaphore, #tpu.memory_space<semaphore_mem>>)
    %dma_start3A_17 = arith.constant 0 : i32
    %dma_start3A_18 = arith.constant 0 : i32
    %dma_start3A_19 = arith.constant 0 : i32
    %dma_start3A_20 = arith.constant 0 : i32
    %dma_start3A_21 = tpu.memref_slice %arg10[%dma_start3A_17, %dma_start3A_19, %dma_start3A_20] : memref<4x128x16xf32, #tpu.memory_space<vmem>> -> memref<1x128x16xf32, #tpu.memory_space<vmem>>
    %dma_start3A_22 = tpu.memref_squeeze %dma_start3A_21 : memref<1x128x16xf32, #tpu.memory_space<vmem>> -> memref<128x16xf32, #tpu.memory_space<vmem>>
    %dma_start3A_23 = arith.constant 0 : i32
    %dma_start3A_24 = tpu.memref_slice %arg8[%dma_start3A_23] : memref<3200xi32, #tpu.memory_space<vmem>> -> memref<128xi32, #tpu.memory_space<vmem>>
    %dma_start3A_25 = arith.constant 0 : i32
    %dma_start3A_26 = arith.constant 0 : i32
    %dma_start3A_27 = tpu.memref_slice %arg2[%dma_start3A_25, %dma_start3A_26] : memref<800000x16xf32, #tpu.memory_space<hbm>> -> memref<800000x16xf32, #tpu.memory_space<hbm>>
    %dma_start3A_28 = tpu.memref_slice %arg14[%dma_start3A_18] : memref<4x!tpu.dma_semaphore, #tpu.memory_space<semaphore_mem>> -> memref<1x!tpu.dma_semaphore, #tpu.memory_space<semaphore_mem>>
    %dma_start3A_29 = tpu.memref_squeeze %dma_start3A_28 : memref<1x!tpu.dma_semaphore, #tpu.memory_space<semaphore_mem>> -> memref<!tpu.dma_semaphore, #tpu.memory_space<semaphore_mem>>
    tpu.enqueue_indirect_dma source(%dma_start3A_27 : memref<800000x16xf32, #tpu.memory_space<hbm>>) target(%dma_start3A_22 : memref<128x16xf32, #tpu.memory_space<vmem>>) offsets(%dma_start3A_24 : memref<128xi32, #tpu.memory_space<vmem>>) semaphore(%dma_start3A_29 : memref<!tpu.dma_semaphore, #tpu.memory_space<semaphore_mem>>)
    %dma_start3A_30 = arith.constant 1 : i32
    %dma_start3A_31 = arith.constant 1 : i32
    %dma_start3A_32 = arith.constant 0 : i32
    %dma_start3A_33 = arith.constant 0 : i32
    %dma_start3A_34 = tpu.memref_slice %arg9[%dma_start3A_30, %dma_start3A_32, %dma_start3A_33] : memref<4x128x16xf32, #tpu.memory_space<vmem>> -> memref<1x128x16xf32, #tpu.memory_space<vmem>>
    %dma_start3A_35 = tpu.memref_squeeze %dma_start3A_34 : memref<1x128x16xf32, #tpu.memory_space<vmem>> -> memref<128x16xf32, #tpu.memory_space<vmem>>
    %dma_start3A_36 = arith.constant 128 : i32
    %dma_start3A_37 = tpu.memref_slice %arg7[%dma_start3A_36] : memref<3200xi32, #tpu.memory_space<vmem>> -> memref<128xi32, #tpu.memory_space<vmem>>
    %dma_start3A_38 = arith.constant 0 : i32
    %dma_start3A_39 = arith.constant 0 : i32
    %dma_start3A_40 = tpu.memref_slice %arg2[%dma_start3A_38, %dma_start3A_39] : memref<800000x16xf32, #tpu.memory_space<hbm>> -> memref<800000x16xf32, #tpu.memory_space<hbm>>
    %dma_start3A_41 = tpu.memref_slice %arg13[%dma_start3A_31] : memref<4x!tpu.dma_semaphore, #tpu.memory_space<semaphore_mem>> -> memref<1x!tpu.dma_semaphore, #tpu.memory_space<semaphore_mem>>
    %dma_start3A_42 = tpu.memref_squeeze %dma_start3A_41 : memref<1x!tpu.dma_semaphore, #tpu.memory_space<semaphore_mem>> -> memref<!tpu.dma_semaphore, #tpu.memory_space<semaphore_mem>>
    tpu.enqueue_indirect_dma source(%dma_start3A_40 : memref<800000x16xf32, #tpu.memory_space<hbm>>) target(%dma_start3A_35 : memref<128x16xf32, #tpu.memory_space<vmem>>) offsets(%dma_start3A_37 : memref<128xi32, #tpu.memory_space<vmem>>) semaphore(%dma_start3A_42 : memref<!tpu.dma_semaphore, #tpu.memory_space<semaphore_mem>>)
    %dma_start3A_43 = arith.constant 1 : i32
    %dma_start3A_44 = arith.constant 1 : i32
    %dma_start3A_45 = arith.constant 0 : i32
    %dma_start3A_46 = arith.constant 0 : i32
    %dma_start3A_47 = tpu.memref_slice %arg10[%dma_start3A_43, %dma_start3A_45, %dma_start3A_46] : memref<4x128x16xf32, #tpu.memory_space<vmem>> -> memref<1x128x16xf32, #tpu.memory_space<vmem>>
    %dma_start3A_48 = tpu.memref_squeeze %dma_start3A_47 : memref<1x128x16xf32, #tpu.memory_space<vmem>> -> memref<128x16xf32, #tpu.memory_space<vmem>>
    %dma_start3A_49 = arith.constant 128 : i32
    %dma_start3A_50 = tpu.memref_slice %arg8[%dma_start3A_49] : memref<3200xi32, #tpu.memory_space<vmem>> -> memref<128xi32, #tpu.memory_space<vmem>>
    %dma_start3A_51 = arith.constant 0 : i32
    %dma_start3A_52 = arith.constant 0 : i32
    %dma_start3A_53 = tpu.memref_slice %arg2[%dma_start3A_51, %dma_start3A_52] : memref<800000x16xf32, #tpu.memory_space<hbm>> -> memref<800000x16xf32, #tpu.memory_space<hbm>>
    %dma_start3A_54 = tpu.memref_slice %arg14[%dma_start3A_44] : memref<4x!tpu.dma_semaphore, #tpu.memory_space<semaphore_mem>> -> memref<1x!tpu.dma_semaphore, #tpu.memory_space<semaphore_mem>>
    %dma_start3A_55 = tpu.memref_squeeze %dma_start3A_54 : memref<1x!tpu.dma_semaphore, #tpu.memory_space<semaphore_mem>> -> memref<!tpu.dma_semaphore, #tpu.memory_space<semaphore_mem>>
    tpu.enqueue_indirect_dma source(%dma_start3A_53 : memref<800000x16xf32, #tpu.memory_space<hbm>>) target(%dma_start3A_48 : memref<128x16xf32, #tpu.memory_space<vmem>>) offsets(%dma_start3A_50 : memref<128xi32, #tpu.memory_space<vmem>>) semaphore(%dma_start3A_55 : memref<!tpu.dma_semaphore, #tpu.memory_space<semaphore_mem>>)
    %dma_start3A_56 = arith.constant 2 : i32
    %dma_start3A_57 = arith.constant 2 : i32
    %dma_start3A_58 = arith.constant 0 : i32
    %dma_start3A_59 = arith.constant 0 : i32
    %dma_start3A_60 = tpu.memref_slice %arg9[%dma_start3A_56, %dma_start3A_58, %dma_start3A_59] : memref<4x128x16xf32, #tpu.memory_space<vmem>> -> memref<1x128x16xf32, #tpu.memory_space<vmem>>
    %dma_start3A_61 = tpu.memref_squeeze %dma_start3A_60 : memref<1x128x16xf32, #tpu.memory_space<vmem>> -> memref<128x16xf32, #tpu.memory_space<vmem>>
    %dma_start3A_62 = arith.constant 256 : i32
    %dma_start3A_63 = tpu.memref_slice %arg7[%dma_start3A_62] : memref<3200xi32, #tpu.memory_space<vmem>> -> memref<128xi32, #tpu.memory_space<vmem>>
    %dma_start3A_64 = arith.constant 0 : i32
    %dma_start3A_65 = arith.constant 0 : i32
    %dma_start3A_66 = tpu.memref_slice %arg2[%dma_start3A_64, %dma_start3A_65] : memref<800000x16xf32, #tpu.memory_space<hbm>> -> memref<800000x16xf32, #tpu.memory_space<hbm>>
    %dma_start3A_67 = tpu.memref_slice %arg13[%dma_start3A_57] : memref<4x!tpu.dma_semaphore, #tpu.memory_space<semaphore_mem>> -> memref<1x!tpu.dma_semaphore, #tpu.memory_space<semaphore_mem>>
    %dma_start3A_68 = tpu.memref_squeeze %dma_start3A_67 : memref<1x!tpu.dma_semaphore, #tpu.memory_space<semaphore_mem>> -> memref<!tpu.dma_semaphore, #tpu.memory_space<semaphore_mem>>
    tpu.enqueue_indirect_dma source(%dma_start3A_66 : memref<800000x16xf32, #tpu.memory_space<hbm>>) target(%dma_start3A_61 : memref<128x16xf32, #tpu.memory_space<vmem>>) offsets(%dma_start3A_63 : memref<128xi32, #tpu.memory_space<vmem>>) semaphore(%dma_start3A_68 : memref<!tpu.dma_semaphore, #tpu.memory_space<semaphore_mem>>)
    %dma_start3A_69 = arith.constant 2 : i32
    %dma_start3A_70 = arith.constant 2 : i32
    %dma_start3A_71 = arith.constant 0 : i32
    %dma_start3A_72 = arith.constant 0 : i32
    %dma_start3A_73 = tpu.memref_slice %arg10[%dma_start3A_69, %dma_start3A_71, %dma_start3A_72] : memref<4x128x16xf32, #tpu.memory_space<vmem>> -> memref<1x128x16xf32, #tpu.memory_space<vmem>>
    %dma_start3A_74 = tpu.memref_squeeze %dma_start3A_73 : memref<1x128x16xf32, #tpu.memory_space<vmem>> -> memref<128x16xf32, #tpu.memory_space<vmem>>
    %dma_start3A_75 = arith.constant 256 : i32
    %dma_start3A_76 = tpu.memref_slice %arg8[%dma_start3A_75] : memref<3200xi32, #tpu.memory_space<vmem>> -> memref<128xi32, #tpu.memory_space<vmem>>
    %dma_start3A_77 = arith.constant 0 : i32
    %dma_start3A_78 = arith.constant 0 : i32
    %dma_start3A_79 = tpu.memref_slice %arg2[%dma_start3A_77, %dma_start3A_78] : memref<800000x16xf32, #tpu.memory_space<hbm>> -> memref<800000x16xf32, #tpu.memory_space<hbm>>
    %dma_start3A_80 = tpu.memref_slice %arg14[%dma_start3A_70] : memref<4x!tpu.dma_semaphore, #tpu.memory_space<semaphore_mem>> -> memref<1x!tpu.dma_semaphore, #tpu.memory_space<semaphore_mem>>
    %dma_start3A_81 = tpu.memref_squeeze %dma_start3A_80 : memref<1x!tpu.dma_semaphore, #tpu.memory_space<semaphore_mem>> -> memref<!tpu.dma_semaphore, #tpu.memory_space<semaphore_mem>>
    tpu.enqueue_indirect_dma source(%dma_start3A_79 : memref<800000x16xf32, #tpu.memory_space<hbm>>) target(%dma_start3A_74 : memref<128x16xf32, #tpu.memory_space<vmem>>) offsets(%dma_start3A_76 : memref<128xi32, #tpu.memory_space<vmem>>) semaphore(%dma_start3A_81 : memref<!tpu.dma_semaphore, #tpu.memory_space<semaphore_mem>>)
    %dma_start3A_82 = arith.constant 3 : i32
    %dma_start3A_83 = arith.constant 3 : i32
    %dma_start3A_84 = arith.constant 0 : i32
    %dma_start3A_85 = arith.constant 0 : i32
    %dma_start3A_86 = tpu.memref_slice %arg9[%dma_start3A_82, %dma_start3A_84, %dma_start3A_85] : memref<4x128x16xf32, #tpu.memory_space<vmem>> -> memref<1x128x16xf32, #tpu.memory_space<vmem>>
    %dma_start3A_87 = tpu.memref_squeeze %dma_start3A_86 : memref<1x128x16xf32, #tpu.memory_space<vmem>> -> memref<128x16xf32, #tpu.memory_space<vmem>>
    %dma_start3A_88 = arith.constant 384 : i32
    %dma_start3A_89 = tpu.memref_slice %arg7[%dma_start3A_88] : memref<3200xi32, #tpu.memory_space<vmem>> -> memref<128xi32, #tpu.memory_space<vmem>>
    %dma_start3A_90 = arith.constant 0 : i32
    %dma_start3A_91 = arith.constant 0 : i32
    %dma_start3A_92 = tpu.memref_slice %arg2[%dma_start3A_90, %dma_start3A_91] : memref<800000x16xf32, #tpu.memory_space<hbm>> -> memref<800000x16xf32, #tpu.memory_space<hbm>>
    %dma_start3A_93 = tpu.memref_slice %arg13[%dma_start3A_83] : memref<4x!tpu.dma_semaphore, #tpu.memory_space<semaphore_mem>> -> memref<1x!tpu.dma_semaphore, #tpu.memory_space<semaphore_mem>>
    %dma_start3A_94 = tpu.memref_squeeze %dma_start3A_93 : memref<1x!tpu.dma_semaphore, #tpu.memory_space<semaphore_mem>> -> memref<!tpu.dma_semaphore, #tpu.memory_space<semaphore_mem>>
    tpu.enqueue_indirect_dma source(%dma_start3A_92 : memref<800000x16xf32, #tpu.memory_space<hbm>>) target(%dma_start3A_87 : memref<128x16xf32, #tpu.memory_space<vmem>>) offsets(%dma_start3A_89 : memref<128xi32, #tpu.memory_space<vmem>>) semaphore(%dma_start3A_94 : memref<!tpu.dma_semaphore, #tpu.memory_space<semaphore_mem>>)
    %dma_start3A_95 = arith.constant 3 : i32
    %dma_start3A_96 = arith.constant 3 : i32
    %dma_start3A_97 = arith.constant 0 : i32
    %dma_start3A_98 = arith.constant 0 : i32
    %dma_start3A_99 = tpu.memref_slice %arg10[%dma_start3A_95, %dma_start3A_97, %dma_start3A_98] : memref<4x128x16xf32, #tpu.memory_space<vmem>> -> memref<1x128x16xf32, #tpu.memory_space<vmem>>
    %dma_start3A_100 = tpu.memref_squeeze %dma_start3A_99 : memref<1x128x16xf32, #tpu.memory_space<vmem>> -> memref<128x16xf32, #tpu.memory_space<vmem>>
    %dma_start3A_101 = arith.constant 384 : i32
    %dma_start3A_102 = tpu.memref_slice %arg8[%dma_start3A_101] : memref<3200xi32, #tpu.memory_space<vmem>> -> memref<128xi32, #tpu.memory_space<vmem>>
    %dma_start3A_103 = arith.constant 0 : i32
    %dma_start3A_104 = arith.constant 0 : i32
    %dma_start3A_105 = tpu.memref_slice %arg2[%dma_start3A_103, %dma_start3A_104] : memref<800000x16xf32, #tpu.memory_space<hbm>> -> memref<800000x16xf32, #tpu.memory_space<hbm>>
    %dma_start3A_106 = tpu.memref_slice %arg14[%dma_start3A_96] : memref<4x!tpu.dma_semaphore, #tpu.memory_space<semaphore_mem>> -> memref<1x!tpu.dma_semaphore, #tpu.memory_space<semaphore_mem>>
    %dma_start3A_107 = tpu.memref_squeeze %dma_start3A_106 : memref<1x!tpu.dma_semaphore, #tpu.memory_space<semaphore_mem>> -> memref<!tpu.dma_semaphore, #tpu.memory_space<semaphore_mem>>
    tpu.enqueue_indirect_dma source(%dma_start3A_105 : memref<800000x16xf32, #tpu.memory_space<hbm>>) target(%dma_start3A_100 : memref<128x16xf32, #tpu.memory_space<vmem>>) offsets(%dma_start3A_102 : memref<128xi32, #tpu.memory_space<vmem>>) semaphore(%dma_start3A_107 : memref<!tpu.dma_semaphore, #tpu.memory_space<semaphore_mem>>)
    %scan3A = arith.constant 0 : i32
    %scan3A_108 = arith.constant 0 : i32
    %scan3A_109 = arith.constant 25 : i32
    %scan3A_110 = arith.addi %scan3A_108, %scan3A_109 : i32
    %scan3A_111 = arith.constant 1 : i32
    scf.for %scan3A_256 = %scan3A_108 to %scan3A_110 step %scan3A_111  : i32 {
      %rem3A = arith.constant 4 : i32
      %rem3A_257 = arith.remsi %scan3A_256, %rem3A : i32
      %add3A_258 = arith.addi %mul3A_2, %scan3A_256 : i32
      %mul3A_259 = arith.constant 16 : i32
      %mul3A_260 = arith.muli %add3A_258, %mul3A_259 : i32
      %multiple_of3A_261 = tpu.assume_multiple %mul3A_260, 16 : i32
      %dma_wait3A_262 = arith.constant 0 : i32
      %dma_wait3A_263 = arith.constant 0 : i32
      %dma_wait3A_264 = tpu.memref_slice %arg9[%rem3A_257, %dma_wait3A_262, %dma_wait3A_263] : memref<4x128x16xf32, #tpu.memory_space<vmem>> -> memref<1x128x16xf32, #tpu.memory_space<vmem>>
      %dma_wait3A_265 = tpu.memref_squeeze %dma_wait3A_264 : memref<1x128x16xf32, #tpu.memory_space<vmem>> -> memref<128x16xf32, #tpu.memory_space<vmem>>
      %dma_wait3A_266 = arith.constant 0 : i32
      %dma_wait3A_267 = arith.constant 0 : i32
      %dma_wait3A_268 = tpu.memref_slice %arg2[%dma_wait3A_266, %dma_wait3A_267] : memref<800000x16xf32, #tpu.memory_space<hbm>> -> memref<128x16xf32, #tpu.memory_space<hbm>>
      %dma_wait3A_269 = tpu.memref_slice %arg13[%rem3A_257] : memref<4x!tpu.dma_semaphore, #tpu.memory_space<semaphore_mem>> -> memref<1x!tpu.dma_semaphore, #tpu.memory_space<semaphore_mem>>
      %dma_wait3A_270 = tpu.memref_squeeze %dma_wait3A_269 : memref<1x!tpu.dma_semaphore, #tpu.memory_space<semaphore_mem>> -> memref<!tpu.dma_semaphore, #tpu.memory_space<semaphore_mem>>
      %dma_wait3A_271 = arith.constant 0 : i32
      %dma_wait3A_272 = arith.constant 0 : i32
      %dma_wait3A_273 = tpu.memref_slice %arg9[%rem3A_257, %dma_wait3A_271, %dma_wait3A_272] : memref<4x128x16xf32, #tpu.memory_space<vmem>> -> memref<1x128x16xf32, #tpu.memory_space<vmem>>
      %dma_wait3A_274 = tpu.memref_squeeze %dma_wait3A_273 : memref<1x128x16xf32, #tpu.memory_space<vmem>> -> memref<128x16xf32, #tpu.memory_space<vmem>>
      %dma_wait3A_275 = arith.constant 0 : i32
      %dma_wait3A_276 = arith.constant 0 : i32
      %dma_wait3A_277 = tpu.memref_slice %arg2[%dma_wait3A_275, %dma_wait3A_276] : memref<800000x16xf32, #tpu.memory_space<hbm>> -> memref<128x16xf32, #tpu.memory_space<hbm>>
      tpu.wait_dma2 semaphore(%dma_wait3A_270 : memref<!tpu.dma_semaphore, #tpu.memory_space<semaphore_mem>>) src(%dma_wait3A_277 : memref<128x16xf32, #tpu.memory_space<hbm>>) dst(%dma_wait3A_274 : memref<128x16xf32, #tpu.memory_space<vmem>>)
      %dma_wait3A_278 = arith.constant 0 : i32
      %dma_wait3A_279 = arith.constant 0 : i32
      %dma_wait3A_280 = tpu.memref_slice %arg10[%rem3A_257, %dma_wait3A_278, %dma_wait3A_279] : memref<4x128x16xf32, #tpu.memory_space<vmem>> -> memref<1x128x16xf32, #tpu.memory_space<vmem>>
      %dma_wait3A_281 = tpu.memref_squeeze %dma_wait3A_280 : memref<1x128x16xf32, #tpu.memory_space<vmem>> -> memref<128x16xf32, #tpu.memory_space<vmem>>
      %dma_wait3A_282 = arith.constant 0 : i32
      %dma_wait3A_283 = arith.constant 0 : i32
      %dma_wait3A_284 = tpu.memref_slice %arg2[%dma_wait3A_282, %dma_wait3A_283] : memref<800000x16xf32, #tpu.memory_space<hbm>> -> memref<128x16xf32, #tpu.memory_space<hbm>>
      %dma_wait3A_285 = tpu.memref_slice %arg14[%rem3A_257] : memref<4x!tpu.dma_semaphore, #tpu.memory_space<semaphore_mem>> -> memref<1x!tpu.dma_semaphore, #tpu.memory_space<semaphore_mem>>
      %dma_wait3A_286 = tpu.memref_squeeze %dma_wait3A_285 : memref<1x!tpu.dma_semaphore, #tpu.memory_space<semaphore_mem>> -> memref<!tpu.dma_semaphore, #tpu.memory_space<semaphore_mem>>
      %dma_wait3A_287 = arith.constant 0 : i32
      %dma_wait3A_288 = arith.constant 0 : i32
      %dma_wait3A_289 = tpu.memref_slice %arg10[%rem3A_257, %dma_wait3A_287, %dma_wait3A_288] : memref<4x128x16xf32, #tpu.memory_space<vmem>> -> memref<1x128x16xf32, #tpu.memory_space<vmem>>
      %dma_wait3A_290 = tpu.memref_squeeze %dma_wait3A_289 : memref<1x128x16xf32, #tpu.memory_space<vmem>> -> memref<128x16xf32, #tpu.memory_space<vmem>>
      %dma_wait3A_291 = arith.constant 0 : i32
      %dma_wait3A_292 = arith.constant 0 : i32
      %dma_wait3A_293 = tpu.memref_slice %arg2[%dma_wait3A_291, %dma_wait3A_292] : memref<800000x16xf32, #tpu.memory_space<hbm>> -> memref<128x16xf32, #tpu.memory_space<hbm>>
      tpu.wait_dma2 semaphore(%dma_wait3A_286 : memref<!tpu.dma_semaphore, #tpu.memory_space<semaphore_mem>>) src(%dma_wait3A_293 : memref<128x16xf32, #tpu.memory_space<hbm>>) dst(%dma_wait3A_290 : memref<128x16xf32, #tpu.memory_space<vmem>>)
      %ge3A = arith.constant 4 : i32
      %ge3A_294 = arith.cmpi sge, %scan3A_256, %ge3A : i32
      %convert_element_type3A = arith.extui %ge3A_294 : i1 to i32
      %cond3A = arith.constant 0 : i32
      %cond3A_295 = arith.cmpi ne, %convert_element_type3A, %cond3A : i32
      scf.if %cond3A_295 {
        %dma_wait3A_336 = arith.constant 0 : i32
        %dma_wait3A_337 = arith.constant 0 : i32
        %dma_wait3A_338 = tpu.memref_slice %arg11[%rem3A_257, %dma_wait3A_336, %dma_wait3A_337] : memref<4x16x128xf32, #tpu.memory_space<vmem>> -> memref<1x16x128xf32, #tpu.memory_space<vmem>>
        %dma_wait3A_339 = tpu.memref_squeeze %dma_wait3A_338 : memref<1x16x128xf32, #tpu.memory_space<vmem>> -> memref<16x128xf32, #tpu.memory_space<vmem>>
        %dma_wait3A_340 = arith.constant 0 : i32
        %dma_wait3A_341 = arith.constant 0 : i32
        %dma_wait3A_342 = tpu.memref_slice %arg5[%dma_wait3A_340, %dma_wait3A_341] : memref<12800x128xf32, #tpu.memory_space<hbm>> -> memref<16x128xf32, #tpu.memory_space<hbm>>
        %dma_wait3A_343 = tpu.memref_slice %arg15[%rem3A_257] : memref<4x!tpu.dma_semaphore, #tpu.memory_space<semaphore_mem>> -> memref<1x!tpu.dma_semaphore, #tpu.memory_space<semaphore_mem>>
        %dma_wait3A_344 = tpu.memref_squeeze %dma_wait3A_343 : memref<1x!tpu.dma_semaphore, #tpu.memory_space<semaphore_mem>> -> memref<!tpu.dma_semaphore, #tpu.memory_space<semaphore_mem>>
        %dma_wait3A_345 = arith.constant 0 : i32
        %dma_wait3A_346 = arith.constant 0 : i32
        %dma_wait3A_347 = tpu.memref_slice %arg5[%dma_wait3A_345, %dma_wait3A_346] : memref<12800x128xf32, #tpu.memory_space<hbm>> -> memref<16x128xf32, #tpu.memory_space<hbm>>
        %dma_wait3A_348 = arith.constant 0 : i32
        %dma_wait3A_349 = arith.constant 0 : i32
        %dma_wait3A_350 = tpu.memref_slice %arg11[%rem3A_257, %dma_wait3A_348, %dma_wait3A_349] : memref<4x16x128xf32, #tpu.memory_space<vmem>> -> memref<1x16x128xf32, #tpu.memory_space<vmem>>
        %dma_wait3A_351 = tpu.memref_squeeze %dma_wait3A_350 : memref<1x16x128xf32, #tpu.memory_space<vmem>> -> memref<16x128xf32, #tpu.memory_space<vmem>>
        tpu.wait_dma2 semaphore(%dma_wait3A_344 : memref<!tpu.dma_semaphore, #tpu.memory_space<semaphore_mem>>) src(%dma_wait3A_351 : memref<16x128xf32, #tpu.memory_space<vmem>>) dst(%dma_wait3A_347 : memref<16x128xf32, #tpu.memory_space<hbm>>)
        %dma_wait3A_352 = arith.constant 0 : i32
        %dma_wait3A_353 = arith.constant 0 : i32
        %dma_wait3A_354 = tpu.memref_slice %arg12[%rem3A_257, %dma_wait3A_352, %dma_wait3A_353] : memref<4x16x128xf32, #tpu.memory_space<vmem>> -> memref<1x16x128xf32, #tpu.memory_space<vmem>>
        %dma_wait3A_355 = tpu.memref_squeeze %dma_wait3A_354 : memref<1x16x128xf32, #tpu.memory_space<vmem>> -> memref<16x128xf32, #tpu.memory_space<vmem>>
        %dma_wait3A_356 = arith.constant 0 : i32
        %dma_wait3A_357 = arith.constant 0 : i32
        %dma_wait3A_358 = tpu.memref_slice %arg6[%dma_wait3A_356, %dma_wait3A_357] : memref<12800x128xf32, #tpu.memory_space<hbm>> -> memref<16x128xf32, #tpu.memory_space<hbm>>
        %dma_wait3A_359 = tpu.memref_slice %arg16[%rem3A_257] : memref<4x!tpu.dma_semaphore, #tpu.memory_space<semaphore_mem>> -> memref<1x!tpu.dma_semaphore, #tpu.memory_space<semaphore_mem>>
        %dma_wait3A_360 = tpu.memref_squeeze %dma_wait3A_359 : memref<1x!tpu.dma_semaphore, #tpu.memory_space<semaphore_mem>> -> memref<!tpu.dma_semaphore, #tpu.memory_space<semaphore_mem>>
        %dma_wait3A_361 = arith.constant 0 : i32
        %dma_wait3A_362 = arith.constant 0 : i32
        %dma_wait3A_363 = tpu.memref_slice %arg6[%dma_wait3A_361, %dma_wait3A_362] : memref<12800x128xf32, #tpu.memory_space<hbm>> -> memref<16x128xf32, #tpu.memory_space<hbm>>
        %dma_wait3A_364 = arith.constant 0 : i32
        %dma_wait3A_365 = arith.constant 0 : i32
        %dma_wait3A_366 = tpu.memref_slice %arg12[%rem3A_257, %dma_wait3A_364, %dma_wait3A_365] : memref<4x16x128xf32, #tpu.memory_space<vmem>> -> memref<1x16x128xf32, #tpu.memory_space<vmem>>
        %dma_wait3A_367 = tpu.memref_squeeze %dma_wait3A_366 : memref<1x16x128xf32, #tpu.memory_space<vmem>> -> memref<16x128xf32, #tpu.memory_space<vmem>>
        tpu.wait_dma2 semaphore(%dma_wait3A_360 : memref<!tpu.dma_semaphore, #tpu.memory_space<semaphore_mem>>) src(%dma_wait3A_367 : memref<16x128xf32, #tpu.memory_space<vmem>>) dst(%dma_wait3A_363 : memref<16x128xf32, #tpu.memory_space<hbm>>)
      } else {
      }
      %scan3A_296 = arith.constant 0 : i32
      %scan3A_297 = arith.constant 0 : i32
      %scan3A_298 = arith.constant 128 : i32
      %scan3A_299 = arith.addi %scan3A_297, %scan3A_298 : i32
      %scan3A_300 = arith.constant 1 : i32
      scf.for %scan3A_336 = %scan3A_297 to %scan3A_299 step %scan3A_300  : i32 {
        %jit3A = arith.constant 8 : i32
        %div3A = arith.divsi %scan3A_336, %jit3A : i32
        %sign3A = arith.constant 0 : i32
        %sign3A_337 = arith.cmpi sgt, %scan3A_336, %sign3A : i32
        %sign3A_338 = arith.extui %sign3A_337 : i1 to i32
        %sign3A_339 = arith.constant 0 : i32
        %sign3A_340 = arith.cmpi slt, %scan3A_336, %sign3A_339 : i32
        %sign3A_341 = arith.extui %sign3A_340 : i1 to i32
        %sign3A_342 = arith.subi %sign3A_338, %sign3A_341 : i32
        %sign3A_343 = arith.constant 0 : i32
        %sign3A_344 = arith.cmpi sgt, %jit3A, %sign3A_343 : i32
        %sign3A_345 = arith.extui %sign3A_344 : i1 to i32
        %sign3A_346 = arith.constant 0 : i32
        %sign3A_347 = arith.cmpi slt, %jit3A, %sign3A_346 : i32
        %sign3A_348 = arith.extui %sign3A_347 : i1 to i32
        %sign3A_349 = arith.subi %sign3A_345, %sign3A_348 : i32
        %ne3A = arith.cmpi ne, %sign3A_342, %sign3A_349 : i32
        %rem3A_350 = arith.remsi %scan3A_336, %jit3A : i32
        %ne3A_351 = arith.constant 0 : i32
        %ne3A_352 = arith.cmpi ne, %rem3A_350, %ne3A_351 : i32
        %and3A = arith.andi %ne3A, %ne3A_352 : i1
        %sub3A = arith.constant 1 : i32
        %sub3A_353 = arith.subi %div3A, %sub3A : i32
        %select_n3A = arith.select %and3A, %sub3A_353, %div3A : i32
        %mul3A_354 = arith.constant 8 : i32
        %mul3A_355 = arith.muli %select_n3A, %mul3A_354 : i32
        %sub3A_356 = arith.subi %scan3A_336, %mul3A_355 : i32
        %get3A = arith.index_cast %rem3A_257 : i32 to index
        %get3A_357 = arith.index_cast %scan3A_336 : i32 to index
        %get3A_358 = arith.constant 0 : index
        %get3A_359 = tpu.vector_load %arg9[%get3A, %get3A_357, %get3A_358] {strides = array<i32>} : memref<4x128x16xf32, #tpu.memory_space<vmem>>, vector<1x1x16xf32>,
        %get3A_360 = vector.shape_cast %get3A_359 : vector<1x1x16xf32> to vector<16xf32>
        %mul3A_361 = arith.constant 16 : i32
        %mul3A_362 = arith.muli %sub3A_356, %mul3A_361 : i32
        %swap3A = arith.index_cast %rem3A_257 : i32 to index
        %swap3A_363 = arith.index_cast %select_n3A : i32 to index
        %swap3A_364 = arith.index_cast %mul3A_362 : i32 to index
        %swap3A_365 = tpu.vector_load %arg11[%swap3A, %swap3A_363, %swap3A_364] {strides = array<i32>} : memref<4x16x128xf32, #tpu.memory_space<vmem>>, vector<1x1x16xf32>,
        %swap3A_366 = vector.shape_cast %swap3A_365 : vector<1x1x16xf32> to vector<16xf32>
        %swap3A_367 = vector.shape_cast %get3A_360 : vector<16xf32> to vector<1x1x16xf32>
        tpu.vector_store %arg11[%swap3A, %swap3A_363, %swap3A_364], %swap3A_367 {strides = array<i32>} : memref<4x16x128xf32, #tpu.memory_space<vmem>>, vector<1x1x16xf32>,
        %get3A_368 = arith.index_cast %rem3A_257 : i32 to index
        %get3A_369 = arith.index_cast %scan3A_336 : i32 to index
        %get3A_370 = arith.constant 0 : index
        %get3A_371 = tpu.vector_load %arg10[%get3A_368, %get3A_369, %get3A_370] {strides = array<i32>} : memref<4x128x16xf32, #tpu.memory_space<vmem>>, vector<1x1x16xf32>,
        %get3A_372 = vector.shape_cast %get3A_371 : vector<1x1x16xf32> to vector<16xf32>
        %mul3A_373 = arith.constant 16 : i32
        %mul3A_374 = arith.muli %sub3A_356, %mul3A_373 : i32
        %swap3A_375 = arith.index_cast %rem3A_257 : i32 to index
        %swap3A_376 = arith.index_cast %select_n3A : i32 to index
        %swap3A_377 = arith.index_cast %mul3A_374 : i32 to index
        %swap3A_378 = tpu.vector_load %arg12[%swap3A_375, %swap3A_376, %swap3A_377] {strides = array<i32>} : memref<4x16x128xf32, #tpu.memory_space<vmem>>, vector<1x1x16xf32>,
        %swap3A_379 = vector.shape_cast %swap3A_378 : vector<1x1x16xf32> to vector<16xf32>
        %swap3A_380 = vector.shape_cast %get3A_372 : vector<16xf32> to vector<1x1x16xf32>
        tpu.vector_store %arg12[%swap3A_375, %swap3A_376, %swap3A_377], %swap3A_380 {strides = array<i32>} : memref<4x16x128xf32, #tpu.memory_space<vmem>>, vector<1x1x16xf32>,
      }
      %scan3A_301 = arith.constant 128 : i32
      %dma_start3A_302 = arith.constant 0 : i32
      %dma_start3A_303 = arith.constant 0 : i32
      %dma_start3A_304 = tpu.memref_slice %arg11[%rem3A_257, %dma_start3A_302, %dma_start3A_303] : memref<4x16x128xf32, #tpu.memory_space<vmem>> -> memref<1x16x128xf32, #tpu.memory_space<vmem>>
      %dma_start3A_305 = tpu.memref_squeeze %dma_start3A_304 : memref<1x16x128xf32, #tpu.memory_space<vmem>> -> memref<16x128xf32, #tpu.memory_space<vmem>>
      %dma_start3A_306 = arith.constant 0 : i32
      %dma_start3A_307 = tpu.memref_slice %arg5[%multiple_of3A_261, %dma_start3A_306] : memref<12800x128xf32, #tpu.memory_space<hbm>> -> memref<16x128xf32, #tpu.memory_space<hbm>>
      %dma_start3A_308 = tpu.memref_slice %arg15[%rem3A_257] : memref<4x!tpu.dma_semaphore, #tpu.memory_space<semaphore_mem>> -> memref<1x!tpu.dma_semaphore, #tpu.memory_space<semaphore_mem>>
      %dma_start3A_309 = tpu.memref_squeeze %dma_start3A_308 : memref<1x!tpu.dma_semaphore, #tpu.memory_space<semaphore_mem>> -> memref<!tpu.dma_semaphore, #tpu.memory_space<semaphore_mem>>
      %dma_start3A_310 = arith.constant 0 : i32
      %dma_start3A_311 = tpu.memref_slice %arg5[%multiple_of3A_261, %dma_start3A_310] : memref<12800x128xf32, #tpu.memory_space<hbm>> -> memref<16x128xf32, #tpu.memory_space<hbm>>
      %dma_start3A_312 = arith.constant 0 : i32
      %dma_start3A_313 = arith.constant 0 : i32
      %dma_start3A_314 = tpu.memref_slice %arg11[%rem3A_257, %dma_start3A_312, %dma_start3A_313] : memref<4x16x128xf32, #tpu.memory_space<vmem>> -> memref<1x16x128xf32, #tpu.memory_space<vmem>>
      %dma_start3A_315 = tpu.memref_squeeze %dma_start3A_314 : memref<1x16x128xf32, #tpu.memory_space<vmem>> -> memref<16x128xf32, #tpu.memory_space<vmem>>
      tpu.enqueue_dma source(%dma_start3A_315 : memref<16x128xf32, #tpu.memory_space<vmem>>) target(%dma_start3A_311 : memref<16x128xf32, #tpu.memory_space<hbm>>) target_semaphore(%dma_start3A_309 : memref<!tpu.dma_semaphore, #tpu.memory_space<semaphore_mem>>)
      %dma_start3A_316 = arith.constant 0 : i32
      %dma_start3A_317 = arith.constant 0 : i32
      %dma_start3A_318 = tpu.memref_slice %arg12[%rem3A_257, %dma_start3A_316, %dma_start3A_317] : memref<4x16x128xf32, #tpu.memory_space<vmem>> -> memref<1x16x128xf32, #tpu.memory_space<vmem>>
      %dma_start3A_319 = tpu.memref_squeeze %dma_start3A_318 : memref<1x16x128xf32, #tpu.memory_space<vmem>> -> memref<16x128xf32, #tpu.memory_space<vmem>>
      %dma_start3A_320 = arith.constant 0 : i32
      %dma_start3A_321 = tpu.memref_slice %arg6[%multiple_of3A_261, %dma_start3A_320] : memref<12800x128xf32, #tpu.memory_space<hbm>> -> memref<16x128xf32, #tpu.memory_space<hbm>>
      %dma_start3A_322 = tpu.memref_slice %arg16[%rem3A_257] : memref<4x!tpu.dma_semaphore, #tpu.memory_space<semaphore_mem>> -> memref<1x!tpu.dma_semaphore, #tpu.memory_space<semaphore_mem>>
      %dma_start3A_323 = tpu.memref_squeeze %dma_start3A_322 : memref<1x!tpu.dma_semaphore, #tpu.memory_space<semaphore_mem>> -> memref<!tpu.dma_semaphore, #tpu.memory_space<semaphore_mem>>
      %dma_start3A_324 = arith.constant 0 : i32
      %dma_start3A_325 = tpu.memref_slice %arg6[%multiple_of3A_261, %dma_start3A_324] : memref<12800x128xf32, #tpu.memory_space<hbm>> -> memref<16x128xf32, #tpu.memory_space<hbm>>
      %dma_start3A_326 = arith.constant 0 : i32
      %dma_start3A_327 = arith.constant 0 : i32
      %dma_start3A_328 = tpu.memref_slice %arg12[%rem3A_257, %dma_start3A_326, %dma_start3A_327] : memref<4x16x128xf32, #tpu.memory_space<vmem>> -> memref<1x16x128xf32, #tpu.memory_space<vmem>>
      %dma_start3A_329 = tpu.memref_squeeze %dma_start3A_328 : memref<1x16x128xf32, #tpu.memory_space<vmem>> -> memref<16x128xf32, #tpu.memory_space<vmem>>
      tpu.enqueue_dma source(%dma_start3A_329 : memref<16x128xf32, #tpu.memory_space<vmem>>) target(%dma_start3A_325 : memref<16x128xf32, #tpu.memory_space<hbm>>) target_semaphore(%dma_start3A_323 : memref<!tpu.dma_semaphore, #tpu.memory_space<semaphore_mem>>)
      %add3A_330 = arith.constant 4 : i32
      %add3A_331 = arith.addi %scan3A_256, %add3A_330 : i32
      %lt3A = arith.constant 25 : i32
      %lt3A_332 = arith.cmpi slt, %add3A_331, %lt3A : i32
      %convert_element_type3A_333 = arith.extui %lt3A_332 : i1 to i32
      %cond3A_334 = arith.constant 0 : i32
      %cond3A_335 = arith.cmpi ne, %convert_element_type3A_333, %cond3A_334 : i32
      scf.if %cond3A_335 {
        %add3A_336 = arith.constant 4 : i32
        %add3A_337 = arith.addi %scan3A_256, %add3A_336 : i32
        %mul3A_338 = arith.constant 128 : i32
        %mul3A_339 = arith.muli %add3A_337, %mul3A_338 : i32
        %dma_start3A_340 = arith.constant 0 : i32
        %dma_start3A_341 = arith.constant 0 : i32
        %dma_start3A_342 = tpu.memref_slice %arg9[%rem3A_257, %dma_start3A_340, %dma_start3A_341] : memref<4x128x16xf32, #tpu.memory_space<vmem>> -> memref<1x128x16xf32, #tpu.memory_space<vmem>>
        %dma_start3A_343 = tpu.memref_squeeze %dma_start3A_342 : memref<1x128x16xf32, #tpu.memory_space<vmem>> -> memref<128x16xf32, #tpu.memory_space<vmem>>
        %dma_start3A_344 = tpu.memref_slice %arg7[%mul3A_339] : memref<3200xi32, #tpu.memory_space<vmem>> -> memref<128xi32, #tpu.memory_space<vmem>>
        %dma_start3A_345 = arith.constant 0 : i32
        %dma_start3A_346 = arith.constant 0 : i32
        %dma_start3A_347 = tpu.memref_slice %arg2[%dma_start3A_345, %dma_start3A_346] : memref<800000x16xf32, #tpu.memory_space<hbm>> -> memref<800000x16xf32, #tpu.memory_space<hbm>>
        %dma_start3A_348 = tpu.memref_slice %arg13[%rem3A_257] : memref<4x!tpu.dma_semaphore, #tpu.memory_space<semaphore_mem>> -> memref<1x!tpu.dma_semaphore, #tpu.memory_space<semaphore_mem>>
        %dma_start3A_349 = tpu.memref_squeeze %dma_start3A_348 : memref<1x!tpu.dma_semaphore, #tpu.memory_space<semaphore_mem>> -> memref<!tpu.dma_semaphore, #tpu.memory_space<semaphore_mem>>
        tpu.enqueue_indirect_dma source(%dma_start3A_347 : memref<800000x16xf32, #tpu.memory_space<hbm>>) target(%dma_start3A_343 : memref<128x16xf32, #tpu.memory_space<vmem>>) offsets(%dma_start3A_344 : memref<128xi32, #tpu.memory_space<vmem>>) semaphore(%dma_start3A_349 : memref<!tpu.dma_semaphore, #tpu.memory_space<semaphore_mem>>)
        %mul3A_350 = arith.constant 128 : i32
        %mul3A_351 = arith.muli %add3A_337, %mul3A_350 : i32
        %dma_start3A_352 = arith.constant 0 : i32
        %dma_start3A_353 = arith.constant 0 : i32
        %dma_start3A_354 = tpu.memref_slice %arg10[%rem3A_257, %dma_start3A_352, %dma_start3A_353] : memref<4x128x16xf32, #tpu.memory_space<vmem>> -> memref<1x128x16xf32, #tpu.memory_space<vmem>>
        %dma_start3A_355 = tpu.memref_squeeze %dma_start3A_354 : memref<1x128x16xf32, #tpu.memory_space<vmem>> -> memref<128x16xf32, #tpu.memory_space<vmem>>
        %dma_start3A_356 = tpu.memref_slice %arg8[%mul3A_351] : memref<3200xi32, #tpu.memory_space<vmem>> -> memref<128xi32, #tpu.memory_space<vmem>>
        %dma_start3A_357 = arith.constant 0 : i32
        %dma_start3A_358 = arith.constant 0 : i32
        %dma_start3A_359 = tpu.memref_slice %arg2[%dma_start3A_357, %dma_start3A_358] : memref<800000x16xf32, #tpu.memory_space<hbm>> -> memref<800000x16xf32, #tpu.memory_space<hbm>>
        %dma_start3A_360 = tpu.memref_slice %arg14[%rem3A_257] : memref<4x!tpu.dma_semaphore, #tpu.memory_space<semaphore_mem>> -> memref<1x!tpu.dma_semaphore, #tpu.memory_space<semaphore_mem>>
        %dma_start3A_361 = tpu.memref_squeeze %dma_start3A_360 : memref<1x!tpu.dma_semaphore, #tpu.memory_space<semaphore_mem>> -> memref<!tpu.dma_semaphore, #tpu.memory_space<semaphore_mem>>
        tpu.enqueue_indirect_dma source(%dma_start3A_359 : memref<800000x16xf32, #tpu.memory_space<hbm>>) target(%dma_start3A_355 : memref<128x16xf32, #tpu.memory_space<vmem>>) offsets(%dma_start3A_356 : memref<128xi32, #tpu.memory_space<vmem>>) semaphore(%dma_start3A_361 : memref<!tpu.dma_semaphore, #tpu.memory_space<semaphore_mem>>)
      } else {
      }
    }
    %scan3A_112 = arith.constant 25 : i32
    %dma_wait3A = arith.constant 0 : i32
    %dma_wait3A_113 = arith.constant 0 : i32
    %dma_wait3A_114 = arith.constant 0 : i32
    %dma_wait3A_115 = arith.constant 0 : i32
    %dma_wait3A_116 = tpu.memref_slice %arg11[%dma_wait3A, %dma_wait3A_114, %dma_wait3A_115] : memref<4x16x128xf32, #tpu.memory_space<vmem>> -> memref<1x16x128xf32, #tpu.memory_space<vmem>>
    %dma_wait3A_117 = tpu.memref_squeeze %dma_wait3A_116 : memref<1x16x128xf32, #tpu.memory_space<vmem>> -> memref<16x128xf32, #tpu.memory_space<vmem>>
    %dma_wait3A_118 = arith.constant 0 : i32
    %dma_wait3A_119 = arith.constant 0 : i32
    %dma_wait3A_120 = tpu.memref_slice %arg5[%dma_wait3A_118, %dma_wait3A_119] : memref<12800x128xf32, #tpu.memory_space<hbm>> -> memref<16x128xf32, #tpu.memory_space<hbm>>
    %dma_wait3A_121 = tpu.memref_slice %arg15[%dma_wait3A_113] : memref<4x!tpu.dma_semaphore, #tpu.memory_space<semaphore_mem>> -> memref<1x!tpu.dma_semaphore, #tpu.memory_space<semaphore_mem>>
    %dma_wait3A_122 = tpu.memref_squeeze %dma_wait3A_121 : memref<1x!tpu.dma_semaphore, #tpu.memory_space<semaphore_mem>> -> memref<!tpu.dma_semaphore, #tpu.memory_space<semaphore_mem>>
    %dma_wait3A_123 = arith.constant 0 : i32
    %dma_wait3A_124 = arith.constant 0 : i32
    %dma_wait3A_125 = tpu.memref_slice %arg5[%dma_wait3A_123, %dma_wait3A_124] : memref<12800x128xf32, #tpu.memory_space<hbm>> -> memref<16x128xf32, #tpu.memory_space<hbm>>
    %dma_wait3A_126 = arith.constant 0 : i32
    %dma_wait3A_127 = arith.constant 0 : i32
    %dma_wait3A_128 = tpu.memref_slice %arg11[%dma_wait3A, %dma_wait3A_126, %dma_wait3A_127] : memref<4x16x128xf32, #tpu.memory_space<vmem>> -> memref<1x16x128xf32, #tpu.memory_space<vmem>>
    %dma_wait3A_129 = tpu.memref_squeeze %dma_wait3A_128 : memref<1x16x128xf32, #tpu.memory_space<vmem>> -> memref<16x128xf32, #tpu.memory_space<vmem>>
    tpu.wait_dma2 semaphore(%dma_wait3A_122 : memref<!tpu.dma_semaphore, #tpu.memory_space<semaphore_mem>>) src(%dma_wait3A_129 : memref<16x128xf32, #tpu.memory_space<vmem>>) dst(%dma_wait3A_125 : memref<16x128xf32, #tpu.memory_space<hbm>>)
    %dma_wait3A_130 = arith.constant 0 : i32
    %dma_wait3A_131 = arith.constant 0 : i32
    %dma_wait3A_132 = arith.constant 0 : i32
    %dma_wait3A_133 = arith.constant 0 : i32
    %dma_wait3A_134 = tpu.memref_slice %arg12[%dma_wait3A_130, %dma_wait3A_132, %dma_wait3A_133] : memref<4x16x128xf32, #tpu.memory_space<vmem>> -> memref<1x16x128xf32, #tpu.memory_space<vmem>>
    %dma_wait3A_135 = tpu.memref_squeeze %dma_wait3A_134 : memref<1x16x128xf32, #tpu.memory_space<vmem>> -> memref<16x128xf32, #tpu.memory_space<vmem>>
    %dma_wait3A_136 = arith.constant 0 : i32
    %dma_wait3A_137 = arith.constant 0 : i32
    %dma_wait3A_138 = tpu.memref_slice %arg6[%dma_wait3A_136, %dma_wait3A_137] : memref<12800x128xf32, #tpu.memory_space<hbm>> -> memref<16x128xf32, #tpu.memory_space<hbm>>
    %dma_wait3A_139 = tpu.memref_slice %arg16[%dma_wait3A_131] : memref<4x!tpu.dma_semaphore, #tpu.memory_space<semaphore_mem>> -> memref<1x!tpu.dma_semaphore, #tpu.memory_space<semaphore_mem>>
    %dma_wait3A_140 = tpu.memref_squeeze %dma_wait3A_139 : memref<1x!tpu.dma_semaphore, #tpu.memory_space<semaphore_mem>> -> memref<!tpu.dma_semaphore, #tpu.memory_space<semaphore_mem>>
    %dma_wait3A_141 = arith.constant 0 : i32
    %dma_wait3A_142 = arith.constant 0 : i32
    %dma_wait3A_143 = tpu.memref_slice %arg6[%dma_wait3A_141, %dma_wait3A_142] : memref<12800x128xf32, #tpu.memory_space<hbm>> -> memref<16x128xf32, #tpu.memory_space<hbm>>
    %dma_wait3A_144 = arith.constant 0 : i32
    %dma_wait3A_145 = arith.constant 0 : i32
    %dma_wait3A_146 = tpu.memref_slice %arg12[%dma_wait3A_130, %dma_wait3A_144, %dma_wait3A_145] : memref<4x16x128xf32, #tpu.memory_space<vmem>> -> memref<1x16x128xf32, #tpu.memory_space<vmem>>
    %dma_wait3A_147 = tpu.memref_squeeze %dma_wait3A_146 : memref<1x16x128xf32, #tpu.memory_space<vmem>> -> memref<16x128xf32, #tpu.memory_space<vmem>>
    tpu.wait_dma2 semaphore(%dma_wait3A_140 : memref<!tpu.dma_semaphore, #tpu.memory_space<semaphore_mem>>) src(%dma_wait3A_147 : memref<16x128xf32, #tpu.memory_space<vmem>>) dst(%dma_wait3A_143 : memref<16x128xf32, #tpu.memory_space<hbm>>)
    %dma_wait3A_148 = arith.constant 1 : i32
    %dma_wait3A_149 = arith.constant 1 : i32
    %dma_wait3A_150 = arith.constant 0 : i32
    %dma_wait3A_151 = arith.constant 0 : i32
    %dma_wait3A_152 = tpu.memref_slice %arg11[%dma_wait3A_148, %dma_wait3A_150, %dma_wait3A_151] : memref<4x16x128xf32, #tpu.memory_space<vmem>> -> memref<1x16x128xf32, #tpu.memory_space<vmem>>
    %dma_wait3A_153 = tpu.memref_squeeze %dma_wait3A_152 : memref<1x16x128xf32, #tpu.memory_space<vmem>> -> memref<16x128xf32, #tpu.memory_space<vmem>>
    %dma_wait3A_154 = arith.constant 0 : i32
    %dma_wait3A_155 = arith.constant 0 : i32
    %dma_wait3A_156 = tpu.memref_slice %arg5[%dma_wait3A_154, %dma_wait3A_155] : memref<12800x128xf32, #tpu.memory_space<hbm>> -> memref<16x128xf32, #tpu.memory_space<hbm>>
    %dma_wait3A_157 = tpu.memref_slice %arg15[%dma_wait3A_149] : memref<4x!tpu.dma_semaphore, #tpu.memory_space<semaphore_mem>> -> memref<1x!tpu.dma_semaphore, #tpu.memory_space<semaphore_mem>>
    %dma_wait3A_158 = tpu.memref_squeeze %dma_wait3A_157 : memref<1x!tpu.dma_semaphore, #tpu.memory_space<semaphore_mem>> -> memref<!tpu.dma_semaphore, #tpu.memory_space<semaphore_mem>>
    %dma_wait3A_159 = arith.constant 0 : i32
    %dma_wait3A_160 = arith.constant 0 : i32
    %dma_wait3A_161 = tpu.memref_slice %arg5[%dma_wait3A_159, %dma_wait3A_160] : memref<12800x128xf32, #tpu.memory_space<hbm>> -> memref<16x128xf32, #tpu.memory_space<hbm>>
    %dma_wait3A_162 = arith.constant 0 : i32
    %dma_wait3A_163 = arith.constant 0 : i32
    %dma_wait3A_164 = tpu.memref_slice %arg11[%dma_wait3A_148, %dma_wait3A_162, %dma_wait3A_163] : memref<4x16x128xf32, #tpu.memory_space<vmem>> -> memref<1x16x128xf32, #tpu.memory_space<vmem>>
    %dma_wait3A_165 = tpu.memref_squeeze %dma_wait3A_164 : memref<1x16x128xf32, #tpu.memory_space<vmem>> -> memref<16x128xf32, #tpu.memory_space<vmem>>
    tpu.wait_dma2 semaphore(%dma_wait3A_158 : memref<!tpu.dma_semaphore, #tpu.memory_space<semaphore_mem>>) src(%dma_wait3A_165 : memref<16x128xf32, #tpu.memory_space<vmem>>) dst(%dma_wait3A_161 : memref<16x128xf32, #tpu.memory_space<hbm>>)
    %dma_wait3A_166 = arith.constant 1 : i32
    %dma_wait3A_167 = arith.constant 1 : i32
    %dma_wait3A_168 = arith.constant 0 : i32
    %dma_wait3A_169 = arith.constant 0 : i32
    %dma_wait3A_170 = tpu.memref_slice %arg12[%dma_wait3A_166, %dma_wait3A_168, %dma_wait3A_169] : memref<4x16x128xf32, #tpu.memory_space<vmem>> -> memref<1x16x128xf32, #tpu.memory_space<vmem>>
    %dma_wait3A_171 = tpu.memref_squeeze %dma_wait3A_170 : memref<1x16x128xf32, #tpu.memory_space<vmem>> -> memref<16x128xf32, #tpu.memory_space<vmem>>
    %dma_wait3A_172 = arith.constant 0 : i32
    %dma_wait3A_173 = arith.constant 0 : i32
    %dma_wait3A_174 = tpu.memref_slice %arg6[%dma_wait3A_172, %dma_wait3A_173] : memref<12800x128xf32, #tpu.memory_space<hbm>> -> memref<16x128xf32, #tpu.memory_space<hbm>>
    %dma_wait3A_175 = tpu.memref_slice %arg16[%dma_wait3A_167] : memref<4x!tpu.dma_semaphore, #tpu.memory_space<semaphore_mem>> -> memref<1x!tpu.dma_semaphore, #tpu.memory_space<semaphore_mem>>
    %dma_wait3A_176 = tpu.memref_squeeze %dma_wait3A_175 : memref<1x!tpu.dma_semaphore, #tpu.memory_space<semaphore_mem>> -> memref<!tpu.dma_semaphore, #tpu.memory_space<semaphore_mem>>
    %dma_wait3A_177 = arith.constant 0 : i32
    %dma_wait3A_178 = arith.constant 0 : i32
    %dma_wait3A_179 = tpu.memref_slice %arg6[%dma_wait3A_177, %dma_wait3A_178] : memref<12800x128xf32, #tpu.memory_space<hbm>> -> memref<16x128xf32, #tpu.memory_space<hbm>>
    %dma_wait3A_180 = arith.constant 0 : i32
    %dma_wait3A_181 = arith.constant 0 : i32
    %dma_wait3A_182 = tpu.memref_slice %arg12[%dma_wait3A_166, %dma_wait3A_180, %dma_wait3A_181] : memref<4x16x128xf32, #tpu.memory_space<vmem>> -> memref<1x16x128xf32, #tpu.memory_space<vmem>>
    %dma_wait3A_183 = tpu.memref_squeeze %dma_wait3A_182 : memref<1x16x128xf32, #tpu.memory_space<vmem>> -> memref<16x128xf32, #tpu.memory_space<vmem>>
    tpu.wait_dma2 semaphore(%dma_wait3A_176 : memref<!tpu.dma_semaphore, #tpu.memory_space<semaphore_mem>>) src(%dma_wait3A_183 : memref<16x128xf32, #tpu.memory_space<vmem>>) dst(%dma_wait3A_179 : memref<16x128xf32, #tpu.memory_space<hbm>>)
    %dma_wait3A_184 = arith.constant 2 : i32
    %dma_wait3A_185 = arith.constant 2 : i32
    %dma_wait3A_186 = arith.constant 0 : i32
    %dma_wait3A_187 = arith.constant 0 : i32
    %dma_wait3A_188 = tpu.memref_slice %arg11[%dma_wait3A_184, %dma_wait3A_186, %dma_wait3A_187] : memref<4x16x128xf32, #tpu.memory_space<vmem>> -> memref<1x16x128xf32, #tpu.memory_space<vmem>>
    %dma_wait3A_189 = tpu.memref_squeeze %dma_wait3A_188 : memref<1x16x128xf32, #tpu.memory_space<vmem>> -> memref<16x128xf32, #tpu.memory_space<vmem>>
    %dma_wait3A_190 = arith.constant 0 : i32
    %dma_wait3A_191 = arith.constant 0 : i32
    %dma_wait3A_192 = tpu.memref_slice %arg5[%dma_wait3A_190, %dma_wait3A_191] : memref<12800x128xf32, #tpu.memory_space<hbm>> -> memref<16x128xf32, #tpu.memory_space<hbm>>
    %dma_wait3A_193 = tpu.memref_slice %arg15[%dma_wait3A_185] : memref<4x!tpu.dma_semaphore, #tpu.memory_space<semaphore_mem>> -> memref<1x!tpu.dma_semaphore, #tpu.memory_space<semaphore_mem>>
    %dma_wait3A_194 = tpu.memref_squeeze %dma_wait3A_193 : memref<1x!tpu.dma_semaphore, #tpu.memory_space<semaphore_mem>> -> memref<!tpu.dma_semaphore, #tpu.memory_space<semaphore_mem>>
    %dma_wait3A_195 = arith.constant 0 : i32
    %dma_wait3A_196 = arith.constant 0 : i32
    %dma_wait3A_197 = tpu.memref_slice %arg5[%dma_wait3A_195, %dma_wait3A_196] : memref<12800x128xf32, #tpu.memory_space<hbm>> -> memref<16x128xf32, #tpu.memory_space<hbm>>
    %dma_wait3A_198 = arith.constant 0 : i32
    %dma_wait3A_199 = arith.constant 0 : i32
    %dma_wait3A_200 = tpu.memref_slice %arg11[%dma_wait3A_184, %dma_wait3A_198, %dma_wait3A_199] : memref<4x16x128xf32, #tpu.memory_space<vmem>> -> memref<1x16x128xf32, #tpu.memory_space<vmem>>
    %dma_wait3A_201 = tpu.memref_squeeze %dma_wait3A_200 : memref<1x16x128xf32, #tpu.memory_space<vmem>> -> memref<16x128xf32, #tpu.memory_space<vmem>>
    tpu.wait_dma2 semaphore(%dma_wait3A_194 : memref<!tpu.dma_semaphore, #tpu.memory_space<semaphore_mem>>) src(%dma_wait3A_201 : memref<16x128xf32, #tpu.memory_space<vmem>>) dst(%dma_wait3A_197 : memref<16x128xf32, #tpu.memory_space<hbm>>)
    %dma_wait3A_202 = arith.constant 2 : i32
    %dma_wait3A_203 = arith.constant 2 : i32
    %dma_wait3A_204 = arith.constant 0 : i32
    %dma_wait3A_205 = arith.constant 0 : i32
    %dma_wait3A_206 = tpu.memref_slice %arg12[%dma_wait3A_202, %dma_wait3A_204, %dma_wait3A_205] : memref<4x16x128xf32, #tpu.memory_space<vmem>> -> memref<1x16x128xf32, #tpu.memory_space<vmem>>
    %dma_wait3A_207 = tpu.memref_squeeze %dma_wait3A_206 : memref<1x16x128xf32, #tpu.memory_space<vmem>> -> memref<16x128xf32, #tpu.memory_space<vmem>>
    %dma_wait3A_208 = arith.constant 0 : i32
    %dma_wait3A_209 = arith.constant 0 : i32
    %dma_wait3A_210 = tpu.memref_slice %arg6[%dma_wait3A_208, %dma_wait3A_209] : memref<12800x128xf32, #tpu.memory_space<hbm>> -> memref<16x128xf32, #tpu.memory_space<hbm>>
    %dma_wait3A_211 = tpu.memref_slice %arg16[%dma_wait3A_203] : memref<4x!tpu.dma_semaphore, #tpu.memory_space<semaphore_mem>> -> memref<1x!tpu.dma_semaphore, #tpu.memory_space<semaphore_mem>>
    %dma_wait3A_212 = tpu.memref_squeeze %dma_wait3A_211 : memref<1x!tpu.dma_semaphore, #tpu.memory_space<semaphore_mem>> -> memref<!tpu.dma_semaphore, #tpu.memory_space<semaphore_mem>>
    %dma_wait3A_213 = arith.constant 0 : i32
    %dma_wait3A_214 = arith.constant 0 : i32
    %dma_wait3A_215 = tpu.memref_slice %arg6[%dma_wait3A_213, %dma_wait3A_214] : memref<12800x128xf32, #tpu.memory_space<hbm>> -> memref<16x128xf32, #tpu.memory_space<hbm>>
    %dma_wait3A_216 = arith.constant 0 : i32
    %dma_wait3A_217 = arith.constant 0 : i32
    %dma_wait3A_218 = tpu.memref_slice %arg12[%dma_wait3A_202, %dma_wait3A_216, %dma_wait3A_217] : memref<4x16x128xf32, #tpu.memory_space<vmem>> -> memref<1x16x128xf32, #tpu.memory_space<vmem>>
    %dma_wait3A_219 = tpu.memref_squeeze %dma_wait3A_218 : memref<1x16x128xf32, #tpu.memory_space<vmem>> -> memref<16x128xf32, #tpu.memory_space<vmem>>
    tpu.wait_dma2 semaphore(%dma_wait3A_212 : memref<!tpu.dma_semaphore, #tpu.memory_space<semaphore_mem>>) src(%dma_wait3A_219 : memref<16x128xf32, #tpu.memory_space<vmem>>) dst(%dma_wait3A_215 : memref<16x128xf32, #tpu.memory_space<hbm>>)
    %dma_wait3A_220 = arith.constant 3 : i32
    %dma_wait3A_221 = arith.constant 3 : i32
    %dma_wait3A_222 = arith.constant 0 : i32
    %dma_wait3A_223 = arith.constant 0 : i32
    %dma_wait3A_224 = tpu.memref_slice %arg11[%dma_wait3A_220, %dma_wait3A_222, %dma_wait3A_223] : memref<4x16x128xf32, #tpu.memory_space<vmem>> -> memref<1x16x128xf32, #tpu.memory_space<vmem>>
    %dma_wait3A_225 = tpu.memref_squeeze %dma_wait3A_224 : memref<1x16x128xf32, #tpu.memory_space<vmem>> -> memref<16x128xf32, #tpu.memory_space<vmem>>
    %dma_wait3A_226 = arith.constant 0 : i32
    %dma_wait3A_227 = arith.constant 0 : i32
    %dma_wait3A_228 = tpu.memref_slice %arg5[%dma_wait3A_226, %dma_wait3A_227] : memref<12800x128xf32, #tpu.memory_space<hbm>> -> memref<16x128xf32, #tpu.memory_space<hbm>>
    %dma_wait3A_229 = tpu.memref_slice %arg15[%dma_wait3A_221] : memref<4x!tpu.dma_semaphore, #tpu.memory_space<semaphore_mem>> -> memref<1x!tpu.dma_semaphore, #tpu.memory_space<semaphore_mem>>
    %dma_wait3A_230 = tpu.memref_squeeze %dma_wait3A_229 : memref<1x!tpu.dma_semaphore, #tpu.memory_space<semaphore_mem>> -> memref<!tpu.dma_semaphore, #tpu.memory_space<semaphore_mem>>
    %dma_wait3A_231 = arith.constant 0 : i32
    %dma_wait3A_232 = arith.constant 0 : i32
    %dma_wait3A_233 = tpu.memref_slice %arg5[%dma_wait3A_231, %dma_wait3A_232] : memref<12800x128xf32, #tpu.memory_space<hbm>> -> memref<16x128xf32, #tpu.memory_space<hbm>>
    %dma_wait3A_234 = arith.constant 0 : i32
    %dma_wait3A_235 = arith.constant 0 : i32
    %dma_wait3A_236 = tpu.memref_slice %arg11[%dma_wait3A_220, %dma_wait3A_234, %dma_wait3A_235] : memref<4x16x128xf32, #tpu.memory_space<vmem>> -> memref<1x16x128xf32, #tpu.memory_space<vmem>>
    %dma_wait3A_237 = tpu.memref_squeeze %dma_wait3A_236 : memref<1x16x128xf32, #tpu.memory_space<vmem>> -> memref<16x128xf32, #tpu.memory_space<vmem>>
    tpu.wait_dma2 semaphore(%dma_wait3A_230 : memref<!tpu.dma_semaphore, #tpu.memory_space<semaphore_mem>>) src(%dma_wait3A_237 : memref<16x128xf32, #tpu.memory_space<vmem>>) dst(%dma_wait3A_233 : memref<16x128xf32, #tpu.memory_space<hbm>>)
    %dma_wait3A_238 = arith.constant 3 : i32
    %dma_wait3A_239 = arith.constant 3 : i32
    %dma_wait3A_240 = arith.constant 0 : i32
    %dma_wait3A_241 = arith.constant 0 : i32
    %dma_wait3A_242 = tpu.memref_slice %arg12[%dma_wait3A_238, %dma_wait3A_240, %dma_wait3A_241] : memref<4x16x128xf32, #tpu.memory_space<vmem>> -> memref<1x16x128xf32, #tpu.memory_space<vmem>>
    %dma_wait3A_243 = tpu.memref_squeeze %dma_wait3A_242 : memref<1x16x128xf32, #tpu.memory_space<vmem>> -> memref<16x128xf32, #tpu.memory_space<vmem>>
    %dma_wait3A_244 = arith.constant 0 : i32
    %dma_wait3A_245 = arith.constant 0 : i32
    %dma_wait3A_246 = tpu.memref_slice %arg6[%dma_wait3A_244, %dma_wait3A_245] : memref<12800x128xf32, #tpu.memory_space<hbm>> -> memref<16x128xf32, #tpu.memory_space<hbm>>
    %dma_wait3A_247 = tpu.memref_slice %arg16[%dma_wait3A_239] : memref<4x!tpu.dma_semaphore, #tpu.memory_space<semaphore_mem>> -> memref<1x!tpu.dma_semaphore, #tpu.memory_space<semaphore_mem>>
    %dma_wait3A_248 = tpu.memref_squeeze %dma_wait3A_247 : memref<1x!tpu.dma_semaphore, #tpu.memory_space<semaphore_mem>> -> memref<!tpu.dma_semaphore, #tpu.memory_space<semaphore_mem>>
    %dma_wait3A_249 = arith.constant 0 : i32
    %dma_wait3A_250 = arith.constant 0 : i32
    %dma_wait3A_251 = tpu.memref_slice %arg6[%dma_wait3A_249, %dma_wait3A_250] : memref<12800x128xf32, #tpu.memory_space<hbm>> -> memref<16x128xf32, #tpu.memory_space<hbm>>
    %dma_wait3A_252 = arith.constant 0 : i32
    %dma_wait3A_253 = arith.constant 0 : i32
    %dma_wait3A_254 = tpu.memref_slice %arg12[%dma_wait3A_238, %dma_wait3A_252, %dma_wait3A_253] : memref<4x16x128xf32, #tpu.memory_space<vmem>> -> memref<1x16x128xf32, #tpu.memory_space<vmem>>
    %dma_wait3A_255 = tpu.memref_squeeze %dma_wait3A_254 : memref<1x16x128xf32, #tpu.memory_space<vmem>> -> memref<16x128xf32, #tpu.memory_space<vmem>>
    tpu.wait_dma2 semaphore(%dma_wait3A_248 : memref<!tpu.dma_semaphore, #tpu.memory_space<semaphore_mem>>) src(%dma_wait3A_255 : memref<16x128xf32, #tpu.memory_space<vmem>>) dst(%dma_wait3A_251 : memref<16x128xf32, #tpu.memory_space<hbm>>)
    return
  }
}

module attributes {stable_mosaic.version = 14 : i64} {
  func.func @body(%arg0: i32, %arg1: memref<12800x128xf32, #tpu.memory_space<vmem>>, %arg2: memref<128x128xf32, #tpu.memory_space<vmem>>, %arg3: memref<256x128xf32, #tpu.memory_space<vmem>>, %arg4: memref<128x16xf32, #tpu.memory_space<vmem>>, %arg5: memref<12800x128xf32, #tpu.memory_space<vmem>>, %arg6: memref<128x16xf32, #tpu.memory_space<vmem>>, %arg7: memref<128x16xf32, #tpu.memory_space<vmem>>) attributes {dimension_semantics = [#tpu.dimension_semantics<arbitrary>], iteration_bounds = array<i64: 8>, scalar_prefetch = 0 : i64, scratch_operands = 2 : i64, tpu.core_type = #tpu.core_type<tc>, window_params = [{transform_indices = @transform_0, window_bounds = array<i64: 12800, 128>}, {pipeline_mode = #tpu.pipeline_mode<synchronous>, transform_indices = @transform_1, window_bounds = array<i64: 128, 128>}, {pipeline_mode = #tpu.pipeline_mode<synchronous>, transform_indices = @transform_2, window_bounds = array<i64: 256, 128>}, {pipeline_mode = #tpu.pipeline_mode<synchronous>, transform_indices = @transform_3, window_bounds = array<i64: 128, 16>}, {transform_indices = @transform_4, window_bounds = array<i64: 12800, 128>}]} {
    %eq3A = arith.constant 0 : i32
    %eq3A_0 = arith.cmpi eq, %arg0, %eq3A : i32
    %convert_element_type3A = arith.extui %eq3A_0 : i1 to i32
    %cond3A = arith.constant 0 : i32
    %cond3A_1 = arith.cmpi ne, %convert_element_type3A, %cond3A : i32
    scf.if %cond3A_1 {
      %get3A_16 = arith.constant 0 : index
      %get3A_17 = arith.constant 0 : index
      %get3A_18 = vector.load %arg2[%get3A_16, %get3A_17] : memref<128x128xf32, #tpu.memory_space<vmem>>, vector<128x128xf32>
      %get3A_19 = arith.constant 0 : index
      %get3A_20 = arith.constant 0 : index
      %get3A_21 = vector.load %arg3[%get3A_19, %get3A_20] : memref<256x128xf32, #tpu.memory_space<vmem>>, vector<128x128xf32>
      %dot_general3A_22 = arith.constant dense<0.000000e+00> : vector<128x128xf32>
      %dot_general3A_23 = tpu.matmul %get3A_18, %get3A_21, %dot_general3A_22 {dimension_numbers = #tpu.dot_dimension_numbers<[1], [0], [0], [1], [0, 0, 1, 1], [], []>, transpose_lhs_hint = false} : vector<128x128xf32>, vector<128x128xf32>, vector<128x128xf32> -> vector<128x128xf32>
      %get3A_24 = arith.constant 0 : index
      %get3A_25 = arith.constant 0 : index
      %get3A_26 = vector.load %arg2[%get3A_24, %get3A_25] : memref<128x128xf32, #tpu.memory_space<vmem>>, vector<128x128xf32>
      %get3A_27 = arith.constant 128 : index
      %get3A_28 = arith.constant 0 : index
      %get3A_29 = vector.load %arg3[%get3A_27, %get3A_28] : memref<256x128xf32, #tpu.memory_space<vmem>>, vector<128x128xf32>
      %dot_general3A_30 = arith.constant dense<0.000000e+00> : vector<128x128xf32>
      %dot_general3A_31 = tpu.matmul %get3A_26, %get3A_29, %dot_general3A_30 {dimension_numbers = #tpu.dot_dimension_numbers<[1], [0], [0], [1], [0, 0, 1, 1], [], []>, transpose_lhs_hint = false} : vector<128x128xf32>, vector<128x128xf32>, vector<128x128xf32> -> vector<128x128xf32>
      %get3A_32 = arith.constant 0 : index
      %get3A_33 = arith.constant 0 : index
      %get3A_34 = vector.load %arg4[%get3A_32, %get3A_33] : memref<128x16xf32, #tpu.memory_space<vmem>>, vector<128x16xf32>
      %dot_general3A_35 = arith.constant dense<0.000000e+00> : vector<128x16xf32>
      %dot_general3A_36 = tpu.matmul %dot_general3A_23, %get3A_34, %dot_general3A_35 {dimension_numbers = #tpu.dot_dimension_numbers<[1], [0], [0], [1], [0, 0, 1, 1], [], []>, transpose_lhs_hint = false} : vector<128x128xf32>, vector<128x16xf32>, vector<128x16xf32> -> vector<128x16xf32>
      %swap3A_37 = arith.constant 0 : index
      %swap3A_38 = arith.constant 0 : index
      %swap3A_39 = vector.load %arg6[%swap3A_37, %swap3A_38] : memref<128x16xf32, #tpu.memory_space<vmem>>, vector<128x16xf32>
      tpu.vector_store %arg6[%swap3A_37, %swap3A_38], %dot_general3A_36 {strides = array<i32>} : memref<128x16xf32, #tpu.memory_space<vmem>>, vector<128x16xf32>,
      %get3A_40 = arith.constant 0 : index
      %get3A_41 = arith.constant 0 : index
      %get3A_42 = vector.load %arg4[%get3A_40, %get3A_41] : memref<128x16xf32, #tpu.memory_space<vmem>>, vector<128x16xf32>
      %dot_general3A_43 = arith.constant dense<0.000000e+00> : vector<128x16xf32>
      %dot_general3A_44 = tpu.matmul %dot_general3A_31, %get3A_42, %dot_general3A_43 {dimension_numbers = #tpu.dot_dimension_numbers<[1], [0], [0], [1], [0, 0, 1, 1], [], []>, transpose_lhs_hint = false} : vector<128x128xf32>, vector<128x16xf32>, vector<128x16xf32> -> vector<128x16xf32>
      %swap3A_45 = arith.constant 0 : index
      %swap3A_46 = arith.constant 0 : index
      %swap3A_47 = vector.load %arg7[%swap3A_45, %swap3A_46] : memref<128x16xf32, #tpu.memory_space<vmem>>, vector<128x16xf32>
      tpu.vector_store %arg7[%swap3A_45, %swap3A_46], %dot_general3A_44 {strides = array<i32>} : memref<128x16xf32, #tpu.memory_space<vmem>>, vector<128x16xf32>,
    } else {
    }
    %get3A = arith.constant 0 : index
    %get3A_2 = arith.constant 0 : index
    %get3A_3 = vector.load %arg1[%get3A, %get3A_2] : memref<12800x128xf32, #tpu.memory_space<vmem>>, vector<12800x128xf32>
    %get3A_4 = arith.constant 0 : index
    %get3A_5 = arith.constant 0 : index
    %get3A_6 = vector.load %arg6[%get3A_4, %get3A_5] : memref<128x16xf32, #tpu.memory_space<vmem>>, vector<128x16xf32>
    %dot_general3A = arith.constant dense<0.000000e+00> : vector<12800x16xf32>
    %dot_general3A_7 = tpu.matmul %get3A_3, %get3A_6, %dot_general3A {dimension_numbers = #tpu.dot_dimension_numbers<[1], [0], [0], [1], [0, 0, 1, 1], [], []>, transpose_lhs_hint = false} : vector<12800x128xf32>, vector<128x16xf32>, vector<12800x16xf32> -> vector<12800x16xf32>
    %get3A_8 = arith.constant 0 : index
    %get3A_9 = arith.constant 0 : index
    %get3A_10 = vector.load %arg7[%get3A_8, %get3A_9] : memref<128x16xf32, #tpu.memory_space<vmem>>, vector<128x16xf32>
    %dot_general3A_11 = arith.constant dense<0.000000e+00> : vector<12800x16xf32>
    %dot_general3A_12 = tpu.matmul %get3A_3, %get3A_10, %dot_general3A_11 {dimension_numbers = #tpu.dot_dimension_numbers<[1], [0], [0], [1], [0, 0, 1, 1], [], []>, transpose_lhs_hint = false} : vector<12800x128xf32>, vector<128x16xf32>, vector<12800x16xf32> -> vector<12800x16xf32>
    %broadcast_in_dim3A = arith.constant 0.000000e+00 : f32
    %broadcast_in_dim3A_13 = vector.broadcast %broadcast_in_dim3A : f32 to vector<12800x96xf32>
    %concatenate3A = tpu.concatenate %dot_general3A_7, %dot_general3A_12, %broadcast_in_dim3A_13 in 1 : vector<12800x16xf32>, vector<12800x16xf32>, vector<12800x96xf32> -> vector<12800x128xf32>
    %swap3A = arith.constant 0 : index
    %swap3A_14 = arith.constant 0 : index
    %swap3A_15 = vector.load %arg5[%swap3A, %swap3A_14] : memref<12800x128xf32, #tpu.memory_space<vmem>>, vector<12800x128xf32>
    tpu.vector_store %arg5[%swap3A, %swap3A_14], %concatenate3A {strides = array<i32>} : memref<12800x128xf32, #tpu.memory_space<vmem>>, vector<12800x128xf32>,
    return
  }
  func.func @transform_0(%arg0: i32) -> (i32, i32) {
    %c0_i32 = arith.constant 0 : i32
    %c0_i32_0 = arith.constant 0 : i32
    return %arg0, %c0_i32 : i32, i32
  }
  func.func @transform_1(%arg0: i32) -> (i32, i32) {
    %c0_i32 = arith.constant 0 : i32
    %c0_i32_0 = arith.constant 0 : i32
    %c0_i32_1 = arith.constant 0 : i32
    return %c0_i32, %c0_i32_0 : i32, i32
  }
  func.func @transform_2(%arg0: i32) -> (i32, i32) {
    %c0_i32 = arith.constant 0 : i32
    %c0_i32_0 = arith.constant 0 : i32
    %c0_i32_1 = arith.constant 0 : i32
    return %c0_i32, %c0_i32_0 : i32, i32
  }
  func.func @transform_3(%arg0: i32) -> (i32, i32) {
    %c0_i32 = arith.constant 0 : i32
    %c0_i32_0 = arith.constant 0 : i32
    %c0_i32_1 = arith.constant 0 : i32
    return %c0_i32, %c0_i32_0 : i32, i32
  }
  func.func @transform_4(%arg0: i32) -> (i32, i32) {
    %c0_i32 = arith.constant 0 : i32
    %c0_i32_0 = arith.constant 0 : i32
    return %arg0, %c0_i32 : i32, i32
  }
}

module attributes {stable_mosaic.version = 14 : i64} {
  func.func @body(%arg0: i32, %arg1: memref<2048x128xf32, #tpu.memory_space<vmem>>, %arg2: memref<2048x128xf32, #tpu.memory_space<vmem>>, %arg3: memref<16x16384xf32, #tpu.memory_space<vmem>>, %arg4: memref<128x128xf32, #tpu.memory_space<vmem>>, %arg5: memref<8x128x1024xf32, #tpu.memory_space<vmem>>) attributes {dimension_semantics = [#tpu.dimension_semantics<arbitrary>], iteration_bounds = array<i64: 7>, scalar_prefetch = 0 : i64, scratch_operands = 2 : i64, tpu.core_type = #tpu.core_type<tc>, window_params = [{transform_indices = @transform_0, window_bounds = array<i64: 2048, 128>}, {transform_indices = @transform_1, window_bounds = array<i64: 2048, 128>}, {transform_indices = @transform_2, window_bounds = array<i64: 16, 16384>}]} {
    %eq3A = arith.constant 0 : i32
    %eq3A_0 = arith.cmpi eq, %arg0, %eq3A : i32
    %convert_element_type3A = arith.extui %eq3A_0 : i1 to i32
    %cond3A = arith.constant 0 : i32
    %cond3A_1 = arith.cmpi ne, %convert_element_type3A, %cond3A : i32
    scf.if %cond3A_1 {
      %iota3A = tpu.iota {dimensions = array<i32: 0>} : vector<128x128xi32>
      %jit3A = arith.constant 16 : i32
      %div3A = vector.broadcast %jit3A : i32 to vector<128x128xi32>
      %div3A_666 = arith.divsi %iota3A, %div3A : vector<128x128xi32>
      %sign3A = arith.constant 0 : i32
      %sign3A_667 = vector.broadcast %sign3A : i32 to vector<128x128xi32>
      %sign3A_668 = arith.cmpi sgt, %iota3A, %sign3A_667 : vector<128x128xi32>
      %sign3A_669 = arith.extui %sign3A_668 : vector<128x128xi1> to vector<128x128xi32>
      %sign3A_670 = arith.constant 0 : i32
      %sign3A_671 = vector.broadcast %sign3A_670 : i32 to vector<128x128xi32>
      %sign3A_672 = arith.cmpi slt, %iota3A, %sign3A_671 : vector<128x128xi32>
      %sign3A_673 = arith.extui %sign3A_672 : vector<128x128xi1> to vector<128x128xi32>
      %sign3A_674 = arith.subi %sign3A_669, %sign3A_673 : vector<128x128xi32>
      %sign3A_675 = arith.constant 0 : i32
      %sign3A_676 = arith.cmpi sgt, %jit3A, %sign3A_675 : i32
      %sign3A_677 = arith.extui %sign3A_676 : i1 to i32
      %sign3A_678 = arith.constant 0 : i32
      %sign3A_679 = arith.cmpi slt, %jit3A, %sign3A_678 : i32
      %sign3A_680 = arith.extui %sign3A_679 : i1 to i32
      %sign3A_681 = arith.subi %sign3A_677, %sign3A_680 : i32
      %ne3A = vector.broadcast %sign3A_681 : i32 to vector<128x128xi32>
      %ne3A_682 = arith.cmpi ne, %sign3A_674, %ne3A : vector<128x128xi32>
      %rem3A = vector.broadcast %jit3A : i32 to vector<128x128xi32>
      %rem3A_683 = arith.remsi %iota3A, %rem3A : vector<128x128xi32>
      %ne3A_684 = arith.constant 0 : i32
      %ne3A_685 = vector.broadcast %ne3A_684 : i32 to vector<128x128xi32>
      %ne3A_686 = arith.cmpi ne, %rem3A_683, %ne3A_685 : vector<128x128xi32>
      %and3A = arith.andi %ne3A_682, %ne3A_686 : vector<128x128xi1>
      %sub3A_687 = arith.constant 1 : i32
      %sub3A_688 = vector.broadcast %sub3A_687 : i32 to vector<128x128xi32>
      %sub3A_689 = arith.subi %div3A_666, %sub3A_688 : vector<128x128xi32>
      %select_n3A_690 = arith.select %and3A, %sub3A_689, %div3A_666 : vector<128x128xi1>, vector<128x128xi32>
      %iota3A_691 = tpu.iota {dimensions = array<i32: 1>} : vector<128x128xi32>
      %jit3A_692 = arith.constant 16 : i32
      %div3A_693 = vector.broadcast %jit3A_692 : i32 to vector<128x128xi32>
      %div3A_694 = arith.divsi %iota3A_691, %div3A_693 : vector<128x128xi32>
      %sign3A_695 = arith.constant 0 : i32
      %sign3A_696 = vector.broadcast %sign3A_695 : i32 to vector<128x128xi32>
      %sign3A_697 = arith.cmpi sgt, %iota3A_691, %sign3A_696 : vector<128x128xi32>
      %sign3A_698 = arith.extui %sign3A_697 : vector<128x128xi1> to vector<128x128xi32>
      %sign3A_699 = arith.constant 0 : i32
      %sign3A_700 = vector.broadcast %sign3A_699 : i32 to vector<128x128xi32>
      %sign3A_701 = arith.cmpi slt, %iota3A_691, %sign3A_700 : vector<128x128xi32>
      %sign3A_702 = arith.extui %sign3A_701 : vector<128x128xi1> to vector<128x128xi32>
      %sign3A_703 = arith.subi %sign3A_698, %sign3A_702 : vector<128x128xi32>
      %sign3A_704 = arith.constant 0 : i32
      %sign3A_705 = arith.cmpi sgt, %jit3A_692, %sign3A_704 : i32
      %sign3A_706 = arith.extui %sign3A_705 : i1 to i32
      %sign3A_707 = arith.constant 0 : i32
      %sign3A_708 = arith.cmpi slt, %jit3A_692, %sign3A_707 : i32
      %sign3A_709 = arith.extui %sign3A_708 : i1 to i32
      %sign3A_710 = arith.subi %sign3A_706, %sign3A_709 : i32
      %ne3A_711 = vector.broadcast %sign3A_710 : i32 to vector<128x128xi32>
      %ne3A_712 = arith.cmpi ne, %sign3A_703, %ne3A_711 : vector<128x128xi32>
      %rem3A_713 = vector.broadcast %jit3A_692 : i32 to vector<128x128xi32>
      %rem3A_714 = arith.remsi %iota3A_691, %rem3A_713 : vector<128x128xi32>
      %ne3A_715 = arith.constant 0 : i32
      %ne3A_716 = vector.broadcast %ne3A_715 : i32 to vector<128x128xi32>
      %ne3A_717 = arith.cmpi ne, %rem3A_714, %ne3A_716 : vector<128x128xi32>
      %and3A_718 = arith.andi %ne3A_712, %ne3A_717 : vector<128x128xi1>
      %sub3A_719 = arith.constant 1 : i32
      %sub3A_720 = vector.broadcast %sub3A_719 : i32 to vector<128x128xi32>
      %sub3A_721 = arith.subi %div3A_694, %sub3A_720 : vector<128x128xi32>
      %select_n3A_722 = arith.select %and3A_718, %sub3A_721, %div3A_694 : vector<128x128xi1>, vector<128x128xi32>
      %eq3A_723 = arith.cmpi eq, %select_n3A_690, %select_n3A_722 : vector<128x128xi32>
      %convert_element_type3A_724 = arith.extui %eq3A_723 : vector<128x128xi1> to vector<128x128xi32>
      %convert_element_type3A_725 = arith.sitofp %convert_element_type3A_724 : vector<128x128xi32> to vector<128x128xf32>
      %swap3A_726 = arith.constant 0 : index
      %swap3A_727 = arith.constant 0 : index
      %swap3A_728 = vector.load %arg4[%swap3A_726, %swap3A_727] : memref<128x128xf32, #tpu.memory_space<vmem>>, vector<128x128xf32>
      tpu.vector_store %arg4[%swap3A_726, %swap3A_727], %convert_element_type3A_725 {strides = array<i32>} : memref<128x128xf32, #tpu.memory_space<vmem>>, vector<128x128xf32>,
      %iota3A_729 = tpu.iota {dimensions = array<i32: 0>} : vector<128x1024xi32>
      %iota3A_730 = tpu.iota {dimensions = array<i32: 1>} : vector<128x1024xi32>
      %jit3A_731 = arith.constant 8 : i32
      %div3A_732 = vector.broadcast %jit3A_731 : i32 to vector<128x1024xi32>
      %div3A_733 = arith.divsi %iota3A_730, %div3A_732 : vector<128x1024xi32>
      %sign3A_734 = arith.constant 0 : i32
      %sign3A_735 = vector.broadcast %sign3A_734 : i32 to vector<128x1024xi32>
      %sign3A_736 = arith.cmpi sgt, %iota3A_730, %sign3A_735 : vector<128x1024xi32>
      %sign3A_737 = arith.extui %sign3A_736 : vector<128x1024xi1> to vector<128x1024xi32>
      %sign3A_738 = arith.constant 0 : i32
      %sign3A_739 = vector.broadcast %sign3A_738 : i32 to vector<128x1024xi32>
      %sign3A_740 = arith.cmpi slt, %iota3A_730, %sign3A_739 : vector<128x1024xi32>
      %sign3A_741 = arith.extui %sign3A_740 : vector<128x1024xi1> to vector<128x1024xi32>
      %sign3A_742 = arith.subi %sign3A_737, %sign3A_741 : vector<128x1024xi32>
      %sign3A_743 = arith.constant 0 : i32
      %sign3A_744 = arith.cmpi sgt, %jit3A_731, %sign3A_743 : i32
      %sign3A_745 = arith.extui %sign3A_744 : i1 to i32
      %sign3A_746 = arith.constant 0 : i32
      %sign3A_747 = arith.cmpi slt, %jit3A_731, %sign3A_746 : i32
      %sign3A_748 = arith.extui %sign3A_747 : i1 to i32
      %sign3A_749 = arith.subi %sign3A_745, %sign3A_748 : i32
      %ne3A_750 = vector.broadcast %sign3A_749 : i32 to vector<128x1024xi32>
      %ne3A_751 = arith.cmpi ne, %sign3A_742, %ne3A_750 : vector<128x1024xi32>
      %rem3A_752 = vector.broadcast %jit3A_731 : i32 to vector<128x1024xi32>
      %rem3A_753 = arith.remsi %iota3A_730, %rem3A_752 : vector<128x1024xi32>
      %ne3A_754 = arith.constant 0 : i32
      %ne3A_755 = vector.broadcast %ne3A_754 : i32 to vector<128x1024xi32>
      %ne3A_756 = arith.cmpi ne, %rem3A_753, %ne3A_755 : vector<128x1024xi32>
      %and3A_757 = arith.andi %ne3A_751, %ne3A_756 : vector<128x1024xi1>
      %sub3A_758 = arith.constant 1 : i32
      %sub3A_759 = vector.broadcast %sub3A_758 : i32 to vector<128x1024xi32>
      %sub3A_760 = arith.subi %div3A_733, %sub3A_759 : vector<128x1024xi32>
      %select_n3A_761 = arith.select %and3A_757, %sub3A_760, %div3A_733 : vector<128x1024xi1>, vector<128x1024xi32>
      %eq3A_762 = arith.cmpi eq, %select_n3A_761, %iota3A_729 : vector<128x1024xi32>
      %jit3A_763 = arith.constant 8 : i32
      %eq3A_764 = arith.constant 0 : i32
      %eq3A_765 = arith.cmpi eq, %jit3A_763, %eq3A_764 : i32
      %jit3A_766 = arith.constant 1 : i32
      %select_n3A_767 = arith.select %eq3A_765, %jit3A_766, %jit3A_763 : i32
      %rem3A_768 = vector.broadcast %select_n3A_767 : i32 to vector<128x1024xi32>
      %rem3A_769 = arith.remsi %iota3A_730, %rem3A_768 : vector<128x1024xi32>
      %ne3A_770 = arith.constant 0 : i32
      %ne3A_771 = vector.broadcast %ne3A_770 : i32 to vector<128x1024xi32>
      %ne3A_772 = arith.cmpi ne, %rem3A_769, %ne3A_771 : vector<128x1024xi32>
      %lt3A = arith.constant 0 : i32
      %lt3A_773 = vector.broadcast %lt3A : i32 to vector<128x1024xi32>
      %lt3A_774 = arith.cmpi slt, %rem3A_769, %lt3A_773 : vector<128x1024xi32>
      %lt3A_775 = arith.constant 0 : i32
      %lt3A_776 = arith.cmpi slt, %select_n3A_767, %lt3A_775 : i32
      %ne3A_777 = vector.broadcast %lt3A_776 : i1 to vector<128x1024xi1>
      %ne3A_778 = vector.broadcast %ne3A_777 : vector<128x1024xi1> to vector<128x1024xi1>
      %ne3A_779 = arith.xori %lt3A_774, %ne3A_778 : vector<128x1024xi1>
      %and3A_780 = arith.andi %ne3A_779, %ne3A_772 : vector<128x1024xi1>
      %add3A_781 = vector.broadcast %select_n3A_767 : i32 to vector<128x1024xi32>
      %add3A_782 = arith.addi %rem3A_769, %add3A_781 : vector<128x1024xi32>
      %select_n3A_783 = arith.select %and3A_780, %add3A_782, %rem3A_769 : vector<128x1024xi1>, vector<128x1024xi32>
      %eq3A_784 = arith.constant 0 : i32
      %eq3A_785 = vector.broadcast %eq3A_784 : i32 to vector<128x1024xi32>
      %eq3A_786 = arith.cmpi eq, %select_n3A_783, %eq3A_785 : vector<128x1024xi32>
      %and3A_787 = arith.andi %eq3A_762, %eq3A_786 : vector<128x1024xi1>
      %convert_element_type3A_788 = arith.extui %and3A_787 : vector<128x1024xi1> to vector<128x1024xi32>
      %convert_element_type3A_789 = arith.sitofp %convert_element_type3A_788 : vector<128x1024xi32> to vector<128x1024xf32>
      %swap3A_790 = arith.constant 0 : index
      %swap3A_791 = arith.constant 0 : index
      %swap3A_792 = arith.constant 0 : index
      %swap3A_793 = vector.load %arg5[%swap3A_790, %swap3A_791, %swap3A_792] : memref<8x128x1024xf32, #tpu.memory_space<vmem>>, vector<1x128x1024xf32>
      %swap3A_794 = vector.shape_cast %swap3A_793 : vector<1x128x1024xf32> to vector<128x1024xf32>
      %swap3A_795 = vector.shape_cast %convert_element_type3A_789 : vector<128x1024xf32> to vector<1x128x1024xf32>
      tpu.vector_store %arg5[%swap3A_790, %swap3A_791, %swap3A_792], %swap3A_795 {strides = array<i32>} : memref<8x128x1024xf32, #tpu.memory_space<vmem>>, vector<1x128x1024xf32>,
      %jit3A_796 = arith.constant 8 : i32
      %div3A_797 = vector.broadcast %jit3A_796 : i32 to vector<128x1024xi32>
      %div3A_798 = arith.divsi %iota3A_730, %div3A_797 : vector<128x1024xi32>
      %sign3A_799 = arith.constant 0 : i32
      %sign3A_800 = vector.broadcast %sign3A_799 : i32 to vector<128x1024xi32>
      %sign3A_801 = arith.cmpi sgt, %iota3A_730, %sign3A_800 : vector<128x1024xi32>
      %sign3A_802 = arith.extui %sign3A_801 : vector<128x1024xi1> to vector<128x1024xi32>
      %sign3A_803 = arith.constant 0 : i32
      %sign3A_804 = vector.broadcast %sign3A_803 : i32 to vector<128x1024xi32>
      %sign3A_805 = arith.cmpi slt, %iota3A_730, %sign3A_804 : vector<128x1024xi32>
      %sign3A_806 = arith.extui %sign3A_805 : vector<128x1024xi1> to vector<128x1024xi32>
      %sign3A_807 = arith.subi %sign3A_802, %sign3A_806 : vector<128x1024xi32>
      %sign3A_808 = arith.constant 0 : i32
      %sign3A_809 = arith.cmpi sgt, %jit3A_796, %sign3A_808 : i32
      %sign3A_810 = arith.extui %sign3A_809 : i1 to i32
      %sign3A_811 = arith.constant 0 : i32
      %sign3A_812 = arith.cmpi slt, %jit3A_796, %sign3A_811 : i32
      %sign3A_813 = arith.extui %sign3A_812 : i1 to i32
      %sign3A_814 = arith.subi %sign3A_810, %sign3A_813 : i32
      %ne3A_815 = vector.broadcast %sign3A_814 : i32 to vector<128x1024xi32>
      %ne3A_816 = arith.cmpi ne, %sign3A_807, %ne3A_815 : vector<128x1024xi32>
      %rem3A_817 = vector.broadcast %jit3A_796 : i32 to vector<128x1024xi32>
      %rem3A_818 = arith.remsi %iota3A_730, %rem3A_817 : vector<128x1024xi32>
      %ne3A_819 = arith.constant 0 : i32
      %ne3A_820 = vector.broadcast %ne3A_819 : i32 to vector<128x1024xi32>
      %ne3A_821 = arith.cmpi ne, %rem3A_818, %ne3A_820 : vector<128x1024xi32>
      %and3A_822 = arith.andi %ne3A_816, %ne3A_821 : vector<128x1024xi1>
      %sub3A_823 = arith.constant 1 : i32
      %sub3A_824 = vector.broadcast %sub3A_823 : i32 to vector<128x1024xi32>
      %sub3A_825 = arith.subi %div3A_798, %sub3A_824 : vector<128x1024xi32>
      %select_n3A_826 = arith.select %and3A_822, %sub3A_825, %div3A_798 : vector<128x1024xi1>, vector<128x1024xi32>
      %eq3A_827 = arith.cmpi eq, %select_n3A_826, %iota3A_729 : vector<128x1024xi32>
      %jit3A_828 = arith.constant 8 : i32
      %eq3A_829 = arith.constant 0 : i32
      %eq3A_830 = arith.cmpi eq, %jit3A_828, %eq3A_829 : i32
      %jit3A_831 = arith.constant 1 : i32
      %select_n3A_832 = arith.select %eq3A_830, %jit3A_831, %jit3A_828 : i32
      %rem3A_833 = vector.broadcast %select_n3A_832 : i32 to vector<128x1024xi32>
      %rem3A_834 = arith.remsi %iota3A_730, %rem3A_833 : vector<128x1024xi32>
      %ne3A_835 = arith.constant 0 : i32
      %ne3A_836 = vector.broadcast %ne3A_835 : i32 to vector<128x1024xi32>
      %ne3A_837 = arith.cmpi ne, %rem3A_834, %ne3A_836 : vector<128x1024xi32>
      %lt3A_838 = arith.constant 0 : i32
      %lt3A_839 = vector.broadcast %lt3A_838 : i32 to vector<128x1024xi32>
      %lt3A_840 = arith.cmpi slt, %rem3A_834, %lt3A_839 : vector<128x1024xi32>
      %lt3A_841 = arith.constant 0 : i32
      %lt3A_842 = arith.cmpi slt, %select_n3A_832, %lt3A_841 : i32
      %ne3A_843 = vector.broadcast %lt3A_842 : i1 to vector<128x1024xi1>
      %ne3A_844 = vector.broadcast %ne3A_843 : vector<128x1024xi1> to vector<128x1024xi1>
      %ne3A_845 = arith.xori %lt3A_840, %ne3A_844 : vector<128x1024xi1>
      %and3A_846 = arith.andi %ne3A_845, %ne3A_837 : vector<128x1024xi1>
      %add3A_847 = vector.broadcast %select_n3A_832 : i32 to vector<128x1024xi32>
      %add3A_848 = arith.addi %rem3A_834, %add3A_847 : vector<128x1024xi32>
      %select_n3A_849 = arith.select %and3A_846, %add3A_848, %rem3A_834 : vector<128x1024xi1>, vector<128x1024xi32>
      %eq3A_850 = arith.constant 1 : i32
      %eq3A_851 = vector.broadcast %eq3A_850 : i32 to vector<128x1024xi32>
      %eq3A_852 = arith.cmpi eq, %select_n3A_849, %eq3A_851 : vector<128x1024xi32>
      %and3A_853 = arith.andi %eq3A_827, %eq3A_852 : vector<128x1024xi1>
      %convert_element_type3A_854 = arith.extui %and3A_853 : vector<128x1024xi1> to vector<128x1024xi32>
      %convert_element_type3A_855 = arith.sitofp %convert_element_type3A_854 : vector<128x1024xi32> to vector<128x1024xf32>
      %swap3A_856 = arith.constant 1 : index
      %swap3A_857 = arith.constant 0 : index
      %swap3A_858 = arith.constant 0 : index
      %swap3A_859 = vector.load %arg5[%swap3A_856, %swap3A_857, %swap3A_858] : memref<8x128x1024xf32, #tpu.memory_space<vmem>>, vector<1x128x1024xf32>
      %swap3A_860 = vector.shape_cast %swap3A_859 : vector<1x128x1024xf32> to vector<128x1024xf32>
      %swap3A_861 = vector.shape_cast %convert_element_type3A_855 : vector<128x1024xf32> to vector<1x128x1024xf32>
      tpu.vector_store %arg5[%swap3A_856, %swap3A_857, %swap3A_858], %swap3A_861 {strides = array<i32>} : memref<8x128x1024xf32, #tpu.memory_space<vmem>>, vector<1x128x1024xf32>,
      %jit3A_862 = arith.constant 8 : i32
      %div3A_863 = vector.broadcast %jit3A_862 : i32 to vector<128x1024xi32>
      %div3A_864 = arith.divsi %iota3A_730, %div3A_863 : vector<128x1024xi32>
      %sign3A_865 = arith.constant 0 : i32
      %sign3A_866 = vector.broadcast %sign3A_865 : i32 to vector<128x1024xi32>
      %sign3A_867 = arith.cmpi sgt, %iota3A_730, %sign3A_866 : vector<128x1024xi32>
      %sign3A_868 = arith.extui %sign3A_867 : vector<128x1024xi1> to vector<128x1024xi32>
      %sign3A_869 = arith.constant 0 : i32
      %sign3A_870 = vector.broadcast %sign3A_869 : i32 to vector<128x1024xi32>
      %sign3A_871 = arith.cmpi slt, %iota3A_730, %sign3A_870 : vector<128x1024xi32>
      %sign3A_872 = arith.extui %sign3A_871 : vector<128x1024xi1> to vector<128x1024xi32>
      %sign3A_873 = arith.subi %sign3A_868, %sign3A_872 : vector<128x1024xi32>
      %sign3A_874 = arith.constant 0 : i32
      %sign3A_875 = arith.cmpi sgt, %jit3A_862, %sign3A_874 : i32
      %sign3A_876 = arith.extui %sign3A_875 : i1 to i32
      %sign3A_877 = arith.constant 0 : i32
      %sign3A_878 = arith.cmpi slt, %jit3A_862, %sign3A_877 : i32
      %sign3A_879 = arith.extui %sign3A_878 : i1 to i32
      %sign3A_880 = arith.subi %sign3A_876, %sign3A_879 : i32
      %ne3A_881 = vector.broadcast %sign3A_880 : i32 to vector<128x1024xi32>
      %ne3A_882 = arith.cmpi ne, %sign3A_873, %ne3A_881 : vector<128x1024xi32>
      %rem3A_883 = vector.broadcast %jit3A_862 : i32 to vector<128x1024xi32>
      %rem3A_884 = arith.remsi %iota3A_730, %rem3A_883 : vector<128x1024xi32>
      %ne3A_885 = arith.constant 0 : i32
      %ne3A_886 = vector.broadcast %ne3A_885 : i32 to vector<128x1024xi32>
      %ne3A_887 = arith.cmpi ne, %rem3A_884, %ne3A_886 : vector<128x1024xi32>
      %and3A_888 = arith.andi %ne3A_882, %ne3A_887 : vector<128x1024xi1>
      %sub3A_889 = arith.constant 1 : i32
      %sub3A_890 = vector.broadcast %sub3A_889 : i32 to vector<128x1024xi32>
      %sub3A_891 = arith.subi %div3A_864, %sub3A_890 : vector<128x1024xi32>
      %select_n3A_892 = arith.select %and3A_888, %sub3A_891, %div3A_864 : vector<128x1024xi1>, vector<128x1024xi32>
      %eq3A_893 = arith.cmpi eq, %select_n3A_892, %iota3A_729 : vector<128x1024xi32>
      %jit3A_894 = arith.constant 8 : i32
      %eq3A_895 = arith.constant 0 : i32
      %eq3A_896 = arith.cmpi eq, %jit3A_894, %eq3A_895 : i32
      %jit3A_897 = arith.constant 1 : i32
      %select_n3A_898 = arith.select %eq3A_896, %jit3A_897, %jit3A_894 : i32
      %rem3A_899 = vector.broadcast %select_n3A_898 : i32 to vector<128x1024xi32>
      %rem3A_900 = arith.remsi %iota3A_730, %rem3A_899 : vector<128x1024xi32>
      %ne3A_901 = arith.constant 0 : i32
      %ne3A_902 = vector.broadcast %ne3A_901 : i32 to vector<128x1024xi32>
      %ne3A_903 = arith.cmpi ne, %rem3A_900, %ne3A_902 : vector<128x1024xi32>
      %lt3A_904 = arith.constant 0 : i32
      %lt3A_905 = vector.broadcast %lt3A_904 : i32 to vector<128x1024xi32>
      %lt3A_906 = arith.cmpi slt, %rem3A_900, %lt3A_905 : vector<128x1024xi32>
      %lt3A_907 = arith.constant 0 : i32
      %lt3A_908 = arith.cmpi slt, %select_n3A_898, %lt3A_907 : i32
      %ne3A_909 = vector.broadcast %lt3A_908 : i1 to vector<128x1024xi1>
      %ne3A_910 = vector.broadcast %ne3A_909 : vector<128x1024xi1> to vector<128x1024xi1>
      %ne3A_911 = arith.xori %lt3A_906, %ne3A_910 : vector<128x1024xi1>
      %and3A_912 = arith.andi %ne3A_911, %ne3A_903 : vector<128x1024xi1>
      %add3A_913 = vector.broadcast %select_n3A_898 : i32 to vector<128x1024xi32>
      %add3A_914 = arith.addi %rem3A_900, %add3A_913 : vector<128x1024xi32>
      %select_n3A_915 = arith.select %and3A_912, %add3A_914, %rem3A_900 : vector<128x1024xi1>, vector<128x1024xi32>
      %eq3A_916 = arith.constant 2 : i32
      %eq3A_917 = vector.broadcast %eq3A_916 : i32 to vector<128x1024xi32>
      %eq3A_918 = arith.cmpi eq, %select_n3A_915, %eq3A_917 : vector<128x1024xi32>
      %and3A_919 = arith.andi %eq3A_893, %eq3A_918 : vector<128x1024xi1>
      %convert_element_type3A_920 = arith.extui %and3A_919 : vector<128x1024xi1> to vector<128x1024xi32>
      %convert_element_type3A_921 = arith.sitofp %convert_element_type3A_920 : vector<128x1024xi32> to vector<128x1024xf32>
      %swap3A_922 = arith.constant 2 : index
      %swap3A_923 = arith.constant 0 : index
      %swap3A_924 = arith.constant 0 : index
      %swap3A_925 = vector.load %arg5[%swap3A_922, %swap3A_923, %swap3A_924] : memref<8x128x1024xf32, #tpu.memory_space<vmem>>, vector<1x128x1024xf32>
      %swap3A_926 = vector.shape_cast %swap3A_925 : vector<1x128x1024xf32> to vector<128x1024xf32>
      %swap3A_927 = vector.shape_cast %convert_element_type3A_921 : vector<128x1024xf32> to vector<1x128x1024xf32>
      tpu.vector_store %arg5[%swap3A_922, %swap3A_923, %swap3A_924], %swap3A_927 {strides = array<i32>} : memref<8x128x1024xf32, #tpu.memory_space<vmem>>, vector<1x128x1024xf32>,
      %jit3A_928 = arith.constant 8 : i32
      %div3A_929 = vector.broadcast %jit3A_928 : i32 to vector<128x1024xi32>
      %div3A_930 = arith.divsi %iota3A_730, %div3A_929 : vector<128x1024xi32>
      %sign3A_931 = arith.constant 0 : i32
      %sign3A_932 = vector.broadcast %sign3A_931 : i32 to vector<128x1024xi32>
      %sign3A_933 = arith.cmpi sgt, %iota3A_730, %sign3A_932 : vector<128x1024xi32>
      %sign3A_934 = arith.extui %sign3A_933 : vector<128x1024xi1> to vector<128x1024xi32>
      %sign3A_935 = arith.constant 0 : i32
      %sign3A_936 = vector.broadcast %sign3A_935 : i32 to vector<128x1024xi32>
      %sign3A_937 = arith.cmpi slt, %iota3A_730, %sign3A_936 : vector<128x1024xi32>
      %sign3A_938 = arith.extui %sign3A_937 : vector<128x1024xi1> to vector<128x1024xi32>
      %sign3A_939 = arith.subi %sign3A_934, %sign3A_938 : vector<128x1024xi32>
      %sign3A_940 = arith.constant 0 : i32
      %sign3A_941 = arith.cmpi sgt, %jit3A_928, %sign3A_940 : i32
      %sign3A_942 = arith.extui %sign3A_941 : i1 to i32
      %sign3A_943 = arith.constant 0 : i32
      %sign3A_944 = arith.cmpi slt, %jit3A_928, %sign3A_943 : i32
      %sign3A_945 = arith.extui %sign3A_944 : i1 to i32
      %sign3A_946 = arith.subi %sign3A_942, %sign3A_945 : i32
      %ne3A_947 = vector.broadcast %sign3A_946 : i32 to vector<128x1024xi32>
      %ne3A_948 = arith.cmpi ne, %sign3A_939, %ne3A_947 : vector<128x1024xi32>
      %rem3A_949 = vector.broadcast %jit3A_928 : i32 to vector<128x1024xi32>
      %rem3A_950 = arith.remsi %iota3A_730, %rem3A_949 : vector<128x1024xi32>
      %ne3A_951 = arith.constant 0 : i32
      %ne3A_952 = vector.broadcast %ne3A_951 : i32 to vector<128x1024xi32>
      %ne3A_953 = arith.cmpi ne, %rem3A_950, %ne3A_952 : vector<128x1024xi32>
      %and3A_954 = arith.andi %ne3A_948, %ne3A_953 : vector<128x1024xi1>
      %sub3A_955 = arith.constant 1 : i32
      %sub3A_956 = vector.broadcast %sub3A_955 : i32 to vector<128x1024xi32>
      %sub3A_957 = arith.subi %div3A_930, %sub3A_956 : vector<128x1024xi32>
      %select_n3A_958 = arith.select %and3A_954, %sub3A_957, %div3A_930 : vector<128x1024xi1>, vector<128x1024xi32>
      %eq3A_959 = arith.cmpi eq, %select_n3A_958, %iota3A_729 : vector<128x1024xi32>
      %jit3A_960 = arith.constant 8 : i32
      %eq3A_961 = arith.constant 0 : i32
      %eq3A_962 = arith.cmpi eq, %jit3A_960, %eq3A_961 : i32
      %jit3A_963 = arith.constant 1 : i32
      %select_n3A_964 = arith.select %eq3A_962, %jit3A_963, %jit3A_960 : i32
      %rem3A_965 = vector.broadcast %select_n3A_964 : i32 to vector<128x1024xi32>
      %rem3A_966 = arith.remsi %iota3A_730, %rem3A_965 : vector<128x1024xi32>
      %ne3A_967 = arith.constant 0 : i32
      %ne3A_968 = vector.broadcast %ne3A_967 : i32 to vector<128x1024xi32>
      %ne3A_969 = arith.cmpi ne, %rem3A_966, %ne3A_968 : vector<128x1024xi32>
      %lt3A_970 = arith.constant 0 : i32
      %lt3A_971 = vector.broadcast %lt3A_970 : i32 to vector<128x1024xi32>
      %lt3A_972 = arith.cmpi slt, %rem3A_966, %lt3A_971 : vector<128x1024xi32>
      %lt3A_973 = arith.constant 0 : i32
      %lt3A_974 = arith.cmpi slt, %select_n3A_964, %lt3A_973 : i32
      %ne3A_975 = vector.broadcast %lt3A_974 : i1 to vector<128x1024xi1>
      %ne3A_976 = vector.broadcast %ne3A_975 : vector<128x1024xi1> to vector<128x1024xi1>
      %ne3A_977 = arith.xori %lt3A_972, %ne3A_976 : vector<128x1024xi1>
      %and3A_978 = arith.andi %ne3A_977, %ne3A_969 : vector<128x1024xi1>
      %add3A_979 = vector.broadcast %select_n3A_964 : i32 to vector<128x1024xi32>
      %add3A_980 = arith.addi %rem3A_966, %add3A_979 : vector<128x1024xi32>
      %select_n3A_981 = arith.select %and3A_978, %add3A_980, %rem3A_966 : vector<128x1024xi1>, vector<128x1024xi32>
      %eq3A_982 = arith.constant 3 : i32
      %eq3A_983 = vector.broadcast %eq3A_982 : i32 to vector<128x1024xi32>
      %eq3A_984 = arith.cmpi eq, %select_n3A_981, %eq3A_983 : vector<128x1024xi32>
      %and3A_985 = arith.andi %eq3A_959, %eq3A_984 : vector<128x1024xi1>
      %convert_element_type3A_986 = arith.extui %and3A_985 : vector<128x1024xi1> to vector<128x1024xi32>
      %convert_element_type3A_987 = arith.sitofp %convert_element_type3A_986 : vector<128x1024xi32> to vector<128x1024xf32>
      %swap3A_988 = arith.constant 3 : index
      %swap3A_989 = arith.constant 0 : index
      %swap3A_990 = arith.constant 0 : index
      %swap3A_991 = vector.load %arg5[%swap3A_988, %swap3A_989, %swap3A_990] : memref<8x128x1024xf32, #tpu.memory_space<vmem>>, vector<1x128x1024xf32>
      %swap3A_992 = vector.shape_cast %swap3A_991 : vector<1x128x1024xf32> to vector<128x1024xf32>
      %swap3A_993 = vector.shape_cast %convert_element_type3A_987 : vector<128x1024xf32> to vector<1x128x1024xf32>
      tpu.vector_store %arg5[%swap3A_988, %swap3A_989, %swap3A_990], %swap3A_993 {strides = array<i32>} : memref<8x128x1024xf32, #tpu.memory_space<vmem>>, vector<1x128x1024xf32>,
      %jit3A_994 = arith.constant 8 : i32
      %div3A_995 = vector.broadcast %jit3A_994 : i32 to vector<128x1024xi32>
      %div3A_996 = arith.divsi %iota3A_730, %div3A_995 : vector<128x1024xi32>
      %sign3A_997 = arith.constant 0 : i32
      %sign3A_998 = vector.broadcast %sign3A_997 : i32 to vector<128x1024xi32>
      %sign3A_999 = arith.cmpi sgt, %iota3A_730, %sign3A_998 : vector<128x1024xi32>
      %sign3A_1000 = arith.extui %sign3A_999 : vector<128x1024xi1> to vector<128x1024xi32>
      %sign3A_1001 = arith.constant 0 : i32
      %sign3A_1002 = vector.broadcast %sign3A_1001 : i32 to vector<128x1024xi32>
      %sign3A_1003 = arith.cmpi slt, %iota3A_730, %sign3A_1002 : vector<128x1024xi32>
      %sign3A_1004 = arith.extui %sign3A_1003 : vector<128x1024xi1> to vector<128x1024xi32>
      %sign3A_1005 = arith.subi %sign3A_1000, %sign3A_1004 : vector<128x1024xi32>
      %sign3A_1006 = arith.constant 0 : i32
      %sign3A_1007 = arith.cmpi sgt, %jit3A_994, %sign3A_1006 : i32
      %sign3A_1008 = arith.extui %sign3A_1007 : i1 to i32
      %sign3A_1009 = arith.constant 0 : i32
      %sign3A_1010 = arith.cmpi slt, %jit3A_994, %sign3A_1009 : i32
      %sign3A_1011 = arith.extui %sign3A_1010 : i1 to i32
      %sign3A_1012 = arith.subi %sign3A_1008, %sign3A_1011 : i32
      %ne3A_1013 = vector.broadcast %sign3A_1012 : i32 to vector<128x1024xi32>
      %ne3A_1014 = arith.cmpi ne, %sign3A_1005, %ne3A_1013 : vector<128x1024xi32>
      %rem3A_1015 = vector.broadcast %jit3A_994 : i32 to vector<128x1024xi32>
      %rem3A_1016 = arith.remsi %iota3A_730, %rem3A_1015 : vector<128x1024xi32>
      %ne3A_1017 = arith.constant 0 : i32
      %ne3A_1018 = vector.broadcast %ne3A_1017 : i32 to vector<128x1024xi32>
      %ne3A_1019 = arith.cmpi ne, %rem3A_1016, %ne3A_1018 : vector<128x1024xi32>
      %and3A_1020 = arith.andi %ne3A_1014, %ne3A_1019 : vector<128x1024xi1>
      %sub3A_1021 = arith.constant 1 : i32
      %sub3A_1022 = vector.broadcast %sub3A_1021 : i32 to vector<128x1024xi32>
      %sub3A_1023 = arith.subi %div3A_996, %sub3A_1022 : vector<128x1024xi32>
      %select_n3A_1024 = arith.select %and3A_1020, %sub3A_1023, %div3A_996 : vector<128x1024xi1>, vector<128x1024xi32>
      %eq3A_1025 = arith.cmpi eq, %select_n3A_1024, %iota3A_729 : vector<128x1024xi32>
      %jit3A_1026 = arith.constant 8 : i32
      %eq3A_1027 = arith.constant 0 : i32
      %eq3A_1028 = arith.cmpi eq, %jit3A_1026, %eq3A_1027 : i32
      %jit3A_1029 = arith.constant 1 : i32
      %select_n3A_1030 = arith.select %eq3A_1028, %jit3A_1029, %jit3A_1026 : i32
      %rem3A_1031 = vector.broadcast %select_n3A_1030 : i32 to vector<128x1024xi32>
      %rem3A_1032 = arith.remsi %iota3A_730, %rem3A_1031 : vector<128x1024xi32>
      %ne3A_1033 = arith.constant 0 : i32
      %ne3A_1034 = vector.broadcast %ne3A_1033 : i32 to vector<128x1024xi32>
      %ne3A_1035 = arith.cmpi ne, %rem3A_1032, %ne3A_1034 : vector<128x1024xi32>
      %lt3A_1036 = arith.constant 0 : i32
      %lt3A_1037 = vector.broadcast %lt3A_1036 : i32 to vector<128x1024xi32>
      %lt3A_1038 = arith.cmpi slt, %rem3A_1032, %lt3A_1037 : vector<128x1024xi32>
      %lt3A_1039 = arith.constant 0 : i32
      %lt3A_1040 = arith.cmpi slt, %select_n3A_1030, %lt3A_1039 : i32
      %ne3A_1041 = vector.broadcast %lt3A_1040 : i1 to vector<128x1024xi1>
      %ne3A_1042 = vector.broadcast %ne3A_1041 : vector<128x1024xi1> to vector<128x1024xi1>
      %ne3A_1043 = arith.xori %lt3A_1038, %ne3A_1042 : vector<128x1024xi1>
      %and3A_1044 = arith.andi %ne3A_1043, %ne3A_1035 : vector<128x1024xi1>
      %add3A_1045 = vector.broadcast %select_n3A_1030 : i32 to vector<128x1024xi32>
      %add3A_1046 = arith.addi %rem3A_1032, %add3A_1045 : vector<128x1024xi32>
      %select_n3A_1047 = arith.select %and3A_1044, %add3A_1046, %rem3A_1032 : vector<128x1024xi1>, vector<128x1024xi32>
      %eq3A_1048 = arith.constant 4 : i32
      %eq3A_1049 = vector.broadcast %eq3A_1048 : i32 to vector<128x1024xi32>
      %eq3A_1050 = arith.cmpi eq, %select_n3A_1047, %eq3A_1049 : vector<128x1024xi32>
      %and3A_1051 = arith.andi %eq3A_1025, %eq3A_1050 : vector<128x1024xi1>
      %convert_element_type3A_1052 = arith.extui %and3A_1051 : vector<128x1024xi1> to vector<128x1024xi32>
      %convert_element_type3A_1053 = arith.sitofp %convert_element_type3A_1052 : vector<128x1024xi32> to vector<128x1024xf32>
      %swap3A_1054 = arith.constant 4 : index
      %swap3A_1055 = arith.constant 0 : index
      %swap3A_1056 = arith.constant 0 : index
      %swap3A_1057 = vector.load %arg5[%swap3A_1054, %swap3A_1055, %swap3A_1056] : memref<8x128x1024xf32, #tpu.memory_space<vmem>>, vector<1x128x1024xf32>
      %swap3A_1058 = vector.shape_cast %swap3A_1057 : vector<1x128x1024xf32> to vector<128x1024xf32>
      %swap3A_1059 = vector.shape_cast %convert_element_type3A_1053 : vector<128x1024xf32> to vector<1x128x1024xf32>
      tpu.vector_store %arg5[%swap3A_1054, %swap3A_1055, %swap3A_1056], %swap3A_1059 {strides = array<i32>} : memref<8x128x1024xf32, #tpu.memory_space<vmem>>, vector<1x128x1024xf32>,
      %jit3A_1060 = arith.constant 8 : i32
      %div3A_1061 = vector.broadcast %jit3A_1060 : i32 to vector<128x1024xi32>
      %div3A_1062 = arith.divsi %iota3A_730, %div3A_1061 : vector<128x1024xi32>
      %sign3A_1063 = arith.constant 0 : i32
      %sign3A_1064 = vector.broadcast %sign3A_1063 : i32 to vector<128x1024xi32>
      %sign3A_1065 = arith.cmpi sgt, %iota3A_730, %sign3A_1064 : vector<128x1024xi32>
      %sign3A_1066 = arith.extui %sign3A_1065 : vector<128x1024xi1> to vector<128x1024xi32>
      %sign3A_1067 = arith.constant 0 : i32
      %sign3A_1068 = vector.broadcast %sign3A_1067 : i32 to vector<128x1024xi32>
      %sign3A_1069 = arith.cmpi slt, %iota3A_730, %sign3A_1068 : vector<128x1024xi32>
      %sign3A_1070 = arith.extui %sign3A_1069 : vector<128x1024xi1> to vector<128x1024xi32>
      %sign3A_1071 = arith.subi %sign3A_1066, %sign3A_1070 : vector<128x1024xi32>
      %sign3A_1072 = arith.constant 0 : i32
      %sign3A_1073 = arith.cmpi sgt, %jit3A_1060, %sign3A_1072 : i32
      %sign3A_1074 = arith.extui %sign3A_1073 : i1 to i32
      %sign3A_1075 = arith.constant 0 : i32
      %sign3A_1076 = arith.cmpi slt, %jit3A_1060, %sign3A_1075 : i32
      %sign3A_1077 = arith.extui %sign3A_1076 : i1 to i32
      %sign3A_1078 = arith.subi %sign3A_1074, %sign3A_1077 : i32
      %ne3A_1079 = vector.broadcast %sign3A_1078 : i32 to vector<128x1024xi32>
      %ne3A_1080 = arith.cmpi ne, %sign3A_1071, %ne3A_1079 : vector<128x1024xi32>
      %rem3A_1081 = vector.broadcast %jit3A_1060 : i32 to vector<128x1024xi32>
      %rem3A_1082 = arith.remsi %iota3A_730, %rem3A_1081 : vector<128x1024xi32>
      %ne3A_1083 = arith.constant 0 : i32
      %ne3A_1084 = vector.broadcast %ne3A_1083 : i32 to vector<128x1024xi32>
      %ne3A_1085 = arith.cmpi ne, %rem3A_1082, %ne3A_1084 : vector<128x1024xi32>
      %and3A_1086 = arith.andi %ne3A_1080, %ne3A_1085 : vector<128x1024xi1>
      %sub3A_1087 = arith.constant 1 : i32
      %sub3A_1088 = vector.broadcast %sub3A_1087 : i32 to vector<128x1024xi32>
      %sub3A_1089 = arith.subi %div3A_1062, %sub3A_1088 : vector<128x1024xi32>
      %select_n3A_1090 = arith.select %and3A_1086, %sub3A_1089, %div3A_1062 : vector<128x1024xi1>, vector<128x1024xi32>
      %eq3A_1091 = arith.cmpi eq, %select_n3A_1090, %iota3A_729 : vector<128x1024xi32>
      %jit3A_1092 = arith.constant 8 : i32
      %eq3A_1093 = arith.constant 0 : i32
      %eq3A_1094 = arith.cmpi eq, %jit3A_1092, %eq3A_1093 : i32
      %jit3A_1095 = arith.constant 1 : i32
      %select_n3A_1096 = arith.select %eq3A_1094, %jit3A_1095, %jit3A_1092 : i32
      %rem3A_1097 = vector.broadcast %select_n3A_1096 : i32 to vector<128x1024xi32>
      %rem3A_1098 = arith.remsi %iota3A_730, %rem3A_1097 : vector<128x1024xi32>
      %ne3A_1099 = arith.constant 0 : i32
      %ne3A_1100 = vector.broadcast %ne3A_1099 : i32 to vector<128x1024xi32>
      %ne3A_1101 = arith.cmpi ne, %rem3A_1098, %ne3A_1100 : vector<128x1024xi32>
      %lt3A_1102 = arith.constant 0 : i32
      %lt3A_1103 = vector.broadcast %lt3A_1102 : i32 to vector<128x1024xi32>
      %lt3A_1104 = arith.cmpi slt, %rem3A_1098, %lt3A_1103 : vector<128x1024xi32>
      %lt3A_1105 = arith.constant 0 : i32
      %lt3A_1106 = arith.cmpi slt, %select_n3A_1096, %lt3A_1105 : i32
      %ne3A_1107 = vector.broadcast %lt3A_1106 : i1 to vector<128x1024xi1>
      %ne3A_1108 = vector.broadcast %ne3A_1107 : vector<128x1024xi1> to vector<128x1024xi1>
      %ne3A_1109 = arith.xori %lt3A_1104, %ne3A_1108 : vector<128x1024xi1>
      %and3A_1110 = arith.andi %ne3A_1109, %ne3A_1101 : vector<128x1024xi1>
      %add3A_1111 = vector.broadcast %select_n3A_1096 : i32 to vector<128x1024xi32>
      %add3A_1112 = arith.addi %rem3A_1098, %add3A_1111 : vector<128x1024xi32>
      %select_n3A_1113 = arith.select %and3A_1110, %add3A_1112, %rem3A_1098 : vector<128x1024xi1>, vector<128x1024xi32>
      %eq3A_1114 = arith.constant 5 : i32
      %eq3A_1115 = vector.broadcast %eq3A_1114 : i32 to vector<128x1024xi32>
      %eq3A_1116 = arith.cmpi eq, %select_n3A_1113, %eq3A_1115 : vector<128x1024xi32>
      %and3A_1117 = arith.andi %eq3A_1091, %eq3A_1116 : vector<128x1024xi1>
      %convert_element_type3A_1118 = arith.extui %and3A_1117 : vector<128x1024xi1> to vector<128x1024xi32>
      %convert_element_type3A_1119 = arith.sitofp %convert_element_type3A_1118 : vector<128x1024xi32> to vector<128x1024xf32>
      %swap3A_1120 = arith.constant 5 : index
      %swap3A_1121 = arith.constant 0 : index
      %swap3A_1122 = arith.constant 0 : index
      %swap3A_1123 = vector.load %arg5[%swap3A_1120, %swap3A_1121, %swap3A_1122] : memref<8x128x1024xf32, #tpu.memory_space<vmem>>, vector<1x128x1024xf32>
      %swap3A_1124 = vector.shape_cast %swap3A_1123 : vector<1x128x1024xf32> to vector<128x1024xf32>
      %swap3A_1125 = vector.shape_cast %convert_element_type3A_1119 : vector<128x1024xf32> to vector<1x128x1024xf32>
      tpu.vector_store %arg5[%swap3A_1120, %swap3A_1121, %swap3A_1122], %swap3A_1125 {strides = array<i32>} : memref<8x128x1024xf32, #tpu.memory_space<vmem>>, vector<1x128x1024xf32>,
      %jit3A_1126 = arith.constant 8 : i32
      %div3A_1127 = vector.broadcast %jit3A_1126 : i32 to vector<128x1024xi32>
      %div3A_1128 = arith.divsi %iota3A_730, %div3A_1127 : vector<128x1024xi32>
      %sign3A_1129 = arith.constant 0 : i32
      %sign3A_1130 = vector.broadcast %sign3A_1129 : i32 to vector<128x1024xi32>
      %sign3A_1131 = arith.cmpi sgt, %iota3A_730, %sign3A_1130 : vector<128x1024xi32>
      %sign3A_1132 = arith.extui %sign3A_1131 : vector<128x1024xi1> to vector<128x1024xi32>
      %sign3A_1133 = arith.constant 0 : i32
      %sign3A_1134 = vector.broadcast %sign3A_1133 : i32 to vector<128x1024xi32>
      %sign3A_1135 = arith.cmpi slt, %iota3A_730, %sign3A_1134 : vector<128x1024xi32>
      %sign3A_1136 = arith.extui %sign3A_1135 : vector<128x1024xi1> to vector<128x1024xi32>
      %sign3A_1137 = arith.subi %sign3A_1132, %sign3A_1136 : vector<128x1024xi32>
      %sign3A_1138 = arith.constant 0 : i32
      %sign3A_1139 = arith.cmpi sgt, %jit3A_1126, %sign3A_1138 : i32
      %sign3A_1140 = arith.extui %sign3A_1139 : i1 to i32
      %sign3A_1141 = arith.constant 0 : i32
      %sign3A_1142 = arith.cmpi slt, %jit3A_1126, %sign3A_1141 : i32
      %sign3A_1143 = arith.extui %sign3A_1142 : i1 to i32
      %sign3A_1144 = arith.subi %sign3A_1140, %sign3A_1143 : i32
      %ne3A_1145 = vector.broadcast %sign3A_1144 : i32 to vector<128x1024xi32>
      %ne3A_1146 = arith.cmpi ne, %sign3A_1137, %ne3A_1145 : vector<128x1024xi32>
      %rem3A_1147 = vector.broadcast %jit3A_1126 : i32 to vector<128x1024xi32>
      %rem3A_1148 = arith.remsi %iota3A_730, %rem3A_1147 : vector<128x1024xi32>
      %ne3A_1149 = arith.constant 0 : i32
      %ne3A_1150 = vector.broadcast %ne3A_1149 : i32 to vector<128x1024xi32>
      %ne3A_1151 = arith.cmpi ne, %rem3A_1148, %ne3A_1150 : vector<128x1024xi32>
      %and3A_1152 = arith.andi %ne3A_1146, %ne3A_1151 : vector<128x1024xi1>
      %sub3A_1153 = arith.constant 1 : i32
      %sub3A_1154 = vector.broadcast %sub3A_1153 : i32 to vector<128x1024xi32>
      %sub3A_1155 = arith.subi %div3A_1128, %sub3A_1154 : vector<128x1024xi32>
      %select_n3A_1156 = arith.select %and3A_1152, %sub3A_1155, %div3A_1128 : vector<128x1024xi1>, vector<128x1024xi32>
      %eq3A_1157 = arith.cmpi eq, %select_n3A_1156, %iota3A_729 : vector<128x1024xi32>
      %jit3A_1158 = arith.constant 8 : i32
      %eq3A_1159 = arith.constant 0 : i32
      %eq3A_1160 = arith.cmpi eq, %jit3A_1158, %eq3A_1159 : i32
      %jit3A_1161 = arith.constant 1 : i32
      %select_n3A_1162 = arith.select %eq3A_1160, %jit3A_1161, %jit3A_1158 : i32
      %rem3A_1163 = vector.broadcast %select_n3A_1162 : i32 to vector<128x1024xi32>
      %rem3A_1164 = arith.remsi %iota3A_730, %rem3A_1163 : vector<128x1024xi32>
      %ne3A_1165 = arith.constant 0 : i32
      %ne3A_1166 = vector.broadcast %ne3A_1165 : i32 to vector<128x1024xi32>
      %ne3A_1167 = arith.cmpi ne, %rem3A_1164, %ne3A_1166 : vector<128x1024xi32>
      %lt3A_1168 = arith.constant 0 : i32
      %lt3A_1169 = vector.broadcast %lt3A_1168 : i32 to vector<128x1024xi32>
      %lt3A_1170 = arith.cmpi slt, %rem3A_1164, %lt3A_1169 : vector<128x1024xi32>
      %lt3A_1171 = arith.constant 0 : i32
      %lt3A_1172 = arith.cmpi slt, %select_n3A_1162, %lt3A_1171 : i32
      %ne3A_1173 = vector.broadcast %lt3A_1172 : i1 to vector<128x1024xi1>
      %ne3A_1174 = vector.broadcast %ne3A_1173 : vector<128x1024xi1> to vector<128x1024xi1>
      %ne3A_1175 = arith.xori %lt3A_1170, %ne3A_1174 : vector<128x1024xi1>
      %and3A_1176 = arith.andi %ne3A_1175, %ne3A_1167 : vector<128x1024xi1>
      %add3A_1177 = vector.broadcast %select_n3A_1162 : i32 to vector<128x1024xi32>
      %add3A_1178 = arith.addi %rem3A_1164, %add3A_1177 : vector<128x1024xi32>
      %select_n3A_1179 = arith.select %and3A_1176, %add3A_1178, %rem3A_1164 : vector<128x1024xi1>, vector<128x1024xi32>
      %eq3A_1180 = arith.constant 6 : i32
      %eq3A_1181 = vector.broadcast %eq3A_1180 : i32 to vector<128x1024xi32>
      %eq3A_1182 = arith.cmpi eq, %select_n3A_1179, %eq3A_1181 : vector<128x1024xi32>
      %and3A_1183 = arith.andi %eq3A_1157, %eq3A_1182 : vector<128x1024xi1>
      %convert_element_type3A_1184 = arith.extui %and3A_1183 : vector<128x1024xi1> to vector<128x1024xi32>
      %convert_element_type3A_1185 = arith.sitofp %convert_element_type3A_1184 : vector<128x1024xi32> to vector<128x1024xf32>
      %swap3A_1186 = arith.constant 6 : index
      %swap3A_1187 = arith.constant 0 : index
      %swap3A_1188 = arith.constant 0 : index
      %swap3A_1189 = vector.load %arg5[%swap3A_1186, %swap3A_1187, %swap3A_1188] : memref<8x128x1024xf32, #tpu.memory_space<vmem>>, vector<1x128x1024xf32>
      %swap3A_1190 = vector.shape_cast %swap3A_1189 : vector<1x128x1024xf32> to vector<128x1024xf32>
      %swap3A_1191 = vector.shape_cast %convert_element_type3A_1185 : vector<128x1024xf32> to vector<1x128x1024xf32>
      tpu.vector_store %arg5[%swap3A_1186, %swap3A_1187, %swap3A_1188], %swap3A_1191 {strides = array<i32>} : memref<8x128x1024xf32, #tpu.memory_space<vmem>>, vector<1x128x1024xf32>,
      %jit3A_1192 = arith.constant 8 : i32
      %div3A_1193 = vector.broadcast %jit3A_1192 : i32 to vector<128x1024xi32>
      %div3A_1194 = arith.divsi %iota3A_730, %div3A_1193 : vector<128x1024xi32>
      %sign3A_1195 = arith.constant 0 : i32
      %sign3A_1196 = vector.broadcast %sign3A_1195 : i32 to vector<128x1024xi32>
      %sign3A_1197 = arith.cmpi sgt, %iota3A_730, %sign3A_1196 : vector<128x1024xi32>
      %sign3A_1198 = arith.extui %sign3A_1197 : vector<128x1024xi1> to vector<128x1024xi32>
      %sign3A_1199 = arith.constant 0 : i32
      %sign3A_1200 = vector.broadcast %sign3A_1199 : i32 to vector<128x1024xi32>
      %sign3A_1201 = arith.cmpi slt, %iota3A_730, %sign3A_1200 : vector<128x1024xi32>
      %sign3A_1202 = arith.extui %sign3A_1201 : vector<128x1024xi1> to vector<128x1024xi32>
      %sign3A_1203 = arith.subi %sign3A_1198, %sign3A_1202 : vector<128x1024xi32>
      %sign3A_1204 = arith.constant 0 : i32
      %sign3A_1205 = arith.cmpi sgt, %jit3A_1192, %sign3A_1204 : i32
      %sign3A_1206 = arith.extui %sign3A_1205 : i1 to i32
      %sign3A_1207 = arith.constant 0 : i32
      %sign3A_1208 = arith.cmpi slt, %jit3A_1192, %sign3A_1207 : i32
      %sign3A_1209 = arith.extui %sign3A_1208 : i1 to i32
      %sign3A_1210 = arith.subi %sign3A_1206, %sign3A_1209 : i32
      %ne3A_1211 = vector.broadcast %sign3A_1210 : i32 to vector<128x1024xi32>
      %ne3A_1212 = arith.cmpi ne, %sign3A_1203, %ne3A_1211 : vector<128x1024xi32>
      %rem3A_1213 = vector.broadcast %jit3A_1192 : i32 to vector<128x1024xi32>
      %rem3A_1214 = arith.remsi %iota3A_730, %rem3A_1213 : vector<128x1024xi32>
      %ne3A_1215 = arith.constant 0 : i32
      %ne3A_1216 = vector.broadcast %ne3A_1215 : i32 to vector<128x1024xi32>
      %ne3A_1217 = arith.cmpi ne, %rem3A_1214, %ne3A_1216 : vector<128x1024xi32>
      %and3A_1218 = arith.andi %ne3A_1212, %ne3A_1217 : vector<128x1024xi1>
      %sub3A_1219 = arith.constant 1 : i32
      %sub3A_1220 = vector.broadcast %sub3A_1219 : i32 to vector<128x1024xi32>
      %sub3A_1221 = arith.subi %div3A_1194, %sub3A_1220 : vector<128x1024xi32>
      %select_n3A_1222 = arith.select %and3A_1218, %sub3A_1221, %div3A_1194 : vector<128x1024xi1>, vector<128x1024xi32>
      %eq3A_1223 = arith.cmpi eq, %select_n3A_1222, %iota3A_729 : vector<128x1024xi32>
      %jit3A_1224 = arith.constant 8 : i32
      %eq3A_1225 = arith.constant 0 : i32
      %eq3A_1226 = arith.cmpi eq, %jit3A_1224, %eq3A_1225 : i32
      %jit3A_1227 = arith.constant 1 : i32
      %select_n3A_1228 = arith.select %eq3A_1226, %jit3A_1227, %jit3A_1224 : i32
      %rem3A_1229 = vector.broadcast %select_n3A_1228 : i32 to vector<128x1024xi32>
      %rem3A_1230 = arith.remsi %iota3A_730, %rem3A_1229 : vector<128x1024xi32>
      %ne3A_1231 = arith.constant 0 : i32
      %ne3A_1232 = vector.broadcast %ne3A_1231 : i32 to vector<128x1024xi32>
      %ne3A_1233 = arith.cmpi ne, %rem3A_1230, %ne3A_1232 : vector<128x1024xi32>
      %lt3A_1234 = arith.constant 0 : i32
      %lt3A_1235 = vector.broadcast %lt3A_1234 : i32 to vector<128x1024xi32>
      %lt3A_1236 = arith.cmpi slt, %rem3A_1230, %lt3A_1235 : vector<128x1024xi32>
      %lt3A_1237 = arith.constant 0 : i32
      %lt3A_1238 = arith.cmpi slt, %select_n3A_1228, %lt3A_1237 : i32
      %ne3A_1239 = vector.broadcast %lt3A_1238 : i1 to vector<128x1024xi1>
      %ne3A_1240 = vector.broadcast %ne3A_1239 : vector<128x1024xi1> to vector<128x1024xi1>
      %ne3A_1241 = arith.xori %lt3A_1236, %ne3A_1240 : vector<128x1024xi1>
      %and3A_1242 = arith.andi %ne3A_1241, %ne3A_1233 : vector<128x1024xi1>
      %add3A_1243 = vector.broadcast %select_n3A_1228 : i32 to vector<128x1024xi32>
      %add3A_1244 = arith.addi %rem3A_1230, %add3A_1243 : vector<128x1024xi32>
      %select_n3A_1245 = arith.select %and3A_1242, %add3A_1244, %rem3A_1230 : vector<128x1024xi1>, vector<128x1024xi32>
      %eq3A_1246 = arith.constant 7 : i32
      %eq3A_1247 = vector.broadcast %eq3A_1246 : i32 to vector<128x1024xi32>
      %eq3A_1248 = arith.cmpi eq, %select_n3A_1245, %eq3A_1247 : vector<128x1024xi32>
      %and3A_1249 = arith.andi %eq3A_1223, %eq3A_1248 : vector<128x1024xi1>
      %convert_element_type3A_1250 = arith.extui %and3A_1249 : vector<128x1024xi1> to vector<128x1024xi32>
      %convert_element_type3A_1251 = arith.sitofp %convert_element_type3A_1250 : vector<128x1024xi32> to vector<128x1024xf32>
      %swap3A_1252 = arith.constant 7 : index
      %swap3A_1253 = arith.constant 0 : index
      %swap3A_1254 = arith.constant 0 : index
      %swap3A_1255 = vector.load %arg5[%swap3A_1252, %swap3A_1253, %swap3A_1254] : memref<8x128x1024xf32, #tpu.memory_space<vmem>>, vector<1x128x1024xf32>
      %swap3A_1256 = vector.shape_cast %swap3A_1255 : vector<1x128x1024xf32> to vector<128x1024xf32>
      %swap3A_1257 = vector.shape_cast %convert_element_type3A_1251 : vector<128x1024xf32> to vector<1x128x1024xf32>
      tpu.vector_store %arg5[%swap3A_1252, %swap3A_1253, %swap3A_1254], %swap3A_1257 {strides = array<i32>} : memref<8x128x1024xf32, #tpu.memory_space<vmem>>, vector<1x128x1024xf32>,
    } else {
    }
    %get3A = arith.constant 0 : index
    %get3A_2 = arith.constant 0 : index
    %get3A_3 = vector.load %arg1[%get3A, %get3A_2] : memref<2048x128xf32, #tpu.memory_space<vmem>>, vector<2048x128xf32>
    %get3A_4 = arith.constant 0 : index
    %get3A_5 = arith.constant 0 : index
    %get3A_6 = vector.load %arg2[%get3A_4, %get3A_5] : memref<2048x128xf32, #tpu.memory_space<vmem>>, vector<2048x128xf32>
    %add3A = arith.addf %get3A_3, %get3A_6 : vector<2048x128xf32>
    %ge3A = arith.constant 0.000000e+00 : f32
    %ge3A_7 = vector.broadcast %ge3A : f32 to vector<2048x128xf32>
    %ge3A_8 = arith.cmpf oge, %add3A, %ge3A_7 : vector<2048x128xf32>
    %mul3A = arith.constant 2.000000e-01 : f32
    %mul3A_9 = vector.broadcast %mul3A : f32 to vector<2048x128xf32>
    %mul3A_10 = arith.mulf %mul3A_9, %add3A : vector<2048x128xf32>
    %select_n3A = arith.select %ge3A_8, %add3A, %mul3A_10 : vector<2048x128xi1>, vector<2048x128xf32>
    %exp3A = math.exp %select_n3A : vector<2048x128xf32>
    %get3A_11 = arith.constant 0 : index
    %get3A_12 = arith.constant 0 : index
    %get3A_13 = vector.load %arg4[%get3A_11, %get3A_12] : memref<128x128xf32, #tpu.memory_space<vmem>>, vector<128x128xf32>
    %dot_general3A = arith.constant dense<0.000000e+00> : vector<2048x128xf32>
    %dot_general3A_14 = tpu.matmul %exp3A, %get3A_13, %dot_general3A {dimension_numbers = #tpu.dot_dimension_numbers<[1], [0], [0], [1], [0, 0, 1, 1], [], []>, transpose_lhs_hint = false} : vector<2048x128xf32>, vector<128x128xf32>, vector<2048x128xf32> -> vector<2048x128xf32>
    %log3A = math.log %dot_general3A_14 : vector<2048x128xf32>
    %sub3A = arith.subf %select_n3A, %log3A : vector<2048x128xf32>
    %broadcast_in_dim3A = arith.constant 0.000000e+00 : f32
    %broadcast_in_dim3A_15 = vector.broadcast %broadcast_in_dim3A : f32 to vector<16x1024xf32>
    %broadcast_in_dim3A_16 = arith.constant 0.000000e+00 : f32
    %broadcast_in_dim3A_17 = vector.broadcast %broadcast_in_dim3A_16 : f32 to vector<16x1024xf32>
    %broadcast_in_dim3A_18 = arith.constant 0.000000e+00 : f32
    %broadcast_in_dim3A_19 = vector.broadcast %broadcast_in_dim3A_18 : f32 to vector<16x1024xf32>
    %broadcast_in_dim3A_20 = arith.constant 0.000000e+00 : f32
    %broadcast_in_dim3A_21 = vector.broadcast %broadcast_in_dim3A_20 : f32 to vector<16x1024xf32>
    %broadcast_in_dim3A_22 = arith.constant 0.000000e+00 : f32
    %broadcast_in_dim3A_23 = vector.broadcast %broadcast_in_dim3A_22 : f32 to vector<16x1024xf32>
    %broadcast_in_dim3A_24 = arith.constant 0.000000e+00 : f32
    %broadcast_in_dim3A_25 = vector.broadcast %broadcast_in_dim3A_24 : f32 to vector<16x1024xf32>
    %broadcast_in_dim3A_26 = arith.constant 0.000000e+00 : f32
    %broadcast_in_dim3A_27 = vector.broadcast %broadcast_in_dim3A_26 : f32 to vector<16x1024xf32>
    %broadcast_in_dim3A_28 = arith.constant 0.000000e+00 : f32
    %broadcast_in_dim3A_29 = vector.broadcast %broadcast_in_dim3A_28 : f32 to vector<16x1024xf32>
    %broadcast_in_dim3A_30 = arith.constant 0.000000e+00 : f32
    %broadcast_in_dim3A_31 = vector.broadcast %broadcast_in_dim3A_30 : f32 to vector<16x1024xf32>
    %broadcast_in_dim3A_32 = arith.constant 0.000000e+00 : f32
    %broadcast_in_dim3A_33 = vector.broadcast %broadcast_in_dim3A_32 : f32 to vector<16x1024xf32>
    %broadcast_in_dim3A_34 = arith.constant 0.000000e+00 : f32
    %broadcast_in_dim3A_35 = vector.broadcast %broadcast_in_dim3A_34 : f32 to vector<16x1024xf32>
    %broadcast_in_dim3A_36 = arith.constant 0.000000e+00 : f32
    %broadcast_in_dim3A_37 = vector.broadcast %broadcast_in_dim3A_36 : f32 to vector<16x1024xf32>
    %broadcast_in_dim3A_38 = arith.constant 0.000000e+00 : f32
    %broadcast_in_dim3A_39 = vector.broadcast %broadcast_in_dim3A_38 : f32 to vector<16x1024xf32>
    %broadcast_in_dim3A_40 = arith.constant 0.000000e+00 : f32
    %broadcast_in_dim3A_41 = vector.broadcast %broadcast_in_dim3A_40 : f32 to vector<16x1024xf32>
    %broadcast_in_dim3A_42 = arith.constant 0.000000e+00 : f32
    %broadcast_in_dim3A_43 = vector.broadcast %broadcast_in_dim3A_42 : f32 to vector<16x1024xf32>
    %broadcast_in_dim3A_44 = arith.constant 0.000000e+00 : f32
    %broadcast_in_dim3A_45 = vector.broadcast %broadcast_in_dim3A_44 : f32 to vector<16x1024xf32>
    %slice3A = vector.extract_strided_slice %sub3A {offsets = [0, 0], sizes = [128, 16], strides = [1, 1]} : vector<2048x128xf32> to vector<128x16xf32>
    %transpose3A = tpu.transpose %slice3A, [1, 0] : vector<128x16xf32> -> vector<16x128xf32>
    %slice3A_46 = vector.extract_strided_slice %sub3A {offsets = [128, 0], sizes = [128, 16], strides = [1, 1]} : vector<2048x128xf32> to vector<128x16xf32>
    %transpose3A_47 = tpu.transpose %slice3A_46, [1, 0] : vector<128x16xf32> -> vector<16x128xf32>
    %slice3A_48 = vector.extract_strided_slice %sub3A {offsets = [256, 0], sizes = [128, 16], strides = [1, 1]} : vector<2048x128xf32> to vector<128x16xf32>
    %transpose3A_49 = tpu.transpose %slice3A_48, [1, 0] : vector<128x16xf32> -> vector<16x128xf32>
    %slice3A_50 = vector.extract_strided_slice %sub3A {offsets = [384, 0], sizes = [128, 16], strides = [1, 1]} : vector<2048x128xf32> to vector<128x16xf32>
    %transpose3A_51 = tpu.transpose %slice3A_50, [1, 0] : vector<128x16xf32> -> vector<16x128xf32>
    %slice3A_52 = vector.extract_strided_slice %sub3A {offsets = [512, 0], sizes = [128, 16], strides = [1, 1]} : vector<2048x128xf32> to vector<128x16xf32>
    %transpose3A_53 = tpu.transpose %slice3A_52, [1, 0] : vector<128x16xf32> -> vector<16x128xf32>
    %slice3A_54 = vector.extract_strided_slice %sub3A {offsets = [640, 0], sizes = [128, 16], strides = [1, 1]} : vector<2048x128xf32> to vector<128x16xf32>
    %transpose3A_55 = tpu.transpose %slice3A_54, [1, 0] : vector<128x16xf32> -> vector<16x128xf32>
    %slice3A_56 = vector.extract_strided_slice %sub3A {offsets = [768, 0], sizes = [128, 16], strides = [1, 1]} : vector<2048x128xf32> to vector<128x16xf32>
    %transpose3A_57 = tpu.transpose %slice3A_56, [1, 0] : vector<128x16xf32> -> vector<16x128xf32>
    %slice3A_58 = vector.extract_strided_slice %sub3A {offsets = [896, 0], sizes = [128, 16], strides = [1, 1]} : vector<2048x128xf32> to vector<128x16xf32>
    %transpose3A_59 = tpu.transpose %slice3A_58, [1, 0] : vector<128x16xf32> -> vector<16x128xf32>
    %slice3A_60 = vector.extract_strided_slice %sub3A {offsets = [1024, 0], sizes = [128, 16], strides = [1, 1]} : vector<2048x128xf32> to vector<128x16xf32>
    %transpose3A_61 = tpu.transpose %slice3A_60, [1, 0] : vector<128x16xf32> -> vector<16x128xf32>
    %slice3A_62 = vector.extract_strided_slice %sub3A {offsets = [1152, 0], sizes = [128, 16], strides = [1, 1]} : vector<2048x128xf32> to vector<128x16xf32>
    %transpose3A_63 = tpu.transpose %slice3A_62, [1, 0] : vector<128x16xf32> -> vector<16x128xf32>
    %slice3A_64 = vector.extract_strided_slice %sub3A {offsets = [1280, 0], sizes = [128, 16], strides = [1, 1]} : vector<2048x128xf32> to vector<128x16xf32>
    %transpose3A_65 = tpu.transpose %slice3A_64, [1, 0] : vector<128x16xf32> -> vector<16x128xf32>
    %slice3A_66 = vector.extract_strided_slice %sub3A {offsets = [1408, 0], sizes = [128, 16], strides = [1, 1]} : vector<2048x128xf32> to vector<128x16xf32>
    %transpose3A_67 = tpu.transpose %slice3A_66, [1, 0] : vector<128x16xf32> -> vector<16x128xf32>
    %slice3A_68 = vector.extract_strided_slice %sub3A {offsets = [1536, 0], sizes = [128, 16], strides = [1, 1]} : vector<2048x128xf32> to vector<128x16xf32>
    %transpose3A_69 = tpu.transpose %slice3A_68, [1, 0] : vector<128x16xf32> -> vector<16x128xf32>
    %slice3A_70 = vector.extract_strided_slice %sub3A {offsets = [1664, 0], sizes = [128, 16], strides = [1, 1]} : vector<2048x128xf32> to vector<128x16xf32>
    %transpose3A_71 = tpu.transpose %slice3A_70, [1, 0] : vector<128x16xf32> -> vector<16x128xf32>
    %slice3A_72 = vector.extract_strided_slice %sub3A {offsets = [1792, 0], sizes = [128, 16], strides = [1, 1]} : vector<2048x128xf32> to vector<128x16xf32>
    %transpose3A_73 = tpu.transpose %slice3A_72, [1, 0] : vector<128x16xf32> -> vector<16x128xf32>
    %slice3A_74 = vector.extract_strided_slice %sub3A {offsets = [1920, 0], sizes = [128, 16], strides = [1, 1]} : vector<2048x128xf32> to vector<128x16xf32>
    %transpose3A_75 = tpu.transpose %slice3A_74, [1, 0] : vector<128x16xf32> -> vector<16x128xf32>
    %concatenate3A = tpu.concatenate %transpose3A, %transpose3A_47, %transpose3A_49, %transpose3A_51, %transpose3A_53, %transpose3A_55, %transpose3A_57, %transpose3A_59, %transpose3A_61, %transpose3A_63, %transpose3A_65, %transpose3A_67, %transpose3A_69, %transpose3A_71, %transpose3A_73, %transpose3A_75 in 0 : vector<16x128xf32>, vector<16x128xf32>, vector<16x128xf32>, vector<16x128xf32>, vector<16x128xf32>, vector<16x128xf32>, vector<16x128xf32>, vector<16x128xf32>, vector<16x128xf32>, vector<16x128xf32>, vector<16x128xf32>, vector<16x128xf32>, vector<16x128xf32>, vector<16x128xf32>, vector<16x128xf32>, vector<16x128xf32> -> vector<256x128xf32>
    %get3A_76 = arith.constant 0 : index
    %get3A_77 = arith.constant 0 : index
    %get3A_78 = arith.constant 0 : index
    %get3A_79 = vector.load %arg5[%get3A_76, %get3A_77, %get3A_78] : memref<8x128x1024xf32, #tpu.memory_space<vmem>>, vector<1x128x1024xf32>
    %get3A_80 = vector.shape_cast %get3A_79 : vector<1x128x1024xf32> to vector<128x1024xf32>
    %dot_general3A_81 = arith.constant dense<0.000000e+00> : vector<256x1024xf32>
    %dot_general3A_82 = tpu.matmul %concatenate3A, %get3A_80, %dot_general3A_81 {dimension_numbers = #tpu.dot_dimension_numbers<[1], [0], [0], [1], [0, 0, 1, 1], [], []>, transpose_lhs_hint = false} : vector<256x128xf32>, vector<128x1024xf32>, vector<256x1024xf32> -> vector<256x1024xf32>
    %slice3A_83 = vector.extract_strided_slice %dot_general3A_82 {offsets = [0, 0], sizes = [16, 1024], strides = [1, 1]} : vector<256x1024xf32> to vector<16x1024xf32>
    %add3A_84 = arith.addf %broadcast_in_dim3A_15, %slice3A_83 : vector<16x1024xf32>
    %slice3A_85 = vector.extract_strided_slice %dot_general3A_82 {offsets = [16, 0], sizes = [16, 1024], strides = [1, 1]} : vector<256x1024xf32> to vector<16x1024xf32>
    %add3A_86 = arith.addf %broadcast_in_dim3A_17, %slice3A_85 : vector<16x1024xf32>
    %slice3A_87 = vector.extract_strided_slice %dot_general3A_82 {offsets = [32, 0], sizes = [16, 1024], strides = [1, 1]} : vector<256x1024xf32> to vector<16x1024xf32>
    %add3A_88 = arith.addf %broadcast_in_dim3A_19, %slice3A_87 : vector<16x1024xf32>
    %slice3A_89 = vector.extract_strided_slice %dot_general3A_82 {offsets = [48, 0], sizes = [16, 1024], strides = [1, 1]} : vector<256x1024xf32> to vector<16x1024xf32>
    %add3A_90 = arith.addf %broadcast_in_dim3A_21, %slice3A_89 : vector<16x1024xf32>
    %slice3A_91 = vector.extract_strided_slice %dot_general3A_82 {offsets = [64, 0], sizes = [16, 1024], strides = [1, 1]} : vector<256x1024xf32> to vector<16x1024xf32>
    %add3A_92 = arith.addf %broadcast_in_dim3A_23, %slice3A_91 : vector<16x1024xf32>
    %slice3A_93 = vector.extract_strided_slice %dot_general3A_82 {offsets = [80, 0], sizes = [16, 1024], strides = [1, 1]} : vector<256x1024xf32> to vector<16x1024xf32>
    %add3A_94 = arith.addf %broadcast_in_dim3A_25, %slice3A_93 : vector<16x1024xf32>
    %slice3A_95 = vector.extract_strided_slice %dot_general3A_82 {offsets = [96, 0], sizes = [16, 1024], strides = [1, 1]} : vector<256x1024xf32> to vector<16x1024xf32>
    %add3A_96 = arith.addf %broadcast_in_dim3A_27, %slice3A_95 : vector<16x1024xf32>
    %slice3A_97 = vector.extract_strided_slice %dot_general3A_82 {offsets = [112, 0], sizes = [16, 1024], strides = [1, 1]} : vector<256x1024xf32> to vector<16x1024xf32>
    %add3A_98 = arith.addf %broadcast_in_dim3A_29, %slice3A_97 : vector<16x1024xf32>
    %slice3A_99 = vector.extract_strided_slice %dot_general3A_82 {offsets = [128, 0], sizes = [16, 1024], strides = [1, 1]} : vector<256x1024xf32> to vector<16x1024xf32>
    %add3A_100 = arith.addf %broadcast_in_dim3A_31, %slice3A_99 : vector<16x1024xf32>
    %slice3A_101 = vector.extract_strided_slice %dot_general3A_82 {offsets = [144, 0], sizes = [16, 1024], strides = [1, 1]} : vector<256x1024xf32> to vector<16x1024xf32>
    %add3A_102 = arith.addf %broadcast_in_dim3A_33, %slice3A_101 : vector<16x1024xf32>
    %slice3A_103 = vector.extract_strided_slice %dot_general3A_82 {offsets = [160, 0], sizes = [16, 1024], strides = [1, 1]} : vector<256x1024xf32> to vector<16x1024xf32>
    %add3A_104 = arith.addf %broadcast_in_dim3A_35, %slice3A_103 : vector<16x1024xf32>
    %slice3A_105 = vector.extract_strided_slice %dot_general3A_82 {offsets = [176, 0], sizes = [16, 1024], strides = [1, 1]} : vector<256x1024xf32> to vector<16x1024xf32>
    %add3A_106 = arith.addf %broadcast_in_dim3A_37, %slice3A_105 : vector<16x1024xf32>
    %slice3A_107 = vector.extract_strided_slice %dot_general3A_82 {offsets = [192, 0], sizes = [16, 1024], strides = [1, 1]} : vector<256x1024xf32> to vector<16x1024xf32>
    %add3A_108 = arith.addf %broadcast_in_dim3A_39, %slice3A_107 : vector<16x1024xf32>
    %slice3A_109 = vector.extract_strided_slice %dot_general3A_82 {offsets = [208, 0], sizes = [16, 1024], strides = [1, 1]} : vector<256x1024xf32> to vector<16x1024xf32>
    %add3A_110 = arith.addf %broadcast_in_dim3A_41, %slice3A_109 : vector<16x1024xf32>
    %slice3A_111 = vector.extract_strided_slice %dot_general3A_82 {offsets = [224, 0], sizes = [16, 1024], strides = [1, 1]} : vector<256x1024xf32> to vector<16x1024xf32>
    %add3A_112 = arith.addf %broadcast_in_dim3A_43, %slice3A_111 : vector<16x1024xf32>
    %slice3A_113 = vector.extract_strided_slice %dot_general3A_82 {offsets = [240, 0], sizes = [16, 1024], strides = [1, 1]} : vector<256x1024xf32> to vector<16x1024xf32>
    %add3A_114 = arith.addf %broadcast_in_dim3A_45, %slice3A_113 : vector<16x1024xf32>
    %slice3A_115 = vector.extract_strided_slice %sub3A {offsets = [0, 16], sizes = [128, 16], strides = [1, 1]} : vector<2048x128xf32> to vector<128x16xf32>
    %transpose3A_116 = tpu.transpose %slice3A_115, [1, 0] : vector<128x16xf32> -> vector<16x128xf32>
    %slice3A_117 = vector.extract_strided_slice %sub3A {offsets = [128, 16], sizes = [128, 16], strides = [1, 1]} : vector<2048x128xf32> to vector<128x16xf32>
    %transpose3A_118 = tpu.transpose %slice3A_117, [1, 0] : vector<128x16xf32> -> vector<16x128xf32>
    %slice3A_119 = vector.extract_strided_slice %sub3A {offsets = [256, 16], sizes = [128, 16], strides = [1, 1]} : vector<2048x128xf32> to vector<128x16xf32>
    %transpose3A_120 = tpu.transpose %slice3A_119, [1, 0] : vector<128x16xf32> -> vector<16x128xf32>
    %slice3A_121 = vector.extract_strided_slice %sub3A {offsets = [384, 16], sizes = [128, 16], strides = [1, 1]} : vector<2048x128xf32> to vector<128x16xf32>
    %transpose3A_122 = tpu.transpose %slice3A_121, [1, 0] : vector<128x16xf32> -> vector<16x128xf32>
    %slice3A_123 = vector.extract_strided_slice %sub3A {offsets = [512, 16], sizes = [128, 16], strides = [1, 1]} : vector<2048x128xf32> to vector<128x16xf32>
    %transpose3A_124 = tpu.transpose %slice3A_123, [1, 0] : vector<128x16xf32> -> vector<16x128xf32>
    %slice3A_125 = vector.extract_strided_slice %sub3A {offsets = [640, 16], sizes = [128, 16], strides = [1, 1]} : vector<2048x128xf32> to vector<128x16xf32>
    %transpose3A_126 = tpu.transpose %slice3A_125, [1, 0] : vector<128x16xf32> -> vector<16x128xf32>
    %slice3A_127 = vector.extract_strided_slice %sub3A {offsets = [768, 16], sizes = [128, 16], strides = [1, 1]} : vector<2048x128xf32> to vector<128x16xf32>
    %transpose3A_128 = tpu.transpose %slice3A_127, [1, 0] : vector<128x16xf32> -> vector<16x128xf32>
    %slice3A_129 = vector.extract_strided_slice %sub3A {offsets = [896, 16], sizes = [128, 16], strides = [1, 1]} : vector<2048x128xf32> to vector<128x16xf32>
    %transpose3A_130 = tpu.transpose %slice3A_129, [1, 0] : vector<128x16xf32> -> vector<16x128xf32>
    %slice3A_131 = vector.extract_strided_slice %sub3A {offsets = [1024, 16], sizes = [128, 16], strides = [1, 1]} : vector<2048x128xf32> to vector<128x16xf32>
    %transpose3A_132 = tpu.transpose %slice3A_131, [1, 0] : vector<128x16xf32> -> vector<16x128xf32>
    %slice3A_133 = vector.extract_strided_slice %sub3A {offsets = [1152, 16], sizes = [128, 16], strides = [1, 1]} : vector<2048x128xf32> to vector<128x16xf32>
    %transpose3A_134 = tpu.transpose %slice3A_133, [1, 0] : vector<128x16xf32> -> vector<16x128xf32>
    %slice3A_135 = vector.extract_strided_slice %sub3A {offsets = [1280, 16], sizes = [128, 16], strides = [1, 1]} : vector<2048x128xf32> to vector<128x16xf32>
    %transpose3A_136 = tpu.transpose %slice3A_135, [1, 0] : vector<128x16xf32> -> vector<16x128xf32>
    %slice3A_137 = vector.extract_strided_slice %sub3A {offsets = [1408, 16], sizes = [128, 16], strides = [1, 1]} : vector<2048x128xf32> to vector<128x16xf32>
    %transpose3A_138 = tpu.transpose %slice3A_137, [1, 0] : vector<128x16xf32> -> vector<16x128xf32>
    %slice3A_139 = vector.extract_strided_slice %sub3A {offsets = [1536, 16], sizes = [128, 16], strides = [1, 1]} : vector<2048x128xf32> to vector<128x16xf32>
    %transpose3A_140 = tpu.transpose %slice3A_139, [1, 0] : vector<128x16xf32> -> vector<16x128xf32>
    %slice3A_141 = vector.extract_strided_slice %sub3A {offsets = [1664, 16], sizes = [128, 16], strides = [1, 1]} : vector<2048x128xf32> to vector<128x16xf32>
    %transpose3A_142 = tpu.transpose %slice3A_141, [1, 0] : vector<128x16xf32> -> vector<16x128xf32>
    %slice3A_143 = vector.extract_strided_slice %sub3A {offsets = [1792, 16], sizes = [128, 16], strides = [1, 1]} : vector<2048x128xf32> to vector<128x16xf32>
    %transpose3A_144 = tpu.transpose %slice3A_143, [1, 0] : vector<128x16xf32> -> vector<16x128xf32>
    %slice3A_145 = vector.extract_strided_slice %sub3A {offsets = [1920, 16], sizes = [128, 16], strides = [1, 1]} : vector<2048x128xf32> to vector<128x16xf32>
    %transpose3A_146 = tpu.transpose %slice3A_145, [1, 0] : vector<128x16xf32> -> vector<16x128xf32>
    %concatenate3A_147 = tpu.concatenate %transpose3A_116, %transpose3A_118, %transpose3A_120, %transpose3A_122, %transpose3A_124, %transpose3A_126, %transpose3A_128, %transpose3A_130, %transpose3A_132, %transpose3A_134, %transpose3A_136, %transpose3A_138, %transpose3A_140, %transpose3A_142, %transpose3A_144, %transpose3A_146 in 0 : vector<16x128xf32>, vector<16x128xf32>, vector<16x128xf32>, vector<16x128xf32>, vector<16x128xf32>, vector<16x128xf32>, vector<16x128xf32>, vector<16x128xf32>, vector<16x128xf32>, vector<16x128xf32>, vector<16x128xf32>, vector<16x128xf32>, vector<16x128xf32>, vector<16x128xf32>, vector<16x128xf32>, vector<16x128xf32> -> vector<256x128xf32>
    %get3A_148 = arith.constant 1 : index
    %get3A_149 = arith.constant 0 : index
    %get3A_150 = arith.constant 0 : index
    %get3A_151 = vector.load %arg5[%get3A_148, %get3A_149, %get3A_150] : memref<8x128x1024xf32, #tpu.memory_space<vmem>>, vector<1x128x1024xf32>
    %get3A_152 = vector.shape_cast %get3A_151 : vector<1x128x1024xf32> to vector<128x1024xf32>
    %dot_general3A_153 = arith.constant dense<0.000000e+00> : vector<256x1024xf32>
    %dot_general3A_154 = tpu.matmul %concatenate3A_147, %get3A_152, %dot_general3A_153 {dimension_numbers = #tpu.dot_dimension_numbers<[1], [0], [0], [1], [0, 0, 1, 1], [], []>, transpose_lhs_hint = false} : vector<256x128xf32>, vector<128x1024xf32>, vector<256x1024xf32> -> vector<256x1024xf32>
    %slice3A_155 = vector.extract_strided_slice %dot_general3A_154 {offsets = [0, 0], sizes = [16, 1024], strides = [1, 1]} : vector<256x1024xf32> to vector<16x1024xf32>
    %add3A_156 = arith.addf %add3A_84, %slice3A_155 : vector<16x1024xf32>
    %slice3A_157 = vector.extract_strided_slice %dot_general3A_154 {offsets = [16, 0], sizes = [16, 1024], strides = [1, 1]} : vector<256x1024xf32> to vector<16x1024xf32>
    %add3A_158 = arith.addf %add3A_86, %slice3A_157 : vector<16x1024xf32>
    %slice3A_159 = vector.extract_strided_slice %dot_general3A_154 {offsets = [32, 0], sizes = [16, 1024], strides = [1, 1]} : vector<256x1024xf32> to vector<16x1024xf32>
    %add3A_160 = arith.addf %add3A_88, %slice3A_159 : vector<16x1024xf32>
    %slice3A_161 = vector.extract_strided_slice %dot_general3A_154 {offsets = [48, 0], sizes = [16, 1024], strides = [1, 1]} : vector<256x1024xf32> to vector<16x1024xf32>
    %add3A_162 = arith.addf %add3A_90, %slice3A_161 : vector<16x1024xf32>
    %slice3A_163 = vector.extract_strided_slice %dot_general3A_154 {offsets = [64, 0], sizes = [16, 1024], strides = [1, 1]} : vector<256x1024xf32> to vector<16x1024xf32>
    %add3A_164 = arith.addf %add3A_92, %slice3A_163 : vector<16x1024xf32>
    %slice3A_165 = vector.extract_strided_slice %dot_general3A_154 {offsets = [80, 0], sizes = [16, 1024], strides = [1, 1]} : vector<256x1024xf32> to vector<16x1024xf32>
    %add3A_166 = arith.addf %add3A_94, %slice3A_165 : vector<16x1024xf32>
    %slice3A_167 = vector.extract_strided_slice %dot_general3A_154 {offsets = [96, 0], sizes = [16, 1024], strides = [1, 1]} : vector<256x1024xf32> to vector<16x1024xf32>
    %add3A_168 = arith.addf %add3A_96, %slice3A_167 : vector<16x1024xf32>
    %slice3A_169 = vector.extract_strided_slice %dot_general3A_154 {offsets = [112, 0], sizes = [16, 1024], strides = [1, 1]} : vector<256x1024xf32> to vector<16x1024xf32>
    %add3A_170 = arith.addf %add3A_98, %slice3A_169 : vector<16x1024xf32>
    %slice3A_171 = vector.extract_strided_slice %dot_general3A_154 {offsets = [128, 0], sizes = [16, 1024], strides = [1, 1]} : vector<256x1024xf32> to vector<16x1024xf32>
    %add3A_172 = arith.addf %add3A_100, %slice3A_171 : vector<16x1024xf32>
    %slice3A_173 = vector.extract_strided_slice %dot_general3A_154 {offsets = [144, 0], sizes = [16, 1024], strides = [1, 1]} : vector<256x1024xf32> to vector<16x1024xf32>
    %add3A_174 = arith.addf %add3A_102, %slice3A_173 : vector<16x1024xf32>
    %slice3A_175 = vector.extract_strided_slice %dot_general3A_154 {offsets = [160, 0], sizes = [16, 1024], strides = [1, 1]} : vector<256x1024xf32> to vector<16x1024xf32>
    %add3A_176 = arith.addf %add3A_104, %slice3A_175 : vector<16x1024xf32>
    %slice3A_177 = vector.extract_strided_slice %dot_general3A_154 {offsets = [176, 0], sizes = [16, 1024], strides = [1, 1]} : vector<256x1024xf32> to vector<16x1024xf32>
    %add3A_178 = arith.addf %add3A_106, %slice3A_177 : vector<16x1024xf32>
    %slice3A_179 = vector.extract_strided_slice %dot_general3A_154 {offsets = [192, 0], sizes = [16, 1024], strides = [1, 1]} : vector<256x1024xf32> to vector<16x1024xf32>
    %add3A_180 = arith.addf %add3A_108, %slice3A_179 : vector<16x1024xf32>
    %slice3A_181 = vector.extract_strided_slice %dot_general3A_154 {offsets = [208, 0], sizes = [16, 1024], strides = [1, 1]} : vector<256x1024xf32> to vector<16x1024xf32>
    %add3A_182 = arith.addf %add3A_110, %slice3A_181 : vector<16x1024xf32>
    %slice3A_183 = vector.extract_strided_slice %dot_general3A_154 {offsets = [224, 0], sizes = [16, 1024], strides = [1, 1]} : vector<256x1024xf32> to vector<16x1024xf32>
    %add3A_184 = arith.addf %add3A_112, %slice3A_183 : vector<16x1024xf32>
    %slice3A_185 = vector.extract_strided_slice %dot_general3A_154 {offsets = [240, 0], sizes = [16, 1024], strides = [1, 1]} : vector<256x1024xf32> to vector<16x1024xf32>
    %add3A_186 = arith.addf %add3A_114, %slice3A_185 : vector<16x1024xf32>
    %slice3A_187 = vector.extract_strided_slice %sub3A {offsets = [0, 32], sizes = [128, 16], strides = [1, 1]} : vector<2048x128xf32> to vector<128x16xf32>
    %transpose3A_188 = tpu.transpose %slice3A_187, [1, 0] : vector<128x16xf32> -> vector<16x128xf32>
    %slice3A_189 = vector.extract_strided_slice %sub3A {offsets = [128, 32], sizes = [128, 16], strides = [1, 1]} : vector<2048x128xf32> to vector<128x16xf32>
    %transpose3A_190 = tpu.transpose %slice3A_189, [1, 0] : vector<128x16xf32> -> vector<16x128xf32>
    %slice3A_191 = vector.extract_strided_slice %sub3A {offsets = [256, 32], sizes = [128, 16], strides = [1, 1]} : vector<2048x128xf32> to vector<128x16xf32>
    %transpose3A_192 = tpu.transpose %slice3A_191, [1, 0] : vector<128x16xf32> -> vector<16x128xf32>
    %slice3A_193 = vector.extract_strided_slice %sub3A {offsets = [384, 32], sizes = [128, 16], strides = [1, 1]} : vector<2048x128xf32> to vector<128x16xf32>
    %transpose3A_194 = tpu.transpose %slice3A_193, [1, 0] : vector<128x16xf32> -> vector<16x128xf32>
    %slice3A_195 = vector.extract_strided_slice %sub3A {offsets = [512, 32], sizes = [128, 16], strides = [1, 1]} : vector<2048x128xf32> to vector<128x16xf32>
    %transpose3A_196 = tpu.transpose %slice3A_195, [1, 0] : vector<128x16xf32> -> vector<16x128xf32>
    %slice3A_197 = vector.extract_strided_slice %sub3A {offsets = [640, 32], sizes = [128, 16], strides = [1, 1]} : vector<2048x128xf32> to vector<128x16xf32>
    %transpose3A_198 = tpu.transpose %slice3A_197, [1, 0] : vector<128x16xf32> -> vector<16x128xf32>
    %slice3A_199 = vector.extract_strided_slice %sub3A {offsets = [768, 32], sizes = [128, 16], strides = [1, 1]} : vector<2048x128xf32> to vector<128x16xf32>
    %transpose3A_200 = tpu.transpose %slice3A_199, [1, 0] : vector<128x16xf32> -> vector<16x128xf32>
    %slice3A_201 = vector.extract_strided_slice %sub3A {offsets = [896, 32], sizes = [128, 16], strides = [1, 1]} : vector<2048x128xf32> to vector<128x16xf32>
    %transpose3A_202 = tpu.transpose %slice3A_201, [1, 0] : vector<128x16xf32> -> vector<16x128xf32>
    %slice3A_203 = vector.extract_strided_slice %sub3A {offsets = [1024, 32], sizes = [128, 16], strides = [1, 1]} : vector<2048x128xf32> to vector<128x16xf32>
    %transpose3A_204 = tpu.transpose %slice3A_203, [1, 0] : vector<128x16xf32> -> vector<16x128xf32>
    %slice3A_205 = vector.extract_strided_slice %sub3A {offsets = [1152, 32], sizes = [128, 16], strides = [1, 1]} : vector<2048x128xf32> to vector<128x16xf32>
    %transpose3A_206 = tpu.transpose %slice3A_205, [1, 0] : vector<128x16xf32> -> vector<16x128xf32>
    %slice3A_207 = vector.extract_strided_slice %sub3A {offsets = [1280, 32], sizes = [128, 16], strides = [1, 1]} : vector<2048x128xf32> to vector<128x16xf32>
    %transpose3A_208 = tpu.transpose %slice3A_207, [1, 0] : vector<128x16xf32> -> vector<16x128xf32>
    %slice3A_209 = vector.extract_strided_slice %sub3A {offsets = [1408, 32], sizes = [128, 16], strides = [1, 1]} : vector<2048x128xf32> to vector<128x16xf32>
    %transpose3A_210 = tpu.transpose %slice3A_209, [1, 0] : vector<128x16xf32> -> vector<16x128xf32>
    %slice3A_211 = vector.extract_strided_slice %sub3A {offsets = [1536, 32], sizes = [128, 16], strides = [1, 1]} : vector<2048x128xf32> to vector<128x16xf32>
    %transpose3A_212 = tpu.transpose %slice3A_211, [1, 0] : vector<128x16xf32> -> vector<16x128xf32>
    %slice3A_213 = vector.extract_strided_slice %sub3A {offsets = [1664, 32], sizes = [128, 16], strides = [1, 1]} : vector<2048x128xf32> to vector<128x16xf32>
    %transpose3A_214 = tpu.transpose %slice3A_213, [1, 0] : vector<128x16xf32> -> vector<16x128xf32>
    %slice3A_215 = vector.extract_strided_slice %sub3A {offsets = [1792, 32], sizes = [128, 16], strides = [1, 1]} : vector<2048x128xf32> to vector<128x16xf32>
    %transpose3A_216 = tpu.transpose %slice3A_215, [1, 0] : vector<128x16xf32> -> vector<16x128xf32>
    %slice3A_217 = vector.extract_strided_slice %sub3A {offsets = [1920, 32], sizes = [128, 16], strides = [1, 1]} : vector<2048x128xf32> to vector<128x16xf32>
    %transpose3A_218 = tpu.transpose %slice3A_217, [1, 0] : vector<128x16xf32> -> vector<16x128xf32>
    %concatenate3A_219 = tpu.concatenate %transpose3A_188, %transpose3A_190, %transpose3A_192, %transpose3A_194, %transpose3A_196, %transpose3A_198, %transpose3A_200, %transpose3A_202, %transpose3A_204, %transpose3A_206, %transpose3A_208, %transpose3A_210, %transpose3A_212, %transpose3A_214, %transpose3A_216, %transpose3A_218 in 0 : vector<16x128xf32>, vector<16x128xf32>, vector<16x128xf32>, vector<16x128xf32>, vector<16x128xf32>, vector<16x128xf32>, vector<16x128xf32>, vector<16x128xf32>, vector<16x128xf32>, vector<16x128xf32>, vector<16x128xf32>, vector<16x128xf32>, vector<16x128xf32>, vector<16x128xf32>, vector<16x128xf32>, vector<16x128xf32> -> vector<256x128xf32>
    %get3A_220 = arith.constant 2 : index
    %get3A_221 = arith.constant 0 : index
    %get3A_222 = arith.constant 0 : index
    %get3A_223 = vector.load %arg5[%get3A_220, %get3A_221, %get3A_222] : memref<8x128x1024xf32, #tpu.memory_space<vmem>>, vector<1x128x1024xf32>
    %get3A_224 = vector.shape_cast %get3A_223 : vector<1x128x1024xf32> to vector<128x1024xf32>
    %dot_general3A_225 = arith.constant dense<0.000000e+00> : vector<256x1024xf32>
    %dot_general3A_226 = tpu.matmul %concatenate3A_219, %get3A_224, %dot_general3A_225 {dimension_numbers = #tpu.dot_dimension_numbers<[1], [0], [0], [1], [0, 0, 1, 1], [], []>, transpose_lhs_hint = false} : vector<256x128xf32>, vector<128x1024xf32>, vector<256x1024xf32> -> vector<256x1024xf32>
    %slice3A_227 = vector.extract_strided_slice %dot_general3A_226 {offsets = [0, 0], sizes = [16, 1024], strides = [1, 1]} : vector<256x1024xf32> to vector<16x1024xf32>
    %add3A_228 = arith.addf %add3A_156, %slice3A_227 : vector<16x1024xf32>
    %slice3A_229 = vector.extract_strided_slice %dot_general3A_226 {offsets = [16, 0], sizes = [16, 1024], strides = [1, 1]} : vector<256x1024xf32> to vector<16x1024xf32>
    %add3A_230 = arith.addf %add3A_158, %slice3A_229 : vector<16x1024xf32>
    %slice3A_231 = vector.extract_strided_slice %dot_general3A_226 {offsets = [32, 0], sizes = [16, 1024], strides = [1, 1]} : vector<256x1024xf32> to vector<16x1024xf32>
    %add3A_232 = arith.addf %add3A_160, %slice3A_231 : vector<16x1024xf32>
    %slice3A_233 = vector.extract_strided_slice %dot_general3A_226 {offsets = [48, 0], sizes = [16, 1024], strides = [1, 1]} : vector<256x1024xf32> to vector<16x1024xf32>
    %add3A_234 = arith.addf %add3A_162, %slice3A_233 : vector<16x1024xf32>
    %slice3A_235 = vector.extract_strided_slice %dot_general3A_226 {offsets = [64, 0], sizes = [16, 1024], strides = [1, 1]} : vector<256x1024xf32> to vector<16x1024xf32>
    %add3A_236 = arith.addf %add3A_164, %slice3A_235 : vector<16x1024xf32>
    %slice3A_237 = vector.extract_strided_slice %dot_general3A_226 {offsets = [80, 0], sizes = [16, 1024], strides = [1, 1]} : vector<256x1024xf32> to vector<16x1024xf32>
    %add3A_238 = arith.addf %add3A_166, %slice3A_237 : vector<16x1024xf32>
    %slice3A_239 = vector.extract_strided_slice %dot_general3A_226 {offsets = [96, 0], sizes = [16, 1024], strides = [1, 1]} : vector<256x1024xf32> to vector<16x1024xf32>
    %add3A_240 = arith.addf %add3A_168, %slice3A_239 : vector<16x1024xf32>
    %slice3A_241 = vector.extract_strided_slice %dot_general3A_226 {offsets = [112, 0], sizes = [16, 1024], strides = [1, 1]} : vector<256x1024xf32> to vector<16x1024xf32>
    %add3A_242 = arith.addf %add3A_170, %slice3A_241 : vector<16x1024xf32>
    %slice3A_243 = vector.extract_strided_slice %dot_general3A_226 {offsets = [128, 0], sizes = [16, 1024], strides = [1, 1]} : vector<256x1024xf32> to vector<16x1024xf32>
    %add3A_244 = arith.addf %add3A_172, %slice3A_243 : vector<16x1024xf32>
    %slice3A_245 = vector.extract_strided_slice %dot_general3A_226 {offsets = [144, 0], sizes = [16, 1024], strides = [1, 1]} : vector<256x1024xf32> to vector<16x1024xf32>
    %add3A_246 = arith.addf %add3A_174, %slice3A_245 : vector<16x1024xf32>
    %slice3A_247 = vector.extract_strided_slice %dot_general3A_226 {offsets = [160, 0], sizes = [16, 1024], strides = [1, 1]} : vector<256x1024xf32> to vector<16x1024xf32>
    %add3A_248 = arith.addf %add3A_176, %slice3A_247 : vector<16x1024xf32>
    %slice3A_249 = vector.extract_strided_slice %dot_general3A_226 {offsets = [176, 0], sizes = [16, 1024], strides = [1, 1]} : vector<256x1024xf32> to vector<16x1024xf32>
    %add3A_250 = arith.addf %add3A_178, %slice3A_249 : vector<16x1024xf32>
    %slice3A_251 = vector.extract_strided_slice %dot_general3A_226 {offsets = [192, 0], sizes = [16, 1024], strides = [1, 1]} : vector<256x1024xf32> to vector<16x1024xf32>
    %add3A_252 = arith.addf %add3A_180, %slice3A_251 : vector<16x1024xf32>
    %slice3A_253 = vector.extract_strided_slice %dot_general3A_226 {offsets = [208, 0], sizes = [16, 1024], strides = [1, 1]} : vector<256x1024xf32> to vector<16x1024xf32>
    %add3A_254 = arith.addf %add3A_182, %slice3A_253 : vector<16x1024xf32>
    %slice3A_255 = vector.extract_strided_slice %dot_general3A_226 {offsets = [224, 0], sizes = [16, 1024], strides = [1, 1]} : vector<256x1024xf32> to vector<16x1024xf32>
    %add3A_256 = arith.addf %add3A_184, %slice3A_255 : vector<16x1024xf32>
    %slice3A_257 = vector.extract_strided_slice %dot_general3A_226 {offsets = [240, 0], sizes = [16, 1024], strides = [1, 1]} : vector<256x1024xf32> to vector<16x1024xf32>
    %add3A_258 = arith.addf %add3A_186, %slice3A_257 : vector<16x1024xf32>
    %slice3A_259 = vector.extract_strided_slice %sub3A {offsets = [0, 48], sizes = [128, 16], strides = [1, 1]} : vector<2048x128xf32> to vector<128x16xf32>
    %transpose3A_260 = tpu.transpose %slice3A_259, [1, 0] : vector<128x16xf32> -> vector<16x128xf32>
    %slice3A_261 = vector.extract_strided_slice %sub3A {offsets = [128, 48], sizes = [128, 16], strides = [1, 1]} : vector<2048x128xf32> to vector<128x16xf32>
    %transpose3A_262 = tpu.transpose %slice3A_261, [1, 0] : vector<128x16xf32> -> vector<16x128xf32>
    %slice3A_263 = vector.extract_strided_slice %sub3A {offsets = [256, 48], sizes = [128, 16], strides = [1, 1]} : vector<2048x128xf32> to vector<128x16xf32>
    %transpose3A_264 = tpu.transpose %slice3A_263, [1, 0] : vector<128x16xf32> -> vector<16x128xf32>
    %slice3A_265 = vector.extract_strided_slice %sub3A {offsets = [384, 48], sizes = [128, 16], strides = [1, 1]} : vector<2048x128xf32> to vector<128x16xf32>
    %transpose3A_266 = tpu.transpose %slice3A_265, [1, 0] : vector<128x16xf32> -> vector<16x128xf32>
    %slice3A_267 = vector.extract_strided_slice %sub3A {offsets = [512, 48], sizes = [128, 16], strides = [1, 1]} : vector<2048x128xf32> to vector<128x16xf32>
    %transpose3A_268 = tpu.transpose %slice3A_267, [1, 0] : vector<128x16xf32> -> vector<16x128xf32>
    %slice3A_269 = vector.extract_strided_slice %sub3A {offsets = [640, 48], sizes = [128, 16], strides = [1, 1]} : vector<2048x128xf32> to vector<128x16xf32>
    %transpose3A_270 = tpu.transpose %slice3A_269, [1, 0] : vector<128x16xf32> -> vector<16x128xf32>
    %slice3A_271 = vector.extract_strided_slice %sub3A {offsets = [768, 48], sizes = [128, 16], strides = [1, 1]} : vector<2048x128xf32> to vector<128x16xf32>
    %transpose3A_272 = tpu.transpose %slice3A_271, [1, 0] : vector<128x16xf32> -> vector<16x128xf32>
    %slice3A_273 = vector.extract_strided_slice %sub3A {offsets = [896, 48], sizes = [128, 16], strides = [1, 1]} : vector<2048x128xf32> to vector<128x16xf32>
    %transpose3A_274 = tpu.transpose %slice3A_273, [1, 0] : vector<128x16xf32> -> vector<16x128xf32>
    %slice3A_275 = vector.extract_strided_slice %sub3A {offsets = [1024, 48], sizes = [128, 16], strides = [1, 1]} : vector<2048x128xf32> to vector<128x16xf32>
    %transpose3A_276 = tpu.transpose %slice3A_275, [1, 0] : vector<128x16xf32> -> vector<16x128xf32>
    %slice3A_277 = vector.extract_strided_slice %sub3A {offsets = [1152, 48], sizes = [128, 16], strides = [1, 1]} : vector<2048x128xf32> to vector<128x16xf32>
    %transpose3A_278 = tpu.transpose %slice3A_277, [1, 0] : vector<128x16xf32> -> vector<16x128xf32>
    %slice3A_279 = vector.extract_strided_slice %sub3A {offsets = [1280, 48], sizes = [128, 16], strides = [1, 1]} : vector<2048x128xf32> to vector<128x16xf32>
    %transpose3A_280 = tpu.transpose %slice3A_279, [1, 0] : vector<128x16xf32> -> vector<16x128xf32>
    %slice3A_281 = vector.extract_strided_slice %sub3A {offsets = [1408, 48], sizes = [128, 16], strides = [1, 1]} : vector<2048x128xf32> to vector<128x16xf32>
    %transpose3A_282 = tpu.transpose %slice3A_281, [1, 0] : vector<128x16xf32> -> vector<16x128xf32>
    %slice3A_283 = vector.extract_strided_slice %sub3A {offsets = [1536, 48], sizes = [128, 16], strides = [1, 1]} : vector<2048x128xf32> to vector<128x16xf32>
    %transpose3A_284 = tpu.transpose %slice3A_283, [1, 0] : vector<128x16xf32> -> vector<16x128xf32>
    %slice3A_285 = vector.extract_strided_slice %sub3A {offsets = [1664, 48], sizes = [128, 16], strides = [1, 1]} : vector<2048x128xf32> to vector<128x16xf32>
    %transpose3A_286 = tpu.transpose %slice3A_285, [1, 0] : vector<128x16xf32> -> vector<16x128xf32>
    %slice3A_287 = vector.extract_strided_slice %sub3A {offsets = [1792, 48], sizes = [128, 16], strides = [1, 1]} : vector<2048x128xf32> to vector<128x16xf32>
    %transpose3A_288 = tpu.transpose %slice3A_287, [1, 0] : vector<128x16xf32> -> vector<16x128xf32>
    %slice3A_289 = vector.extract_strided_slice %sub3A {offsets = [1920, 48], sizes = [128, 16], strides = [1, 1]} : vector<2048x128xf32> to vector<128x16xf32>
    %transpose3A_290 = tpu.transpose %slice3A_289, [1, 0] : vector<128x16xf32> -> vector<16x128xf32>
    %concatenate3A_291 = tpu.concatenate %transpose3A_260, %transpose3A_262, %transpose3A_264, %transpose3A_266, %transpose3A_268, %transpose3A_270, %transpose3A_272, %transpose3A_274, %transpose3A_276, %transpose3A_278, %transpose3A_280, %transpose3A_282, %transpose3A_284, %transpose3A_286, %transpose3A_288, %transpose3A_290 in 0 : vector<16x128xf32>, vector<16x128xf32>, vector<16x128xf32>, vector<16x128xf32>, vector<16x128xf32>, vector<16x128xf32>, vector<16x128xf32>, vector<16x128xf32>, vector<16x128xf32>, vector<16x128xf32>, vector<16x128xf32>, vector<16x128xf32>, vector<16x128xf32>, vector<16x128xf32>, vector<16x128xf32>, vector<16x128xf32> -> vector<256x128xf32>
    %get3A_292 = arith.constant 3 : index
    %get3A_293 = arith.constant 0 : index
    %get3A_294 = arith.constant 0 : index
    %get3A_295 = vector.load %arg5[%get3A_292, %get3A_293, %get3A_294] : memref<8x128x1024xf32, #tpu.memory_space<vmem>>, vector<1x128x1024xf32>
    %get3A_296 = vector.shape_cast %get3A_295 : vector<1x128x1024xf32> to vector<128x1024xf32>
    %dot_general3A_297 = arith.constant dense<0.000000e+00> : vector<256x1024xf32>
    %dot_general3A_298 = tpu.matmul %concatenate3A_291, %get3A_296, %dot_general3A_297 {dimension_numbers = #tpu.dot_dimension_numbers<[1], [0], [0], [1], [0, 0, 1, 1], [], []>, transpose_lhs_hint = false} : vector<256x128xf32>, vector<128x1024xf32>, vector<256x1024xf32> -> vector<256x1024xf32>
    %slice3A_299 = vector.extract_strided_slice %dot_general3A_298 {offsets = [0, 0], sizes = [16, 1024], strides = [1, 1]} : vector<256x1024xf32> to vector<16x1024xf32>
    %add3A_300 = arith.addf %add3A_228, %slice3A_299 : vector<16x1024xf32>
    %slice3A_301 = vector.extract_strided_slice %dot_general3A_298 {offsets = [16, 0], sizes = [16, 1024], strides = [1, 1]} : vector<256x1024xf32> to vector<16x1024xf32>
    %add3A_302 = arith.addf %add3A_230, %slice3A_301 : vector<16x1024xf32>
    %slice3A_303 = vector.extract_strided_slice %dot_general3A_298 {offsets = [32, 0], sizes = [16, 1024], strides = [1, 1]} : vector<256x1024xf32> to vector<16x1024xf32>
    %add3A_304 = arith.addf %add3A_232, %slice3A_303 : vector<16x1024xf32>
    %slice3A_305 = vector.extract_strided_slice %dot_general3A_298 {offsets = [48, 0], sizes = [16, 1024], strides = [1, 1]} : vector<256x1024xf32> to vector<16x1024xf32>
    %add3A_306 = arith.addf %add3A_234, %slice3A_305 : vector<16x1024xf32>
    %slice3A_307 = vector.extract_strided_slice %dot_general3A_298 {offsets = [64, 0], sizes = [16, 1024], strides = [1, 1]} : vector<256x1024xf32> to vector<16x1024xf32>
    %add3A_308 = arith.addf %add3A_236, %slice3A_307 : vector<16x1024xf32>
    %slice3A_309 = vector.extract_strided_slice %dot_general3A_298 {offsets = [80, 0], sizes = [16, 1024], strides = [1, 1]} : vector<256x1024xf32> to vector<16x1024xf32>
    %add3A_310 = arith.addf %add3A_238, %slice3A_309 : vector<16x1024xf32>
    %slice3A_311 = vector.extract_strided_slice %dot_general3A_298 {offsets = [96, 0], sizes = [16, 1024], strides = [1, 1]} : vector<256x1024xf32> to vector<16x1024xf32>
    %add3A_312 = arith.addf %add3A_240, %slice3A_311 : vector<16x1024xf32>
    %slice3A_313 = vector.extract_strided_slice %dot_general3A_298 {offsets = [112, 0], sizes = [16, 1024], strides = [1, 1]} : vector<256x1024xf32> to vector<16x1024xf32>
    %add3A_314 = arith.addf %add3A_242, %slice3A_313 : vector<16x1024xf32>
    %slice3A_315 = vector.extract_strided_slice %dot_general3A_298 {offsets = [128, 0], sizes = [16, 1024], strides = [1, 1]} : vector<256x1024xf32> to vector<16x1024xf32>
    %add3A_316 = arith.addf %add3A_244, %slice3A_315 : vector<16x1024xf32>
    %slice3A_317 = vector.extract_strided_slice %dot_general3A_298 {offsets = [144, 0], sizes = [16, 1024], strides = [1, 1]} : vector<256x1024xf32> to vector<16x1024xf32>
    %add3A_318 = arith.addf %add3A_246, %slice3A_317 : vector<16x1024xf32>
    %slice3A_319 = vector.extract_strided_slice %dot_general3A_298 {offsets = [160, 0], sizes = [16, 1024], strides = [1, 1]} : vector<256x1024xf32> to vector<16x1024xf32>
    %add3A_320 = arith.addf %add3A_248, %slice3A_319 : vector<16x1024xf32>
    %slice3A_321 = vector.extract_strided_slice %dot_general3A_298 {offsets = [176, 0], sizes = [16, 1024], strides = [1, 1]} : vector<256x1024xf32> to vector<16x1024xf32>
    %add3A_322 = arith.addf %add3A_250, %slice3A_321 : vector<16x1024xf32>
    %slice3A_323 = vector.extract_strided_slice %dot_general3A_298 {offsets = [192, 0], sizes = [16, 1024], strides = [1, 1]} : vector<256x1024xf32> to vector<16x1024xf32>
    %add3A_324 = arith.addf %add3A_252, %slice3A_323 : vector<16x1024xf32>
    %slice3A_325 = vector.extract_strided_slice %dot_general3A_298 {offsets = [208, 0], sizes = [16, 1024], strides = [1, 1]} : vector<256x1024xf32> to vector<16x1024xf32>
    %add3A_326 = arith.addf %add3A_254, %slice3A_325 : vector<16x1024xf32>
    %slice3A_327 = vector.extract_strided_slice %dot_general3A_298 {offsets = [224, 0], sizes = [16, 1024], strides = [1, 1]} : vector<256x1024xf32> to vector<16x1024xf32>
    %add3A_328 = arith.addf %add3A_256, %slice3A_327 : vector<16x1024xf32>
    %slice3A_329 = vector.extract_strided_slice %dot_general3A_298 {offsets = [240, 0], sizes = [16, 1024], strides = [1, 1]} : vector<256x1024xf32> to vector<16x1024xf32>
    %add3A_330 = arith.addf %add3A_258, %slice3A_329 : vector<16x1024xf32>
    %slice3A_331 = vector.extract_strided_slice %sub3A {offsets = [0, 64], sizes = [128, 16], strides = [1, 1]} : vector<2048x128xf32> to vector<128x16xf32>
    %transpose3A_332 = tpu.transpose %slice3A_331, [1, 0] : vector<128x16xf32> -> vector<16x128xf32>
    %slice3A_333 = vector.extract_strided_slice %sub3A {offsets = [128, 64], sizes = [128, 16], strides = [1, 1]} : vector<2048x128xf32> to vector<128x16xf32>
    %transpose3A_334 = tpu.transpose %slice3A_333, [1, 0] : vector<128x16xf32> -> vector<16x128xf32>
    %slice3A_335 = vector.extract_strided_slice %sub3A {offsets = [256, 64], sizes = [128, 16], strides = [1, 1]} : vector<2048x128xf32> to vector<128x16xf32>
    %transpose3A_336 = tpu.transpose %slice3A_335, [1, 0] : vector<128x16xf32> -> vector<16x128xf32>
    %slice3A_337 = vector.extract_strided_slice %sub3A {offsets = [384, 64], sizes = [128, 16], strides = [1, 1]} : vector<2048x128xf32> to vector<128x16xf32>
    %transpose3A_338 = tpu.transpose %slice3A_337, [1, 0] : vector<128x16xf32> -> vector<16x128xf32>
    %slice3A_339 = vector.extract_strided_slice %sub3A {offsets = [512, 64], sizes = [128, 16], strides = [1, 1]} : vector<2048x128xf32> to vector<128x16xf32>
    %transpose3A_340 = tpu.transpose %slice3A_339, [1, 0] : vector<128x16xf32> -> vector<16x128xf32>
    %slice3A_341 = vector.extract_strided_slice %sub3A {offsets = [640, 64], sizes = [128, 16], strides = [1, 1]} : vector<2048x128xf32> to vector<128x16xf32>
    %transpose3A_342 = tpu.transpose %slice3A_341, [1, 0] : vector<128x16xf32> -> vector<16x128xf32>
    %slice3A_343 = vector.extract_strided_slice %sub3A {offsets = [768, 64], sizes = [128, 16], strides = [1, 1]} : vector<2048x128xf32> to vector<128x16xf32>
    %transpose3A_344 = tpu.transpose %slice3A_343, [1, 0] : vector<128x16xf32> -> vector<16x128xf32>
    %slice3A_345 = vector.extract_strided_slice %sub3A {offsets = [896, 64], sizes = [128, 16], strides = [1, 1]} : vector<2048x128xf32> to vector<128x16xf32>
    %transpose3A_346 = tpu.transpose %slice3A_345, [1, 0] : vector<128x16xf32> -> vector<16x128xf32>
    %slice3A_347 = vector.extract_strided_slice %sub3A {offsets = [1024, 64], sizes = [128, 16], strides = [1, 1]} : vector<2048x128xf32> to vector<128x16xf32>
    %transpose3A_348 = tpu.transpose %slice3A_347, [1, 0] : vector<128x16xf32> -> vector<16x128xf32>
    %slice3A_349 = vector.extract_strided_slice %sub3A {offsets = [1152, 64], sizes = [128, 16], strides = [1, 1]} : vector<2048x128xf32> to vector<128x16xf32>
    %transpose3A_350 = tpu.transpose %slice3A_349, [1, 0] : vector<128x16xf32> -> vector<16x128xf32>
    %slice3A_351 = vector.extract_strided_slice %sub3A {offsets = [1280, 64], sizes = [128, 16], strides = [1, 1]} : vector<2048x128xf32> to vector<128x16xf32>
    %transpose3A_352 = tpu.transpose %slice3A_351, [1, 0] : vector<128x16xf32> -> vector<16x128xf32>
    %slice3A_353 = vector.extract_strided_slice %sub3A {offsets = [1408, 64], sizes = [128, 16], strides = [1, 1]} : vector<2048x128xf32> to vector<128x16xf32>
    %transpose3A_354 = tpu.transpose %slice3A_353, [1, 0] : vector<128x16xf32> -> vector<16x128xf32>
    %slice3A_355 = vector.extract_strided_slice %sub3A {offsets = [1536, 64], sizes = [128, 16], strides = [1, 1]} : vector<2048x128xf32> to vector<128x16xf32>
    %transpose3A_356 = tpu.transpose %slice3A_355, [1, 0] : vector<128x16xf32> -> vector<16x128xf32>
    %slice3A_357 = vector.extract_strided_slice %sub3A {offsets = [1664, 64], sizes = [128, 16], strides = [1, 1]} : vector<2048x128xf32> to vector<128x16xf32>
    %transpose3A_358 = tpu.transpose %slice3A_357, [1, 0] : vector<128x16xf32> -> vector<16x128xf32>
    %slice3A_359 = vector.extract_strided_slice %sub3A {offsets = [1792, 64], sizes = [128, 16], strides = [1, 1]} : vector<2048x128xf32> to vector<128x16xf32>
    %transpose3A_360 = tpu.transpose %slice3A_359, [1, 0] : vector<128x16xf32> -> vector<16x128xf32>
    %slice3A_361 = vector.extract_strided_slice %sub3A {offsets = [1920, 64], sizes = [128, 16], strides = [1, 1]} : vector<2048x128xf32> to vector<128x16xf32>
    %transpose3A_362 = tpu.transpose %slice3A_361, [1, 0] : vector<128x16xf32> -> vector<16x128xf32>
    %concatenate3A_363 = tpu.concatenate %transpose3A_332, %transpose3A_334, %transpose3A_336, %transpose3A_338, %transpose3A_340, %transpose3A_342, %transpose3A_344, %transpose3A_346, %transpose3A_348, %transpose3A_350, %transpose3A_352, %transpose3A_354, %transpose3A_356, %transpose3A_358, %transpose3A_360, %transpose3A_362 in 0 : vector<16x128xf32>, vector<16x128xf32>, vector<16x128xf32>, vector<16x128xf32>, vector<16x128xf32>, vector<16x128xf32>, vector<16x128xf32>, vector<16x128xf32>, vector<16x128xf32>, vector<16x128xf32>, vector<16x128xf32>, vector<16x128xf32>, vector<16x128xf32>, vector<16x128xf32>, vector<16x128xf32>, vector<16x128xf32> -> vector<256x128xf32>
    %get3A_364 = arith.constant 4 : index
    %get3A_365 = arith.constant 0 : index
    %get3A_366 = arith.constant 0 : index
    %get3A_367 = vector.load %arg5[%get3A_364, %get3A_365, %get3A_366] : memref<8x128x1024xf32, #tpu.memory_space<vmem>>, vector<1x128x1024xf32>
    %get3A_368 = vector.shape_cast %get3A_367 : vector<1x128x1024xf32> to vector<128x1024xf32>
    %dot_general3A_369 = arith.constant dense<0.000000e+00> : vector<256x1024xf32>
    %dot_general3A_370 = tpu.matmul %concatenate3A_363, %get3A_368, %dot_general3A_369 {dimension_numbers = #tpu.dot_dimension_numbers<[1], [0], [0], [1], [0, 0, 1, 1], [], []>, transpose_lhs_hint = false} : vector<256x128xf32>, vector<128x1024xf32>, vector<256x1024xf32> -> vector<256x1024xf32>
    %slice3A_371 = vector.extract_strided_slice %dot_general3A_370 {offsets = [0, 0], sizes = [16, 1024], strides = [1, 1]} : vector<256x1024xf32> to vector<16x1024xf32>
    %add3A_372 = arith.addf %add3A_300, %slice3A_371 : vector<16x1024xf32>
    %slice3A_373 = vector.extract_strided_slice %dot_general3A_370 {offsets = [16, 0], sizes = [16, 1024], strides = [1, 1]} : vector<256x1024xf32> to vector<16x1024xf32>
    %add3A_374 = arith.addf %add3A_302, %slice3A_373 : vector<16x1024xf32>
    %slice3A_375 = vector.extract_strided_slice %dot_general3A_370 {offsets = [32, 0], sizes = [16, 1024], strides = [1, 1]} : vector<256x1024xf32> to vector<16x1024xf32>
    %add3A_376 = arith.addf %add3A_304, %slice3A_375 : vector<16x1024xf32>
    %slice3A_377 = vector.extract_strided_slice %dot_general3A_370 {offsets = [48, 0], sizes = [16, 1024], strides = [1, 1]} : vector<256x1024xf32> to vector<16x1024xf32>
    %add3A_378 = arith.addf %add3A_306, %slice3A_377 : vector<16x1024xf32>
    %slice3A_379 = vector.extract_strided_slice %dot_general3A_370 {offsets = [64, 0], sizes = [16, 1024], strides = [1, 1]} : vector<256x1024xf32> to vector<16x1024xf32>
    %add3A_380 = arith.addf %add3A_308, %slice3A_379 : vector<16x1024xf32>
    %slice3A_381 = vector.extract_strided_slice %dot_general3A_370 {offsets = [80, 0], sizes = [16, 1024], strides = [1, 1]} : vector<256x1024xf32> to vector<16x1024xf32>
    %add3A_382 = arith.addf %add3A_310, %slice3A_381 : vector<16x1024xf32>
    %slice3A_383 = vector.extract_strided_slice %dot_general3A_370 {offsets = [96, 0], sizes = [16, 1024], strides = [1, 1]} : vector<256x1024xf32> to vector<16x1024xf32>
    %add3A_384 = arith.addf %add3A_312, %slice3A_383 : vector<16x1024xf32>
    %slice3A_385 = vector.extract_strided_slice %dot_general3A_370 {offsets = [112, 0], sizes = [16, 1024], strides = [1, 1]} : vector<256x1024xf32> to vector<16x1024xf32>
    %add3A_386 = arith.addf %add3A_314, %slice3A_385 : vector<16x1024xf32>
    %slice3A_387 = vector.extract_strided_slice %dot_general3A_370 {offsets = [128, 0], sizes = [16, 1024], strides = [1, 1]} : vector<256x1024xf32> to vector<16x1024xf32>
    %add3A_388 = arith.addf %add3A_316, %slice3A_387 : vector<16x1024xf32>
    %slice3A_389 = vector.extract_strided_slice %dot_general3A_370 {offsets = [144, 0], sizes = [16, 1024], strides = [1, 1]} : vector<256x1024xf32> to vector<16x1024xf32>
    %add3A_390 = arith.addf %add3A_318, %slice3A_389 : vector<16x1024xf32>
    %slice3A_391 = vector.extract_strided_slice %dot_general3A_370 {offsets = [160, 0], sizes = [16, 1024], strides = [1, 1]} : vector<256x1024xf32> to vector<16x1024xf32>
    %add3A_392 = arith.addf %add3A_320, %slice3A_391 : vector<16x1024xf32>
    %slice3A_393 = vector.extract_strided_slice %dot_general3A_370 {offsets = [176, 0], sizes = [16, 1024], strides = [1, 1]} : vector<256x1024xf32> to vector<16x1024xf32>
    %add3A_394 = arith.addf %add3A_322, %slice3A_393 : vector<16x1024xf32>
    %slice3A_395 = vector.extract_strided_slice %dot_general3A_370 {offsets = [192, 0], sizes = [16, 1024], strides = [1, 1]} : vector<256x1024xf32> to vector<16x1024xf32>
    %add3A_396 = arith.addf %add3A_324, %slice3A_395 : vector<16x1024xf32>
    %slice3A_397 = vector.extract_strided_slice %dot_general3A_370 {offsets = [208, 0], sizes = [16, 1024], strides = [1, 1]} : vector<256x1024xf32> to vector<16x1024xf32>
    %add3A_398 = arith.addf %add3A_326, %slice3A_397 : vector<16x1024xf32>
    %slice3A_399 = vector.extract_strided_slice %dot_general3A_370 {offsets = [224, 0], sizes = [16, 1024], strides = [1, 1]} : vector<256x1024xf32> to vector<16x1024xf32>
    %add3A_400 = arith.addf %add3A_328, %slice3A_399 : vector<16x1024xf32>
    %slice3A_401 = vector.extract_strided_slice %dot_general3A_370 {offsets = [240, 0], sizes = [16, 1024], strides = [1, 1]} : vector<256x1024xf32> to vector<16x1024xf32>
    %add3A_402 = arith.addf %add3A_330, %slice3A_401 : vector<16x1024xf32>
    %slice3A_403 = vector.extract_strided_slice %sub3A {offsets = [0, 80], sizes = [128, 16], strides = [1, 1]} : vector<2048x128xf32> to vector<128x16xf32>
    %transpose3A_404 = tpu.transpose %slice3A_403, [1, 0] : vector<128x16xf32> -> vector<16x128xf32>
    %slice3A_405 = vector.extract_strided_slice %sub3A {offsets = [128, 80], sizes = [128, 16], strides = [1, 1]} : vector<2048x128xf32> to vector<128x16xf32>
    %transpose3A_406 = tpu.transpose %slice3A_405, [1, 0] : vector<128x16xf32> -> vector<16x128xf32>
    %slice3A_407 = vector.extract_strided_slice %sub3A {offsets = [256, 80], sizes = [128, 16], strides = [1, 1]} : vector<2048x128xf32> to vector<128x16xf32>
    %transpose3A_408 = tpu.transpose %slice3A_407, [1, 0] : vector<128x16xf32> -> vector<16x128xf32>
    %slice3A_409 = vector.extract_strided_slice %sub3A {offsets = [384, 80], sizes = [128, 16], strides = [1, 1]} : vector<2048x128xf32> to vector<128x16xf32>
    %transpose3A_410 = tpu.transpose %slice3A_409, [1, 0] : vector<128x16xf32> -> vector<16x128xf32>
    %slice3A_411 = vector.extract_strided_slice %sub3A {offsets = [512, 80], sizes = [128, 16], strides = [1, 1]} : vector<2048x128xf32> to vector<128x16xf32>
    %transpose3A_412 = tpu.transpose %slice3A_411, [1, 0] : vector<128x16xf32> -> vector<16x128xf32>
    %slice3A_413 = vector.extract_strided_slice %sub3A {offsets = [640, 80], sizes = [128, 16], strides = [1, 1]} : vector<2048x128xf32> to vector<128x16xf32>
    %transpose3A_414 = tpu.transpose %slice3A_413, [1, 0] : vector<128x16xf32> -> vector<16x128xf32>
    %slice3A_415 = vector.extract_strided_slice %sub3A {offsets = [768, 80], sizes = [128, 16], strides = [1, 1]} : vector<2048x128xf32> to vector<128x16xf32>
    %transpose3A_416 = tpu.transpose %slice3A_415, [1, 0] : vector<128x16xf32> -> vector<16x128xf32>
    %slice3A_417 = vector.extract_strided_slice %sub3A {offsets = [896, 80], sizes = [128, 16], strides = [1, 1]} : vector<2048x128xf32> to vector<128x16xf32>
    %transpose3A_418 = tpu.transpose %slice3A_417, [1, 0] : vector<128x16xf32> -> vector<16x128xf32>
    %slice3A_419 = vector.extract_strided_slice %sub3A {offsets = [1024, 80], sizes = [128, 16], strides = [1, 1]} : vector<2048x128xf32> to vector<128x16xf32>
    %transpose3A_420 = tpu.transpose %slice3A_419, [1, 0] : vector<128x16xf32> -> vector<16x128xf32>
    %slice3A_421 = vector.extract_strided_slice %sub3A {offsets = [1152, 80], sizes = [128, 16], strides = [1, 1]} : vector<2048x128xf32> to vector<128x16xf32>
    %transpose3A_422 = tpu.transpose %slice3A_421, [1, 0] : vector<128x16xf32> -> vector<16x128xf32>
    %slice3A_423 = vector.extract_strided_slice %sub3A {offsets = [1280, 80], sizes = [128, 16], strides = [1, 1]} : vector<2048x128xf32> to vector<128x16xf32>
    %transpose3A_424 = tpu.transpose %slice3A_423, [1, 0] : vector<128x16xf32> -> vector<16x128xf32>
    %slice3A_425 = vector.extract_strided_slice %sub3A {offsets = [1408, 80], sizes = [128, 16], strides = [1, 1]} : vector<2048x128xf32> to vector<128x16xf32>
    %transpose3A_426 = tpu.transpose %slice3A_425, [1, 0] : vector<128x16xf32> -> vector<16x128xf32>
    %slice3A_427 = vector.extract_strided_slice %sub3A {offsets = [1536, 80], sizes = [128, 16], strides = [1, 1]} : vector<2048x128xf32> to vector<128x16xf32>
    %transpose3A_428 = tpu.transpose %slice3A_427, [1, 0] : vector<128x16xf32> -> vector<16x128xf32>
    %slice3A_429 = vector.extract_strided_slice %sub3A {offsets = [1664, 80], sizes = [128, 16], strides = [1, 1]} : vector<2048x128xf32> to vector<128x16xf32>
    %transpose3A_430 = tpu.transpose %slice3A_429, [1, 0] : vector<128x16xf32> -> vector<16x128xf32>
    %slice3A_431 = vector.extract_strided_slice %sub3A {offsets = [1792, 80], sizes = [128, 16], strides = [1, 1]} : vector<2048x128xf32> to vector<128x16xf32>
    %transpose3A_432 = tpu.transpose %slice3A_431, [1, 0] : vector<128x16xf32> -> vector<16x128xf32>
    %slice3A_433 = vector.extract_strided_slice %sub3A {offsets = [1920, 80], sizes = [128, 16], strides = [1, 1]} : vector<2048x128xf32> to vector<128x16xf32>
    %transpose3A_434 = tpu.transpose %slice3A_433, [1, 0] : vector<128x16xf32> -> vector<16x128xf32>
    %concatenate3A_435 = tpu.concatenate %transpose3A_404, %transpose3A_406, %transpose3A_408, %transpose3A_410, %transpose3A_412, %transpose3A_414, %transpose3A_416, %transpose3A_418, %transpose3A_420, %transpose3A_422, %transpose3A_424, %transpose3A_426, %transpose3A_428, %transpose3A_430, %transpose3A_432, %transpose3A_434 in 0 : vector<16x128xf32>, vector<16x128xf32>, vector<16x128xf32>, vector<16x128xf32>, vector<16x128xf32>, vector<16x128xf32>, vector<16x128xf32>, vector<16x128xf32>, vector<16x128xf32>, vector<16x128xf32>, vector<16x128xf32>, vector<16x128xf32>, vector<16x128xf32>, vector<16x128xf32>, vector<16x128xf32>, vector<16x128xf32> -> vector<256x128xf32>
    %get3A_436 = arith.constant 5 : index
    %get3A_437 = arith.constant 0 : index
    %get3A_438 = arith.constant 0 : index
    %get3A_439 = vector.load %arg5[%get3A_436, %get3A_437, %get3A_438] : memref<8x128x1024xf32, #tpu.memory_space<vmem>>, vector<1x128x1024xf32>
    %get3A_440 = vector.shape_cast %get3A_439 : vector<1x128x1024xf32> to vector<128x1024xf32>
    %dot_general3A_441 = arith.constant dense<0.000000e+00> : vector<256x1024xf32>
    %dot_general3A_442 = tpu.matmul %concatenate3A_435, %get3A_440, %dot_general3A_441 {dimension_numbers = #tpu.dot_dimension_numbers<[1], [0], [0], [1], [0, 0, 1, 1], [], []>, transpose_lhs_hint = false} : vector<256x128xf32>, vector<128x1024xf32>, vector<256x1024xf32> -> vector<256x1024xf32>
    %slice3A_443 = vector.extract_strided_slice %dot_general3A_442 {offsets = [0, 0], sizes = [16, 1024], strides = [1, 1]} : vector<256x1024xf32> to vector<16x1024xf32>
    %add3A_444 = arith.addf %add3A_372, %slice3A_443 : vector<16x1024xf32>
    %slice3A_445 = vector.extract_strided_slice %dot_general3A_442 {offsets = [16, 0], sizes = [16, 1024], strides = [1, 1]} : vector<256x1024xf32> to vector<16x1024xf32>
    %add3A_446 = arith.addf %add3A_374, %slice3A_445 : vector<16x1024xf32>
    %slice3A_447 = vector.extract_strided_slice %dot_general3A_442 {offsets = [32, 0], sizes = [16, 1024], strides = [1, 1]} : vector<256x1024xf32> to vector<16x1024xf32>
    %add3A_448 = arith.addf %add3A_376, %slice3A_447 : vector<16x1024xf32>
    %slice3A_449 = vector.extract_strided_slice %dot_general3A_442 {offsets = [48, 0], sizes = [16, 1024], strides = [1, 1]} : vector<256x1024xf32> to vector<16x1024xf32>
    %add3A_450 = arith.addf %add3A_378, %slice3A_449 : vector<16x1024xf32>
    %slice3A_451 = vector.extract_strided_slice %dot_general3A_442 {offsets = [64, 0], sizes = [16, 1024], strides = [1, 1]} : vector<256x1024xf32> to vector<16x1024xf32>
    %add3A_452 = arith.addf %add3A_380, %slice3A_451 : vector<16x1024xf32>
    %slice3A_453 = vector.extract_strided_slice %dot_general3A_442 {offsets = [80, 0], sizes = [16, 1024], strides = [1, 1]} : vector<256x1024xf32> to vector<16x1024xf32>
    %add3A_454 = arith.addf %add3A_382, %slice3A_453 : vector<16x1024xf32>
    %slice3A_455 = vector.extract_strided_slice %dot_general3A_442 {offsets = [96, 0], sizes = [16, 1024], strides = [1, 1]} : vector<256x1024xf32> to vector<16x1024xf32>
    %add3A_456 = arith.addf %add3A_384, %slice3A_455 : vector<16x1024xf32>
    %slice3A_457 = vector.extract_strided_slice %dot_general3A_442 {offsets = [112, 0], sizes = [16, 1024], strides = [1, 1]} : vector<256x1024xf32> to vector<16x1024xf32>
    %add3A_458 = arith.addf %add3A_386, %slice3A_457 : vector<16x1024xf32>
    %slice3A_459 = vector.extract_strided_slice %dot_general3A_442 {offsets = [128, 0], sizes = [16, 1024], strides = [1, 1]} : vector<256x1024xf32> to vector<16x1024xf32>
    %add3A_460 = arith.addf %add3A_388, %slice3A_459 : vector<16x1024xf32>
    %slice3A_461 = vector.extract_strided_slice %dot_general3A_442 {offsets = [144, 0], sizes = [16, 1024], strides = [1, 1]} : vector<256x1024xf32> to vector<16x1024xf32>
    %add3A_462 = arith.addf %add3A_390, %slice3A_461 : vector<16x1024xf32>
    %slice3A_463 = vector.extract_strided_slice %dot_general3A_442 {offsets = [160, 0], sizes = [16, 1024], strides = [1, 1]} : vector<256x1024xf32> to vector<16x1024xf32>
    %add3A_464 = arith.addf %add3A_392, %slice3A_463 : vector<16x1024xf32>
    %slice3A_465 = vector.extract_strided_slice %dot_general3A_442 {offsets = [176, 0], sizes = [16, 1024], strides = [1, 1]} : vector<256x1024xf32> to vector<16x1024xf32>
    %add3A_466 = arith.addf %add3A_394, %slice3A_465 : vector<16x1024xf32>
    %slice3A_467 = vector.extract_strided_slice %dot_general3A_442 {offsets = [192, 0], sizes = [16, 1024], strides = [1, 1]} : vector<256x1024xf32> to vector<16x1024xf32>
    %add3A_468 = arith.addf %add3A_396, %slice3A_467 : vector<16x1024xf32>
    %slice3A_469 = vector.extract_strided_slice %dot_general3A_442 {offsets = [208, 0], sizes = [16, 1024], strides = [1, 1]} : vector<256x1024xf32> to vector<16x1024xf32>
    %add3A_470 = arith.addf %add3A_398, %slice3A_469 : vector<16x1024xf32>
    %slice3A_471 = vector.extract_strided_slice %dot_general3A_442 {offsets = [224, 0], sizes = [16, 1024], strides = [1, 1]} : vector<256x1024xf32> to vector<16x1024xf32>
    %add3A_472 = arith.addf %add3A_400, %slice3A_471 : vector<16x1024xf32>
    %slice3A_473 = vector.extract_strided_slice %dot_general3A_442 {offsets = [240, 0], sizes = [16, 1024], strides = [1, 1]} : vector<256x1024xf32> to vector<16x1024xf32>
    %add3A_474 = arith.addf %add3A_402, %slice3A_473 : vector<16x1024xf32>
    %slice3A_475 = vector.extract_strided_slice %sub3A {offsets = [0, 96], sizes = [128, 16], strides = [1, 1]} : vector<2048x128xf32> to vector<128x16xf32>
    %transpose3A_476 = tpu.transpose %slice3A_475, [1, 0] : vector<128x16xf32> -> vector<16x128xf32>
    %slice3A_477 = vector.extract_strided_slice %sub3A {offsets = [128, 96], sizes = [128, 16], strides = [1, 1]} : vector<2048x128xf32> to vector<128x16xf32>
    %transpose3A_478 = tpu.transpose %slice3A_477, [1, 0] : vector<128x16xf32> -> vector<16x128xf32>
    %slice3A_479 = vector.extract_strided_slice %sub3A {offsets = [256, 96], sizes = [128, 16], strides = [1, 1]} : vector<2048x128xf32> to vector<128x16xf32>
    %transpose3A_480 = tpu.transpose %slice3A_479, [1, 0] : vector<128x16xf32> -> vector<16x128xf32>
    %slice3A_481 = vector.extract_strided_slice %sub3A {offsets = [384, 96], sizes = [128, 16], strides = [1, 1]} : vector<2048x128xf32> to vector<128x16xf32>
    %transpose3A_482 = tpu.transpose %slice3A_481, [1, 0] : vector<128x16xf32> -> vector<16x128xf32>
    %slice3A_483 = vector.extract_strided_slice %sub3A {offsets = [512, 96], sizes = [128, 16], strides = [1, 1]} : vector<2048x128xf32> to vector<128x16xf32>
    %transpose3A_484 = tpu.transpose %slice3A_483, [1, 0] : vector<128x16xf32> -> vector<16x128xf32>
    %slice3A_485 = vector.extract_strided_slice %sub3A {offsets = [640, 96], sizes = [128, 16], strides = [1, 1]} : vector<2048x128xf32> to vector<128x16xf32>
    %transpose3A_486 = tpu.transpose %slice3A_485, [1, 0] : vector<128x16xf32> -> vector<16x128xf32>
    %slice3A_487 = vector.extract_strided_slice %sub3A {offsets = [768, 96], sizes = [128, 16], strides = [1, 1]} : vector<2048x128xf32> to vector<128x16xf32>
    %transpose3A_488 = tpu.transpose %slice3A_487, [1, 0] : vector<128x16xf32> -> vector<16x128xf32>
    %slice3A_489 = vector.extract_strided_slice %sub3A {offsets = [896, 96], sizes = [128, 16], strides = [1, 1]} : vector<2048x128xf32> to vector<128x16xf32>
    %transpose3A_490 = tpu.transpose %slice3A_489, [1, 0] : vector<128x16xf32> -> vector<16x128xf32>
    %slice3A_491 = vector.extract_strided_slice %sub3A {offsets = [1024, 96], sizes = [128, 16], strides = [1, 1]} : vector<2048x128xf32> to vector<128x16xf32>
    %transpose3A_492 = tpu.transpose %slice3A_491, [1, 0] : vector<128x16xf32> -> vector<16x128xf32>
    %slice3A_493 = vector.extract_strided_slice %sub3A {offsets = [1152, 96], sizes = [128, 16], strides = [1, 1]} : vector<2048x128xf32> to vector<128x16xf32>
    %transpose3A_494 = tpu.transpose %slice3A_493, [1, 0] : vector<128x16xf32> -> vector<16x128xf32>
    %slice3A_495 = vector.extract_strided_slice %sub3A {offsets = [1280, 96], sizes = [128, 16], strides = [1, 1]} : vector<2048x128xf32> to vector<128x16xf32>
    %transpose3A_496 = tpu.transpose %slice3A_495, [1, 0] : vector<128x16xf32> -> vector<16x128xf32>
    %slice3A_497 = vector.extract_strided_slice %sub3A {offsets = [1408, 96], sizes = [128, 16], strides = [1, 1]} : vector<2048x128xf32> to vector<128x16xf32>
    %transpose3A_498 = tpu.transpose %slice3A_497, [1, 0] : vector<128x16xf32> -> vector<16x128xf32>
    %slice3A_499 = vector.extract_strided_slice %sub3A {offsets = [1536, 96], sizes = [128, 16], strides = [1, 1]} : vector<2048x128xf32> to vector<128x16xf32>
    %transpose3A_500 = tpu.transpose %slice3A_499, [1, 0] : vector<128x16xf32> -> vector<16x128xf32>
    %slice3A_501 = vector.extract_strided_slice %sub3A {offsets = [1664, 96], sizes = [128, 16], strides = [1, 1]} : vector<2048x128xf32> to vector<128x16xf32>
    %transpose3A_502 = tpu.transpose %slice3A_501, [1, 0] : vector<128x16xf32> -> vector<16x128xf32>
    %slice3A_503 = vector.extract_strided_slice %sub3A {offsets = [1792, 96], sizes = [128, 16], strides = [1, 1]} : vector<2048x128xf32> to vector<128x16xf32>
    %transpose3A_504 = tpu.transpose %slice3A_503, [1, 0] : vector<128x16xf32> -> vector<16x128xf32>
    %slice3A_505 = vector.extract_strided_slice %sub3A {offsets = [1920, 96], sizes = [128, 16], strides = [1, 1]} : vector<2048x128xf32> to vector<128x16xf32>
    %transpose3A_506 = tpu.transpose %slice3A_505, [1, 0] : vector<128x16xf32> -> vector<16x128xf32>
    %concatenate3A_507 = tpu.concatenate %transpose3A_476, %transpose3A_478, %transpose3A_480, %transpose3A_482, %transpose3A_484, %transpose3A_486, %transpose3A_488, %transpose3A_490, %transpose3A_492, %transpose3A_494, %transpose3A_496, %transpose3A_498, %transpose3A_500, %transpose3A_502, %transpose3A_504, %transpose3A_506 in 0 : vector<16x128xf32>, vector<16x128xf32>, vector<16x128xf32>, vector<16x128xf32>, vector<16x128xf32>, vector<16x128xf32>, vector<16x128xf32>, vector<16x128xf32>, vector<16x128xf32>, vector<16x128xf32>, vector<16x128xf32>, vector<16x128xf32>, vector<16x128xf32>, vector<16x128xf32>, vector<16x128xf32>, vector<16x128xf32> -> vector<256x128xf32>
    %get3A_508 = arith.constant 6 : index
    %get3A_509 = arith.constant 0 : index
    %get3A_510 = arith.constant 0 : index
    %get3A_511 = vector.load %arg5[%get3A_508, %get3A_509, %get3A_510] : memref<8x128x1024xf32, #tpu.memory_space<vmem>>, vector<1x128x1024xf32>
    %get3A_512 = vector.shape_cast %get3A_511 : vector<1x128x1024xf32> to vector<128x1024xf32>
    %dot_general3A_513 = arith.constant dense<0.000000e+00> : vector<256x1024xf32>
    %dot_general3A_514 = tpu.matmul %concatenate3A_507, %get3A_512, %dot_general3A_513 {dimension_numbers = #tpu.dot_dimension_numbers<[1], [0], [0], [1], [0, 0, 1, 1], [], []>, transpose_lhs_hint = false} : vector<256x128xf32>, vector<128x1024xf32>, vector<256x1024xf32> -> vector<256x1024xf32>
    %slice3A_515 = vector.extract_strided_slice %dot_general3A_514 {offsets = [0, 0], sizes = [16, 1024], strides = [1, 1]} : vector<256x1024xf32> to vector<16x1024xf32>
    %add3A_516 = arith.addf %add3A_444, %slice3A_515 : vector<16x1024xf32>
    %slice3A_517 = vector.extract_strided_slice %dot_general3A_514 {offsets = [16, 0], sizes = [16, 1024], strides = [1, 1]} : vector<256x1024xf32> to vector<16x1024xf32>
    %add3A_518 = arith.addf %add3A_446, %slice3A_517 : vector<16x1024xf32>
    %slice3A_519 = vector.extract_strided_slice %dot_general3A_514 {offsets = [32, 0], sizes = [16, 1024], strides = [1, 1]} : vector<256x1024xf32> to vector<16x1024xf32>
    %add3A_520 = arith.addf %add3A_448, %slice3A_519 : vector<16x1024xf32>
    %slice3A_521 = vector.extract_strided_slice %dot_general3A_514 {offsets = [48, 0], sizes = [16, 1024], strides = [1, 1]} : vector<256x1024xf32> to vector<16x1024xf32>
    %add3A_522 = arith.addf %add3A_450, %slice3A_521 : vector<16x1024xf32>
    %slice3A_523 = vector.extract_strided_slice %dot_general3A_514 {offsets = [64, 0], sizes = [16, 1024], strides = [1, 1]} : vector<256x1024xf32> to vector<16x1024xf32>
    %add3A_524 = arith.addf %add3A_452, %slice3A_523 : vector<16x1024xf32>
    %slice3A_525 = vector.extract_strided_slice %dot_general3A_514 {offsets = [80, 0], sizes = [16, 1024], strides = [1, 1]} : vector<256x1024xf32> to vector<16x1024xf32>
    %add3A_526 = arith.addf %add3A_454, %slice3A_525 : vector<16x1024xf32>
    %slice3A_527 = vector.extract_strided_slice %dot_general3A_514 {offsets = [96, 0], sizes = [16, 1024], strides = [1, 1]} : vector<256x1024xf32> to vector<16x1024xf32>
    %add3A_528 = arith.addf %add3A_456, %slice3A_527 : vector<16x1024xf32>
    %slice3A_529 = vector.extract_strided_slice %dot_general3A_514 {offsets = [112, 0], sizes = [16, 1024], strides = [1, 1]} : vector<256x1024xf32> to vector<16x1024xf32>
    %add3A_530 = arith.addf %add3A_458, %slice3A_529 : vector<16x1024xf32>
    %slice3A_531 = vector.extract_strided_slice %dot_general3A_514 {offsets = [128, 0], sizes = [16, 1024], strides = [1, 1]} : vector<256x1024xf32> to vector<16x1024xf32>
    %add3A_532 = arith.addf %add3A_460, %slice3A_531 : vector<16x1024xf32>
    %slice3A_533 = vector.extract_strided_slice %dot_general3A_514 {offsets = [144, 0], sizes = [16, 1024], strides = [1, 1]} : vector<256x1024xf32> to vector<16x1024xf32>
    %add3A_534 = arith.addf %add3A_462, %slice3A_533 : vector<16x1024xf32>
    %slice3A_535 = vector.extract_strided_slice %dot_general3A_514 {offsets = [160, 0], sizes = [16, 1024], strides = [1, 1]} : vector<256x1024xf32> to vector<16x1024xf32>
    %add3A_536 = arith.addf %add3A_464, %slice3A_535 : vector<16x1024xf32>
    %slice3A_537 = vector.extract_strided_slice %dot_general3A_514 {offsets = [176, 0], sizes = [16, 1024], strides = [1, 1]} : vector<256x1024xf32> to vector<16x1024xf32>
    %add3A_538 = arith.addf %add3A_466, %slice3A_537 : vector<16x1024xf32>
    %slice3A_539 = vector.extract_strided_slice %dot_general3A_514 {offsets = [192, 0], sizes = [16, 1024], strides = [1, 1]} : vector<256x1024xf32> to vector<16x1024xf32>
    %add3A_540 = arith.addf %add3A_468, %slice3A_539 : vector<16x1024xf32>
    %slice3A_541 = vector.extract_strided_slice %dot_general3A_514 {offsets = [208, 0], sizes = [16, 1024], strides = [1, 1]} : vector<256x1024xf32> to vector<16x1024xf32>
    %add3A_542 = arith.addf %add3A_470, %slice3A_541 : vector<16x1024xf32>
    %slice3A_543 = vector.extract_strided_slice %dot_general3A_514 {offsets = [224, 0], sizes = [16, 1024], strides = [1, 1]} : vector<256x1024xf32> to vector<16x1024xf32>
    %add3A_544 = arith.addf %add3A_472, %slice3A_543 : vector<16x1024xf32>
    %slice3A_545 = vector.extract_strided_slice %dot_general3A_514 {offsets = [240, 0], sizes = [16, 1024], strides = [1, 1]} : vector<256x1024xf32> to vector<16x1024xf32>
    %add3A_546 = arith.addf %add3A_474, %slice3A_545 : vector<16x1024xf32>
    %slice3A_547 = vector.extract_strided_slice %sub3A {offsets = [0, 112], sizes = [128, 16], strides = [1, 1]} : vector<2048x128xf32> to vector<128x16xf32>
    %transpose3A_548 = tpu.transpose %slice3A_547, [1, 0] : vector<128x16xf32> -> vector<16x128xf32>
    %slice3A_549 = vector.extract_strided_slice %sub3A {offsets = [128, 112], sizes = [128, 16], strides = [1, 1]} : vector<2048x128xf32> to vector<128x16xf32>
    %transpose3A_550 = tpu.transpose %slice3A_549, [1, 0] : vector<128x16xf32> -> vector<16x128xf32>
    %slice3A_551 = vector.extract_strided_slice %sub3A {offsets = [256, 112], sizes = [128, 16], strides = [1, 1]} : vector<2048x128xf32> to vector<128x16xf32>
    %transpose3A_552 = tpu.transpose %slice3A_551, [1, 0] : vector<128x16xf32> -> vector<16x128xf32>
    %slice3A_553 = vector.extract_strided_slice %sub3A {offsets = [384, 112], sizes = [128, 16], strides = [1, 1]} : vector<2048x128xf32> to vector<128x16xf32>
    %transpose3A_554 = tpu.transpose %slice3A_553, [1, 0] : vector<128x16xf32> -> vector<16x128xf32>
    %slice3A_555 = vector.extract_strided_slice %sub3A {offsets = [512, 112], sizes = [128, 16], strides = [1, 1]} : vector<2048x128xf32> to vector<128x16xf32>
    %transpose3A_556 = tpu.transpose %slice3A_555, [1, 0] : vector<128x16xf32> -> vector<16x128xf32>
    %slice3A_557 = vector.extract_strided_slice %sub3A {offsets = [640, 112], sizes = [128, 16], strides = [1, 1]} : vector<2048x128xf32> to vector<128x16xf32>
    %transpose3A_558 = tpu.transpose %slice3A_557, [1, 0] : vector<128x16xf32> -> vector<16x128xf32>
    %slice3A_559 = vector.extract_strided_slice %sub3A {offsets = [768, 112], sizes = [128, 16], strides = [1, 1]} : vector<2048x128xf32> to vector<128x16xf32>
    %transpose3A_560 = tpu.transpose %slice3A_559, [1, 0] : vector<128x16xf32> -> vector<16x128xf32>
    %slice3A_561 = vector.extract_strided_slice %sub3A {offsets = [896, 112], sizes = [128, 16], strides = [1, 1]} : vector<2048x128xf32> to vector<128x16xf32>
    %transpose3A_562 = tpu.transpose %slice3A_561, [1, 0] : vector<128x16xf32> -> vector<16x128xf32>
    %slice3A_563 = vector.extract_strided_slice %sub3A {offsets = [1024, 112], sizes = [128, 16], strides = [1, 1]} : vector<2048x128xf32> to vector<128x16xf32>
    %transpose3A_564 = tpu.transpose %slice3A_563, [1, 0] : vector<128x16xf32> -> vector<16x128xf32>
    %slice3A_565 = vector.extract_strided_slice %sub3A {offsets = [1152, 112], sizes = [128, 16], strides = [1, 1]} : vector<2048x128xf32> to vector<128x16xf32>
    %transpose3A_566 = tpu.transpose %slice3A_565, [1, 0] : vector<128x16xf32> -> vector<16x128xf32>
    %slice3A_567 = vector.extract_strided_slice %sub3A {offsets = [1280, 112], sizes = [128, 16], strides = [1, 1]} : vector<2048x128xf32> to vector<128x16xf32>
    %transpose3A_568 = tpu.transpose %slice3A_567, [1, 0] : vector<128x16xf32> -> vector<16x128xf32>
    %slice3A_569 = vector.extract_strided_slice %sub3A {offsets = [1408, 112], sizes = [128, 16], strides = [1, 1]} : vector<2048x128xf32> to vector<128x16xf32>
    %transpose3A_570 = tpu.transpose %slice3A_569, [1, 0] : vector<128x16xf32> -> vector<16x128xf32>
    %slice3A_571 = vector.extract_strided_slice %sub3A {offsets = [1536, 112], sizes = [128, 16], strides = [1, 1]} : vector<2048x128xf32> to vector<128x16xf32>
    %transpose3A_572 = tpu.transpose %slice3A_571, [1, 0] : vector<128x16xf32> -> vector<16x128xf32>
    %slice3A_573 = vector.extract_strided_slice %sub3A {offsets = [1664, 112], sizes = [128, 16], strides = [1, 1]} : vector<2048x128xf32> to vector<128x16xf32>
    %transpose3A_574 = tpu.transpose %slice3A_573, [1, 0] : vector<128x16xf32> -> vector<16x128xf32>
    %slice3A_575 = vector.extract_strided_slice %sub3A {offsets = [1792, 112], sizes = [128, 16], strides = [1, 1]} : vector<2048x128xf32> to vector<128x16xf32>
    %transpose3A_576 = tpu.transpose %slice3A_575, [1, 0] : vector<128x16xf32> -> vector<16x128xf32>
    %slice3A_577 = vector.extract_strided_slice %sub3A {offsets = [1920, 112], sizes = [128, 16], strides = [1, 1]} : vector<2048x128xf32> to vector<128x16xf32>
    %transpose3A_578 = tpu.transpose %slice3A_577, [1, 0] : vector<128x16xf32> -> vector<16x128xf32>
    %concatenate3A_579 = tpu.concatenate %transpose3A_548, %transpose3A_550, %transpose3A_552, %transpose3A_554, %transpose3A_556, %transpose3A_558, %transpose3A_560, %transpose3A_562, %transpose3A_564, %transpose3A_566, %transpose3A_568, %transpose3A_570, %transpose3A_572, %transpose3A_574, %transpose3A_576, %transpose3A_578 in 0 : vector<16x128xf32>, vector<16x128xf32>, vector<16x128xf32>, vector<16x128xf32>, vector<16x128xf32>, vector<16x128xf32>, vector<16x128xf32>, vector<16x128xf32>, vector<16x128xf32>, vector<16x128xf32>, vector<16x128xf32>, vector<16x128xf32>, vector<16x128xf32>, vector<16x128xf32>, vector<16x128xf32>, vector<16x128xf32> -> vector<256x128xf32>
    %get3A_580 = arith.constant 7 : index
    %get3A_581 = arith.constant 0 : index
    %get3A_582 = arith.constant 0 : index
    %get3A_583 = vector.load %arg5[%get3A_580, %get3A_581, %get3A_582] : memref<8x128x1024xf32, #tpu.memory_space<vmem>>, vector<1x128x1024xf32>
    %get3A_584 = vector.shape_cast %get3A_583 : vector<1x128x1024xf32> to vector<128x1024xf32>
    %dot_general3A_585 = arith.constant dense<0.000000e+00> : vector<256x1024xf32>
    %dot_general3A_586 = tpu.matmul %concatenate3A_579, %get3A_584, %dot_general3A_585 {dimension_numbers = #tpu.dot_dimension_numbers<[1], [0], [0], [1], [0, 0, 1, 1], [], []>, transpose_lhs_hint = false} : vector<256x128xf32>, vector<128x1024xf32>, vector<256x1024xf32> -> vector<256x1024xf32>
    %slice3A_587 = vector.extract_strided_slice %dot_general3A_586 {offsets = [0, 0], sizes = [16, 1024], strides = [1, 1]} : vector<256x1024xf32> to vector<16x1024xf32>
    %add3A_588 = arith.addf %add3A_516, %slice3A_587 : vector<16x1024xf32>
    %slice3A_589 = vector.extract_strided_slice %dot_general3A_586 {offsets = [16, 0], sizes = [16, 1024], strides = [1, 1]} : vector<256x1024xf32> to vector<16x1024xf32>
    %add3A_590 = arith.addf %add3A_518, %slice3A_589 : vector<16x1024xf32>
    %slice3A_591 = vector.extract_strided_slice %dot_general3A_586 {offsets = [32, 0], sizes = [16, 1024], strides = [1, 1]} : vector<256x1024xf32> to vector<16x1024xf32>
    %add3A_592 = arith.addf %add3A_520, %slice3A_591 : vector<16x1024xf32>
    %slice3A_593 = vector.extract_strided_slice %dot_general3A_586 {offsets = [48, 0], sizes = [16, 1024], strides = [1, 1]} : vector<256x1024xf32> to vector<16x1024xf32>
    %add3A_594 = arith.addf %add3A_522, %slice3A_593 : vector<16x1024xf32>
    %slice3A_595 = vector.extract_strided_slice %dot_general3A_586 {offsets = [64, 0], sizes = [16, 1024], strides = [1, 1]} : vector<256x1024xf32> to vector<16x1024xf32>
    %add3A_596 = arith.addf %add3A_524, %slice3A_595 : vector<16x1024xf32>
    %slice3A_597 = vector.extract_strided_slice %dot_general3A_586 {offsets = [80, 0], sizes = [16, 1024], strides = [1, 1]} : vector<256x1024xf32> to vector<16x1024xf32>
    %add3A_598 = arith.addf %add3A_526, %slice3A_597 : vector<16x1024xf32>
    %slice3A_599 = vector.extract_strided_slice %dot_general3A_586 {offsets = [96, 0], sizes = [16, 1024], strides = [1, 1]} : vector<256x1024xf32> to vector<16x1024xf32>
    %add3A_600 = arith.addf %add3A_528, %slice3A_599 : vector<16x1024xf32>
    %slice3A_601 = vector.extract_strided_slice %dot_general3A_586 {offsets = [112, 0], sizes = [16, 1024], strides = [1, 1]} : vector<256x1024xf32> to vector<16x1024xf32>
    %add3A_602 = arith.addf %add3A_530, %slice3A_601 : vector<16x1024xf32>
    %slice3A_603 = vector.extract_strided_slice %dot_general3A_586 {offsets = [128, 0], sizes = [16, 1024], strides = [1, 1]} : vector<256x1024xf32> to vector<16x1024xf32>
    %add3A_604 = arith.addf %add3A_532, %slice3A_603 : vector<16x1024xf32>
    %slice3A_605 = vector.extract_strided_slice %dot_general3A_586 {offsets = [144, 0], sizes = [16, 1024], strides = [1, 1]} : vector<256x1024xf32> to vector<16x1024xf32>
    %add3A_606 = arith.addf %add3A_534, %slice3A_605 : vector<16x1024xf32>
    %slice3A_607 = vector.extract_strided_slice %dot_general3A_586 {offsets = [160, 0], sizes = [16, 1024], strides = [1, 1]} : vector<256x1024xf32> to vector<16x1024xf32>
    %add3A_608 = arith.addf %add3A_536, %slice3A_607 : vector<16x1024xf32>
    %slice3A_609 = vector.extract_strided_slice %dot_general3A_586 {offsets = [176, 0], sizes = [16, 1024], strides = [1, 1]} : vector<256x1024xf32> to vector<16x1024xf32>
    %add3A_610 = arith.addf %add3A_538, %slice3A_609 : vector<16x1024xf32>
    %slice3A_611 = vector.extract_strided_slice %dot_general3A_586 {offsets = [192, 0], sizes = [16, 1024], strides = [1, 1]} : vector<256x1024xf32> to vector<16x1024xf32>
    %add3A_612 = arith.addf %add3A_540, %slice3A_611 : vector<16x1024xf32>
    %slice3A_613 = vector.extract_strided_slice %dot_general3A_586 {offsets = [208, 0], sizes = [16, 1024], strides = [1, 1]} : vector<256x1024xf32> to vector<16x1024xf32>
    %add3A_614 = arith.addf %add3A_542, %slice3A_613 : vector<16x1024xf32>
    %slice3A_615 = vector.extract_strided_slice %dot_general3A_586 {offsets = [224, 0], sizes = [16, 1024], strides = [1, 1]} : vector<256x1024xf32> to vector<16x1024xf32>
    %add3A_616 = arith.addf %add3A_544, %slice3A_615 : vector<16x1024xf32>
    %slice3A_617 = vector.extract_strided_slice %dot_general3A_586 {offsets = [240, 0], sizes = [16, 1024], strides = [1, 1]} : vector<256x1024xf32> to vector<16x1024xf32>
    %add3A_618 = arith.addf %add3A_546, %slice3A_617 : vector<16x1024xf32>
    %swap3A = arith.constant 0 : index
    %swap3A_619 = arith.constant 0 : index
    %swap3A_620 = vector.load %arg3[%swap3A, %swap3A_619] : memref<16x16384xf32, #tpu.memory_space<vmem>>, vector<16x1024xf32>
    tpu.vector_store %arg3[%swap3A, %swap3A_619], %add3A_588 {strides = array<i32>} : memref<16x16384xf32, #tpu.memory_space<vmem>>, vector<16x1024xf32>,
    %swap3A_621 = arith.constant 0 : index
    %swap3A_622 = arith.constant 1024 : index
    %swap3A_623 = vector.load %arg3[%swap3A_621, %swap3A_622] : memref<16x16384xf32, #tpu.memory_space<vmem>>, vector<16x1024xf32>
    tpu.vector_store %arg3[%swap3A_621, %swap3A_622], %add3A_590 {strides = array<i32>} : memref<16x16384xf32, #tpu.memory_space<vmem>>, vector<16x1024xf32>,
    %swap3A_624 = arith.constant 0 : index
    %swap3A_625 = arith.constant 2048 : index
    %swap3A_626 = vector.load %arg3[%swap3A_624, %swap3A_625] : memref<16x16384xf32, #tpu.memory_space<vmem>>, vector<16x1024xf32>
    tpu.vector_store %arg3[%swap3A_624, %swap3A_625], %add3A_592 {strides = array<i32>} : memref<16x16384xf32, #tpu.memory_space<vmem>>, vector<16x1024xf32>,
    %swap3A_627 = arith.constant 0 : index
    %swap3A_628 = arith.constant 3072 : index
    %swap3A_629 = vector.load %arg3[%swap3A_627, %swap3A_628] : memref<16x16384xf32, #tpu.memory_space<vmem>>, vector<16x1024xf32>
    tpu.vector_store %arg3[%swap3A_627, %swap3A_628], %add3A_594 {strides = array<i32>} : memref<16x16384xf32, #tpu.memory_space<vmem>>, vector<16x1024xf32>,
    %swap3A_630 = arith.constant 0 : index
    %swap3A_631 = arith.constant 4096 : index
    %swap3A_632 = vector.load %arg3[%swap3A_630, %swap3A_631] : memref<16x16384xf32, #tpu.memory_space<vmem>>, vector<16x1024xf32>
    tpu.vector_store %arg3[%swap3A_630, %swap3A_631], %add3A_596 {strides = array<i32>} : memref<16x16384xf32, #tpu.memory_space<vmem>>, vector<16x1024xf32>,
    %swap3A_633 = arith.constant 0 : index
    %swap3A_634 = arith.constant 5120 : index
    %swap3A_635 = vector.load %arg3[%swap3A_633, %swap3A_634] : memref<16x16384xf32, #tpu.memory_space<vmem>>, vector<16x1024xf32>
    tpu.vector_store %arg3[%swap3A_633, %swap3A_634], %add3A_598 {strides = array<i32>} : memref<16x16384xf32, #tpu.memory_space<vmem>>, vector<16x1024xf32>,
    %swap3A_636 = arith.constant 0 : index
    %swap3A_637 = arith.constant 6144 : index
    %swap3A_638 = vector.load %arg3[%swap3A_636, %swap3A_637] : memref<16x16384xf32, #tpu.memory_space<vmem>>, vector<16x1024xf32>
    tpu.vector_store %arg3[%swap3A_636, %swap3A_637], %add3A_600 {strides = array<i32>} : memref<16x16384xf32, #tpu.memory_space<vmem>>, vector<16x1024xf32>,
    %swap3A_639 = arith.constant 0 : index
    %swap3A_640 = arith.constant 7168 : index
    %swap3A_641 = vector.load %arg3[%swap3A_639, %swap3A_640] : memref<16x16384xf32, #tpu.memory_space<vmem>>, vector<16x1024xf32>
    tpu.vector_store %arg3[%swap3A_639, %swap3A_640], %add3A_602 {strides = array<i32>} : memref<16x16384xf32, #tpu.memory_space<vmem>>, vector<16x1024xf32>,
    %swap3A_642 = arith.constant 0 : index
    %swap3A_643 = arith.constant 8192 : index
    %swap3A_644 = vector.load %arg3[%swap3A_642, %swap3A_643] : memref<16x16384xf32, #tpu.memory_space<vmem>>, vector<16x1024xf32>
    tpu.vector_store %arg3[%swap3A_642, %swap3A_643], %add3A_604 {strides = array<i32>} : memref<16x16384xf32, #tpu.memory_space<vmem>>, vector<16x1024xf32>,
    %swap3A_645 = arith.constant 0 : index
    %swap3A_646 = arith.constant 9216 : index
    %swap3A_647 = vector.load %arg3[%swap3A_645, %swap3A_646] : memref<16x16384xf32, #tpu.memory_space<vmem>>, vector<16x1024xf32>
    tpu.vector_store %arg3[%swap3A_645, %swap3A_646], %add3A_606 {strides = array<i32>} : memref<16x16384xf32, #tpu.memory_space<vmem>>, vector<16x1024xf32>,
    %swap3A_648 = arith.constant 0 : index
    %swap3A_649 = arith.constant 10240 : index
    %swap3A_650 = vector.load %arg3[%swap3A_648, %swap3A_649] : memref<16x16384xf32, #tpu.memory_space<vmem>>, vector<16x1024xf32>
    tpu.vector_store %arg3[%swap3A_648, %swap3A_649], %add3A_608 {strides = array<i32>} : memref<16x16384xf32, #tpu.memory_space<vmem>>, vector<16x1024xf32>,
    %swap3A_651 = arith.constant 0 : index
    %swap3A_652 = arith.constant 11264 : index
    %swap3A_653 = vector.load %arg3[%swap3A_651, %swap3A_652] : memref<16x16384xf32, #tpu.memory_space<vmem>>, vector<16x1024xf32>
    tpu.vector_store %arg3[%swap3A_651, %swap3A_652], %add3A_610 {strides = array<i32>} : memref<16x16384xf32, #tpu.memory_space<vmem>>, vector<16x1024xf32>,
    %swap3A_654 = arith.constant 0 : index
    %swap3A_655 = arith.constant 12288 : index
    %swap3A_656 = vector.load %arg3[%swap3A_654, %swap3A_655] : memref<16x16384xf32, #tpu.memory_space<vmem>>, vector<16x1024xf32>
    tpu.vector_store %arg3[%swap3A_654, %swap3A_655], %add3A_612 {strides = array<i32>} : memref<16x16384xf32, #tpu.memory_space<vmem>>, vector<16x1024xf32>,
    %swap3A_657 = arith.constant 0 : index
    %swap3A_658 = arith.constant 13312 : index
    %swap3A_659 = vector.load %arg3[%swap3A_657, %swap3A_658] : memref<16x16384xf32, #tpu.memory_space<vmem>>, vector<16x1024xf32>
    tpu.vector_store %arg3[%swap3A_657, %swap3A_658], %add3A_614 {strides = array<i32>} : memref<16x16384xf32, #tpu.memory_space<vmem>>, vector<16x1024xf32>,
    %swap3A_660 = arith.constant 0 : index
    %swap3A_661 = arith.constant 14336 : index
    %swap3A_662 = vector.load %arg3[%swap3A_660, %swap3A_661] : memref<16x16384xf32, #tpu.memory_space<vmem>>, vector<16x1024xf32>
    tpu.vector_store %arg3[%swap3A_660, %swap3A_661], %add3A_616 {strides = array<i32>} : memref<16x16384xf32, #tpu.memory_space<vmem>>, vector<16x1024xf32>,
    %swap3A_663 = arith.constant 0 : index
    %swap3A_664 = arith.constant 15360 : index
    %swap3A_665 = vector.load %arg3[%swap3A_663, %swap3A_664] : memref<16x16384xf32, #tpu.memory_space<vmem>>, vector<16x1024xf32>
    tpu.vector_store %arg3[%swap3A_663, %swap3A_664], %add3A_618 {strides = array<i32>} : memref<16x16384xf32, #tpu.memory_space<vmem>>, vector<16x1024xf32>,
    return
  }
  func.func @transform_0(%arg0: i32) -> (i32, i32) {
    %c0_i32 = arith.constant 0 : i32
    %c0_i32_0 = arith.constant 0 : i32
    return %arg0, %c0_i32 : i32, i32
  }
  func.func @transform_1(%arg0: i32) -> (i32, i32) {
    %c0_i32 = arith.constant 0 : i32
    %c0_i32_0 = arith.constant 0 : i32
    return %arg0, %c0_i32 : i32, i32
  }
  func.func @transform_2(%arg0: i32) -> (i32, i32) {
    %c0_i32 = arith.constant 0 : i32
    %c0_i32_0 = arith.constant 0 : i32
    return %c0_i32, %arg0 : i32, i32
  }
}

</mosaic_0001>

<sc_bundles>
// kernel: kernel.5.cloned.1.call-start
scs
__scs_entry_jumppad:
0x0: {  	(pc) =	sbr.rel $0x88, $3  }
0x1: {  	(tag) =	ssettag $0x0;
	lr =	simm.s32 $0x1  }
0x2: {  	[smem:$0x3F9B] =	sst lr;
	_ =	strace $0xD0000000  }
0x3: {  	_ = 	snop  }
0x4: {  	_ = 	snop  }
0x5: {  	_ = 	snop  }
0x6: {  	_ = 	snop  }
0x7: {  	_ = 	snop  }
__scs_overlays_trampoline_lowered:
0x8: {  	[smem:$0x3FAA] =	sst s0  }
0x9: {  	[smem:$0x3FAB] =	sst s1  }
0xa: {  	[smem:$0x3FAC] =	sst s2  }
0xb: {  	[smem:$0x3FAD] =	sst s3  }
0xc: {  	[smem:$0x3FAE] =	sst s4  }
0xd: {  	[smem:$0x3FAF] =	sst s5  }
0xe: {  	[smem:$0x3FB0] =	sst s6  }
0xf: {  	[smem:$0x3FB1] =	sst s7  }
0x10: {  	[smem:$0x3FB2] =	sst s8  }
0x11: {  	[smem:$0x3FB3] =	sst s9;
	s0 =	simm.s32 @!p0 $0x0  }
0x12: {  	s1 =	sld [smem:$0x3F99];
	s0 =	simm.s32 @p0 $0x1  }
0x13: {  	[smem:$0x3FB4] =	sst s0;
	s0 =	simm.s32 @!p1 $0x0  }
0x14: {  	s2 =	sld [smem:$0x3F98];
	s0 =	simm.s32 @p1 $0x1  }
0x15: {  	[smem:$0x3FB5] =	sst s0;
	s0 =	simm.s32 @!p2 $0x0  }
0x16: {  	s3 =	sld [smem:$0x3FDB];
	s0 =	simm.s32 @p2 $0x1  }
0x17: {  	s4 =	simm.s32 $0x1BF5;
	[smem:$0x3FB7] =	sst s0  }
0x18: {  	s0 =	sld [smem:$0x3F9A];
	_ =	swait.ge [sflag:s4], $0x0  }
0x19: {  	s7 =	sld [smem:$0x3F9B]  }
0x1a: {  	s8 =	sadd.s32 $0xFFFFE003, lr  }
0x1b: {  	s9 =	sadd.s32 $0xFFFFFEF7, lr;
	s5 =	simm.s32 $0xFFFFFFFF;
	p2 =	slt.u32 s8, $0xFFFFF086  }
0x1c: {  	p1 =	slt.u32 s9, $0xF7A;
	s5 =	simm.s32 @!p2 $0x0  }
0x1d: {  	s5 =	simm.s32 @p1 $0x1;
	p0 =	seq.s32 s7, s2  }
0x1e: {  	s7 =	smul.u32 @!p0 $0xF7A, s2;
	p2 =	seq.s32 @!p0 s5, $0x0  }
0x1f: {  	s9 =	smul.u32 $0xF7A, s1;
	s8 =	simm.s32 @!p0 $0x1BF5;
	p2 =	por !p2, p0  }
0x20: {  	[sflag:s8] =	ssyncset.s32 @!p0 $0xFFFFF086;
	s6 =	sadd.s32 @!p0 s3, s7;
	s7 =	simm.s32 @!p0 $0x108  }
0x21: {  	s3 =	sadd.s32 s3, s9;
	s6 =	sadd.s32 @!p0 $0x88, s6;
	s7 =	simm.s32 @p2 $0x1082  }
0x22: {  	[simem:s7], [sflag:s8] =	dma.local @!p0 [hbm:s6], $0xF7A  }
0x23: {  	s9 =	sor.u32 $0xD0000000, s2;
	s6 =	simm.s32 $0x108;
	_ =	swait.ge @!p0 [sflag:s8], $0x0  }
0x24: {  	s3 =	sadd.s32 $0x88, s3;
	s6 =	simm.s32 @!p1 $0x1082;
	[sflag:s4] =	ssyncset.s32 $0xFFFFF086  }
0x25: {  	[simem:s6], [sflag:s4] =	dma.local [hbm:s3], $0xF7A  }
0x26: {  	[smem:$0x3F9B] =	sst s1;
	(tag) =	ssettag s2;
	_ =	strace s9  }
0x27: {  	s1 =	sld [smem:$0x3FAB]  }
0x28: {  	s2 =	sld [smem:$0x3FAC]  }
0x29: {  	s4 =	sld [smem:$0x3FAE]  }
0x2a: {  	p0 =	seq.s32 s5, $0x0;
	s5 =	sld [smem:$0x3FAF]  }
0x2b: {  	s6 =	sld [smem:$0x3FB0]  }
0x2c: {  	s7 =	sld [smem:$0x3FB1]  }
0x2d: {  	s3 =	simm.s32 $0x108;
	s8 =	sld [smem:$0x3FB2]  }
0x2e: {  	s3 =	simm.s32 @!p0 $0x1082;
	s9 =	sld [smem:$0x3FB3]  }
0x2f: {  	lr =	sadd.s32 s0, s3;
	s0 =	sld [smem:$0x3FAA]  }
0x30: {  	s3 =	sld [smem:$0x3FAD]  }
0x31: {  	[smem:$0x3FB6] =	sst s10  }
0x32: {  	s10 =	sld [smem:$0x3FB4];
	_ =	sdelay $0x3  }
0x33: {  	p0 =	seq.s32 s10, $0x1;
	s10 =	sld [smem:$0x3FB6];
	_ =	sdelay $0x3  }
0x34: {  	[smem:$0x3FB6] =	sst s10  }
0x35: {  	s10 =	sld [smem:$0x3FB5];
	_ =	sdelay $0x3  }
0x36: {  	p1 =	seq.s32 s10, $0x1;
	s10 =	sld [smem:$0x3FB6];
	_ =	sdelay $0x3  }
0x37: {  	[smem:$0x3FB6] =	sst s10  }
0x38: {  	s10 =	sld [smem:$0x3FB7]  }
0x39: {  	_ = 	snop;
	(pc) =	sbr.ind lr, $3  }
0x3a: {  	_ = 	snop  }
0x3b: {  	_ = 	snop  }
0x3c: {  	p2 =	seq.s32 s10, $0x1;
	s10 =	sld [smem:$0x3FB6]  }
0x3d: {  	_ =	shalt  }
0x3e: {  	_ =	shalt  }
0x3f: {  	_ =	shalt  }
0x40: {  	_ =	shalt  }
0x41: {  	_ =	shalt  }
0x42: {  	_ =	shalt  }
0x43: {  	_ =	shalt  }
0x44: {  	_ =	shalt  }
0x45: {  	_ =	shalt  }
0x46: {  	_ =	shalt  }
0x47: {  	_ =	shalt  }
0x48: {  	_ =	shalt  }
0x49: {  	_ =	shalt  }
0x4a: {  	_ =	shalt  }
0x4b: {  	_ =	shalt  }
0x4c: {  	_ =	shalt  }
0x4d: {  	_ =	shalt  }
0x4e: {  	_ =	shalt  }
0x4f: {  	_ =	shalt  }
0x50: {  	_ =	shalt  }
0x51: {  	_ =	shalt  }
0x52: {  	_ =	shalt  }
0x53: {  	_ =	shalt  }
0x54: {  	_ =	shalt  }
0x55: {  	_ =	shalt  }
0x56: {  	_ =	shalt  }
0x57: {  	_ =	shalt  }
0x58: {  	_ =	shalt  }
0x59: {  	_ =	shalt  }
0x5a: {  	_ =	shalt  }
0x5b: {  	_ =	shalt  }
0x5c: {  	_ =	shalt  }
0x5d: {  	_ =	shalt  }
0x5e: {  	_ =	shalt  }
0x5f: {  	_ =	shalt  }
0x60: {  	_ =	shalt  }
0x61: {  	_ =	shalt  }
0x62: {  	_ =	shalt  }
0x63: {  	_ =	shalt  }
0x64: {  	_ =	shalt  }
0x65: {  	_ =	shalt  }
0x66: {  	_ =	shalt  }
0x67: {  	_ =	shalt  }
0x68: {  	_ =	shalt  }
0x69: {  	_ =	shalt  }
0x6a: {  	_ =	shalt  }
0x6b: {  	_ =	shalt  }
0x6c: {  	_ =	shalt  }
0x6d: {  	_ =	shalt  }
0x6e: {  	_ =	shalt  }
0x6f: {  	_ =	shalt  }
0x70: {  	_ =	shalt  }
0x71: {  	_ =	shalt  }
0x72: {  	_ =	shalt  }
0x73: {  	_ =	shalt  }
0x74: {  	_ =	shalt  }
0x75: {  	_ =	shalt  }
0x76: {  	_ =	shalt  }
0x77: {  	_ =	shalt  }
0x78: {  	_ =	shalt  }
0x79: {  	_ =	shalt  }
0x7a: {  	_ =	shalt  }
0x7b: {  	_ =	shalt  }
0x7c: {  	_ =	shalt  }
0x7d: {  	_ =	shalt  }
0x7e: {  	_ =	shalt  }
0x7f: {  	_ =	shalt  }
0x80: {  	_ =	shalt  }
0x81: {  	_ =	shalt  }
0x82: {  	_ =	shalt  }
0x83: {  	_ =	shalt  }
0x84: {  	_ =	shalt  }
0x85: {  	_ =	shalt  }
0x86: {  	_ =	shalt  }
0x87: {  	_ =	shalt  }
.Lfunc_end0:
.L_simem_size_0:
called_computation_lowered:
.L_overlay_start_0:
0x88: {  	s2 =	sld [smem:$0x3FD9]  }
0x89: {  	s3 =	sld [smem:$0x3FFE];
	_ =	sdelay $0x1  }
0x8a: {  	s1 =	srdreg.scid  }
0x8b: {  	s0 =	sand.u32 $0x1, s1  }
0x8c: {  	s17 =	sshll.u32 s0, $0xA;
	s2 =	sadd.s32 s3, s2  }
0x8d: {  	s2 =	sadd.s32 s2, s17  }
0x8e: {  	[smem:$0x3FC2] =	sst s2  }
0x8f: {  	_ = 	snop  }
0x90: {  	s2 =	sld [smem:$0x3FD0];
	(tm) =	ssettm $0x1  }
0x91: {  	s18 =	sld [smem:$0x3FFB];
	_ =	sdelay $0x3  }
0x92: {  	_ =	strace s18  }
0x93: {  	s3 =	sld [smem:$0x3FFC];
	_ =	sdelay $0x3  }
0x94: {  	_ =	strace s3  }
0x95: {  	s3 =	sld [smem:$0x3FFD];
	_ =	sdelay $0x3  }
0x96: {  	_ =	strace s3  }
0x97: {  	_ =	strace $0x8FFFFFFF  }
0x98: {  	s19 =	sld [smem:$0x3FDB];
	_ =	sdelay $0x1  }
0x99: {  	s4 =	simm.s32 $_scs_section_size  }
0x9a: {  	s5 =	simm.s32 $_size__tile_overlayer_lowered;
	s6 =	simm.s32 $_tile_overlayer_lowered  }
0x9b: {  	s22 =	simm.s32 $0x1BFF;
	s21 =	sshll.u32 s6, $0x1;
	s3 =	sadd.s32 s4, s19  }
0x9c: {  	s7 =	simm.s32 $0x0;
	s20 =	sshll.u32 s5, $0x1;
	s5 =	sadd.s32 s21, s3  }
0x9d: {  	[timem:s7], [sflag:s22] =	dma.local [hbm:s5], s20  }
0x9e: {  	_ =	swait.ge [sflag:s22], s20  }
0x9f: {  	s4 =	ssub.s32 $0x0, s20;
	[sflag:s22] =	ssyncset.done $0x0  }
0xa0: {  	[sflag:s22] =	ssyncadd.s32 s4;
	_ =	sdelay $0x1  }
0xa1: {  	s23 =	simm.s32 $0x1B8B  }
0xa2: {  	_ =	swait.ge [sflag:s23], $0x1  }
0xa3: {  	[sflag:s23] =	ssyncset.done $0x0  }
0xa4: {  	s25 =	simm.s32 $0x1B8E;
	s24 =	sld [smem:$0x3FFE];
	[sflag:s23] =	ssyncadd.s32 $0xFFFFFFFF  }
0xa5: {  	s26 =	simm.s32 $execute0_lowered;
	[smem:$0x3FD2] =	sst s25  }
0xa6: {  	s5 =	sshll.u32 s26, $0x1;
	_ =	strace $0x80000046;
	[dreg:$0x1] =	wrdreg $0xFFFFFFFF  }
0xa7: {  	s28 =	simm.s32 $_size_execute0_lowered;
	s3 =	sadd.s32 s3, s5;
	[dreg:$0x0] =	wrdreg $0x0  }
0xa8: {  	s5 =	sshll.u32 s28, $0x1;
	[dreg:$0x2] =	wrdreg s3  }
0xa9: {  	[dreg:$0x3] =	wrdreg s5  }
0xaa: {  	[dreg:$0x4] =	wrdreg $0xC0  }
0xab: {  	_ =	task [dreg:s7], $0x5FFFF  }
0xac: {  	[dreg:$0x1] =	wrdreg $0xFFFFFFFF  }
0xad: {  	[dreg:$0x0] =	wrdreg $0x60  }
0xae: {  	[dreg:$0x2] =	wrdreg s24  }
0xaf: {  	[dreg:$0x3] =	wrdreg s2  }
0xb0: {  	[dreg:$0x4] =	wrdreg $0x9  }
0xb1: {  	_ =	task.clear_ibuf [dreg:s7], $0x5FFFF;
	_ =	strace $0x90000046  }
0xb2: {  	s29 =	simm.s32 $0x9;
	_ =	strace $0x80000048  }
0xb3: {  	_ =	swait.ge [sflag:s29], $0x1  }
0xb4: {  	[sflag:s29] =	ssyncadd.s32 $0xFFFFFFFF  }
0xb5: {  	_ =	strace $0x90000048  }
0xb6: {  	_ =	sfence  }
0xb7: {  	s30 =	sld [smem:$0x0];
	_ =	sdelay $0x2  }
0xb8: {  	s31 =	sshll.u32 s1, $0xD;
	s1 =	sshrl.u32 s1, $0x2  }
0xb9: {  	s3 =	sand.u32 $0x4000, s31;
	s1 =	sadd.s32 s1, s30  }
0xba: {  	s0 =	sor.u32 s3, s0;
	s1 =	sshll.u32 s1, $0x11  }
0xbb: {  	s0 =	sor.u32 s1, s0  }
0xbc: {  	s0 =	sadd.s32 $0x8F2B, s0  }
0xbd: {  	[sflag:s0] =	ssyncadd.remote.s32 $0x1  }
0xbe: {  	_ =	sfence.sel $0xFFFF  }
0xbf: {  	[dreg:$0x0] =	wrdreg $0xFFFFFFFF;
	(pc) =	sbr.abs _section_cstart, $3  }
0xc0: {  	[dreg:$0x1] =	wrdreg $0xFFFFFFFF  }
0xc1: {  	_ =	task.clear_ibuf [dreg:s7], $0x2FFFF;
	_ =	strace $0x9FFFFFFF  }
0xc2: {  	(tm) =	ssettm $0x7FFFFFFF  }
0xc3: {  	_ =	shalt  }
tec
execute0_lowered:
.L_overlay_start_1:
0x0: {  	(tag) =	ssettag $0x1  }
0x1: {  	s1 =	rddreg [dreg:$0x0]  }
0x2: {  	s0 =	srdreg.scid;
	s7 =	rddreg [dreg:$0x1]  }
0x3: {  	s4 =	stileid.u32;
	s2 =	simm.s32 $0x0;
	s10 =	simm.s32 $0x11  }
0x4: {  	s12 =	simm.s32 $0x80;
	s28 =	simm.s32 $0xD;
	s29 =	simm.s32 $0xA  }
0x5: {  	s30 =	simm.s32 $0xE;
	s31 =	simm.s32 $0xB;
	s13 =	simm.s32 $0x10  }
0x6: {  	s14 =	simm.s32 $0x0;
	s0 =	sand.u32 $0x1, s0;
	[smem:$0x7FF] =	sst s2  }
0x7: {  	s5 =	sadd.s32 $0x1BCE00, s1;
	s3 =	sshll.u32 s0, $0x4;
	s0 =	ssub.s32 $0x2, s0  }
0x8: {  	_ =	strace $0x80000047;
	s6 =	sor.u32 s4, s3;
	s24 =	sshrl.u32 s0, $0x1  }
0x9: {  	s3 =	sadd.s32 $0x4400, s1;
	s8 =	smul.u32 $0x190, s6;
	s0 =	ssub.s32 s0, s24  }
0xa: {  	s4 =	sadd.s32 $0x18AE00, s1;
	s6 =	smul.u32 $0x19, s6;
	s0 =	smax.u32 s0, $0x1  }
0xb: {  	s9 =	sadd.s32 s8, s1;
	s26 =	sadd.s32 s7, s8;
	[dreg:$0x5] =	wrdreg s0  }
0xc: {  	s0 =	simm.s32 $0xF;
	s25 =	sadd.s32 $0x1200, s9;
	[dreg:$0x4] =	wrdreg s26  }
0xd: {  	s1 =	simm.s32 $0xC;
	s26 =	simm.s32 $0x9;
	[dreg:$0x3] =	wrdreg s25  }
.LBB2_1:
0xe: {  	s7 =	rddreg [dreg:$0x3]  }
0xf: {  	[tilespmem:s2], [sflag:$0x11] =	stream.linear.gather [hbm4b:s7+s2], $0xC80, $0x38;
	[tilespmem:$0x9900] =	vst v63  }
0x10: {  	_ =	swait.ge [sflag:s10], $0xC80  }
0x11: {  	[sflag:s10] =	ssyncset.done $0x0  }
0x12: {  	s8 =	simm.s32 $0xC80;
	s25 =	rddreg [dreg:$0x4];
	[sflag:s10] =	ssyncadd.s32 $0xFFFFF380  }
0x13: {  	[tilespmem:s8], [sflag:$0x11] =	stream.linear.gather [hbm4b:s25+s2], $0xC80, $0x38;
	[tilespmem:$0x9900] =	vst v63  }
0x14: {  	_ =	swait.ge [sflag:s10], $0xC80  }
0x15: {  	[sflag:s10] =	ssyncset.done $0x0  }
0x16: {  	s9 =	simm.s32 $0x1900;
	[sflag:s10] =	ssyncadd.s32 $0xFFFFF380  }
0x17: {  	[tilespmem:s9], [sflag:$0x1] =	stream.indirect.gather [hbm4b:s3+s12], $0x10, s2, s12, $0xb8;
	[tilespmem:$0x9900] =	vst v63  }
0x18: {  	s11 =	simm.s32 $0x3900  }
0x19: {  	[tilespmem:s11], [sflag:$0x5] =	stream.indirect.gather [hbm4b:s3+s12], $0x10, s8, s12, $0xb8;
	[tilespmem:$0x9900] =	vst v63  }
0x1a: {  	s15 =	simm.s32 $0x2100  }
0x1b: {  	[tilespmem:s15], [sflag:$0x2] =	stream.indirect.gather [hbm4b:s3+s12], $0x10, s12, s12, $0xb8;
	[tilespmem:$0x9900] =	vst v63  }
0x1c: {  	s16 =	simm.s32 $0xD00;
	s17 =	simm.s32 $0x4100  }
0x1d: {  	[tilespmem:s17], [sflag:$0x6] =	stream.indirect.gather [hbm4b:s3+s12], $0x10, s16, s12, $0xb8;
	[tilespmem:$0x9900] =	vst v63  }
0x1e: {  	s18 =	simm.s32 $0x100;
	s19 =	simm.s32 $0x2900  }
0x1f: {  	[tilespmem:s19], [sflag:$0x3] =	stream.indirect.gather [hbm4b:s3+s12], $0x10, s18, s12, $0xb8;
	[tilespmem:$0x9900] =	vst v63  }
0x20: {  	s20 =	simm.s32 $0xD80;
	s21 =	simm.s32 $0x4900  }
0x21: {  	[tilespmem:s21], [sflag:$0x7] =	stream.indirect.gather [hbm4b:s3+s12], $0x10, s20, s12, $0xb8;
	[tilespmem:$0x9900] =	vst v63  }
0x22: {  	s22 =	simm.s32 $0x180;
	s23 =	simm.s32 $0x3100;
	s24 =	simm.s32 $0xE00  }
0x23: {  	[tilespmem:s23], [sflag:$0x4] =	stream.indirect.gather [hbm4b:s3+s12], $0x10, s22, s12, $0xb8;
	[tilespmem:$0x9900] =	vst v63  }
0x24: {  	s25 =	simm.s32 $0x5100;
	s15 =	simm.s32 $0x0;
	s16 =	simm.s32 $0x0  }
0x25: {  	[tilespmem:s25], [sflag:$0x8] =	stream.indirect.gather [hbm4b:s3+s12], $0x10, s24, s12, $0xb8;
	[tilespmem:$0x9900] =	vst v63  }
.LBB2_2:
0x26: {  	s19 =	sand.u32 $0x3, s16  }
0x27: {  	s17 =	sadd.s32 $0x1, s19  }
0x28: {  	_ =	swait.ge [sflag:s17], $0x800  }
0x29: {  	[sflag:s17] =	ssyncset.done $0x0  }
0x2a: {  	s18 =	sadd.s32 $0x5, s19;
	[sflag:s17] =	ssyncadd.s32 $0xFFFFF800  }
0x2b: {  	_ =	swait.ge [sflag:s18], $0x800  }
0x2c: {  	p0 =	slt.u32 s16, $0x4;
	[sflag:s18] =	ssyncset.done $0x0  }
0x2d: {  	s7 =	sadd.s32 @!p0 $0x9, s19;
	[sflag:s18] =	ssyncadd.s32 $0xFFFFF800  }
0x2e: {  	_ =	swait.ge @!p0 [sflag:s7], $0x800  }
0x2f: {  	[sflag:s7] =	ssyncset.done @!p0 $0x0  }
0x30: {  	[sflag:s7] =	ssyncadd.s32 @!p0 $0xFFFFF800;
	s7 =	sadd.s32 @!p0 $0xD, s19  }
0x31: {  	s8 =	sshll.u32 s15, $0xB;
	_ =	swait.ge @!p0 [sflag:s7], $0x800  }
0x32: {  	s8 =	sand.u32 $0x1800, s8;
	[sflag:s7] =	ssyncset.done @!p0 $0x0  }
0x33: {  	s22 =	sadd.s32 $0x1900, s8;
	[sflag:s7] =	ssyncadd.s32 @!p0 $0xFFFFF800  }
0x34: {  	v0 =	vld [tilespmem:s22+$0x0]  }
0x35: {  	s25 =	simm.s32 $0x0  }
0x36: {  	s20 =	sshll.u32 s19, $0xB;
	s21 =	sand.u32 $0x780, s25  }
0x37: {  	s21 =	sor.u32 s20, s21;
	s7 =	sand.u32 $0x7FFFF870, s25  }
0x38: {  	s7 =	sadd.s32 s7, s21  }
0x39: {  	s23 =	sadd.s32 $0x3900, s8;
	[tilespmem:s7+$0x5900] =	vst v0  }
0x3a: {  	v0 =	vld [tilespmem:s23+$0x0];
	_ =	sdelay $0x4  }
0x3b: {  	s24 =	sadd.s32 s6, s16;
	s8 =	simm.s32 $0x20;
	s25 =	sadd.s32 $0x10, s22;
	[tilespmem:s7+$0x7900] =	vst v0  }
0x3c: {  	s21 =	sadd.s32 $0x1900, s20;
	s22 =	sadd.s32 $0x3900, s20;
	s7 =	simm.s32 $0x10;
	v0 =	vld [tilespmem:s25+$0x0]  }
.LBB2_3:
0x3d: {  	p0 =	sne.s32 s8, $0x7F0  }
0x3e: {  	s11 =	sand.u32 $0x780, s7  }
0x3f: {  	s9 =	sand.u32 $0x7FFFF870, s7;
	s7 =	smov.u32 s8;
	s11 =	sor.u32 s20, s11  }
0x40: {  	s9 =	sadd.s32 s9, s11  }
0x41: {  	s23 =	sadd.s32 $0x10, s23;
	[tilespmem:s9+$0x5900] =	vst v0  }
0x42: {  	v0 =	vld [tilespmem:s23+$0x0];
	_ =	sdelay $0x1  }
.Ltmp0:
0x43: {  	(pc) =	sbr.rel @p0 .LBB2_3-.Ltmp0, $3  }
0x44: {  	_ =	sdelay $0x1  }
0x45: {  	s25 =	sadd.s32 $0x10, s25;
	[tilespmem:s9+$0x7900] =	vst v0  }
0x46: {  	s8 =	sadd.s32 $0x10, s8;
	v0 =	vld [tilespmem:s25+$0x0]  }
0x47: {  	_ = 	snop  }
0x48: {  	s8 =	sand.u32 $0x780, s7  }
0x49: {  	s11 =	sand.u32 $0x7FFFF870, s7;
	s8 =	sor.u32 s20, s8  }
0x4a: {  	s7 =	sadd.s32 s11, s8  }
0x4b: {  	s23 =	sadd.s32 $0x10, s23;
	[tilespmem:s7+$0x5900] =	vst v0  }
0x4c: {  	v0 =	vld [tilespmem:s23+$0x0];
	_ =	sdelay $0x3  }
0x4d: {  	s25 =	sshll.u32 s24, $0x8;
	s24 =	sadd.s32 $0xD, s19;
	p0 =	sgt.u32 s16, $0x14  }
0x4e: {  	s9 =	sadd.s32 s4, s25;
	s11 =	sadd.s32 $0x5900, s20;
	s23 =	sadd.s32 $0x9, s19;
	[tilespmem:s7+$0x7900] =	vst v0  }
0x4f: {  	[hbm4b:s9+s2] =	stream.linear.scatter [tilespmem:s11], [sflag:s23], $0x800, $0x38;
	[tilespmem:$0x9900] =	vst v63  }
0x50: {  	s8 =	sadd.s32 s5, s25;
	s25 =	sadd.s32 $0x7900, s20;
	s7 =	sshll.u32 @!p0 s16, $0x7  }
0x51: {  	[hbm4b:s8+s2] =	stream.linear.scatter [tilespmem:s25], [sflag:s24], $0x800, $0x38;
	[tilespmem:$0x9900] =	vst v63  }
0x52: {  	s9 =	simm.s32 @!p0 $0x80;
	s8 =	sadd.s32 @!p0 $0x200, s7  }
0x53: {  	[tilespmem:s21], [sflag:s17] =	stream.indirect.gather @!p0 [hbm4b:s3+s9], $0x10, s8, s9, $0xb8;
	[tilespmem:$0x9900] =	vst v63  }
0x54: {  	s16 =	sadd.s32 $0x1, s16;
	s7 =	sadd.s32 @!p0 $0xE80, s7  }
0x55: {  	[tilespmem:s22], [sflag:s18] =	stream.indirect.gather @!p0 [hbm4b:s3+s9], $0x10, s7, s9, $0xb8;
	[tilespmem:$0x9900] =	vst v63  }
0x56: {  	p0 =	sne.s32 s16, $0x19  }
.Ltmp1:
0x57: {  	_ = 	snop;
	(pc) =	sbr.rel @p0 .LBB2_2-.Ltmp1, $2  }
0x58: {  	_ =	sdelay $0x2  }
0x59: {  	s15 =	sadd.s32 $0x1, s15  }
0x5a: {  	_ =	swait.ge [sflag:s26], $0x800  }
0x5b: {  	[sflag:s26] =	ssyncset.done $0x0  }
0x5c: {  	[sflag:s26] =	ssyncadd.s32 $0xFFFFF800  }
0x5d: {  	_ =	swait.ge [sflag:s28], $0x800  }
0x5e: {  	[sflag:s28] =	ssyncset.done $0x0  }
0x5f: {  	[sflag:s28] =	ssyncadd.s32 $0xFFFFF800  }
0x60: {  	_ =	swait.ge [sflag:s29], $0x800  }
0x61: {  	[sflag:s29] =	ssyncset.done $0x0  }
0x62: {  	[sflag:s29] =	ssyncadd.s32 $0xFFFFF800  }
0x63: {  	_ =	swait.ge [sflag:s30], $0x800  }
0x64: {  	[sflag:s30] =	ssyncset.done $0x0  }
0x65: {  	[sflag:s30] =	ssyncadd.s32 $0xFFFFF800  }
0x66: {  	_ =	swait.ge [sflag:s31], $0x800  }
0x67: {  	[sflag:s31] =	ssyncset.done $0x0  }
0x68: {  	[sflag:s31] =	ssyncadd.s32 $0xFFFFF800  }
0x69: {  	_ =	swait.ge [sflag:s0], $0x800  }
0x6a: {  	[sflag:s0] =	ssyncset.done $0x0  }
0x6b: {  	[sflag:s0] =	ssyncadd.s32 $0xFFFFF800  }
0x6c: {  	_ =	swait.ge [sflag:s1], $0x800  }
0x6d: {  	[sflag:s1] =	ssyncset.done $0x0  }
0x6e: {  	[sflag:s1] =	ssyncadd.s32 $0xFFFFF800  }
0x6f: {  	_ =	swait.ge [sflag:s13], $0x800  }
0x70: {  	s14 =	sadd.s32 $0x1, s14;
	s7 =	rddreg [dreg:$0x5]  }
0x71: {  	p0 =	sne.s32 s14, s7  }
.Ltmp2:
0x72: {  	_ = 	snop;
	(pc) =	sbr.rel @p0 .LBB2_1-.Ltmp2, $3  }
0x73: {  	_ =	sdelay $0x1  }
0x74: {  	[sflag:s13] =	ssyncset.done $0x0  }
0x75: {  	[sflag:s13] =	ssyncadd.s32 $0xFFFFF800  }
0x76: {  	_ =	sfence.sel $0x180000  }
0x77: {  	[bflag:$0x0] =	sbarrier.arrive $0xFFFF  }
0x78: {  	_ =	strace $0x90000047  }
0x79: {  	s0 =	stileid.u32;
	[bflag:$0x2] =	sbarrier.arrive $0xFFFF  }
0x7a: {  	p0 =	sne.s32 s0, $0x0;
	s0 =	rddreg [dreg:$0x2]  }
0x7b: {  	s0 =	sadd.s32 @!p0 $0x100000, s0  }
0x7c: {  	[sflag:s0] =	ssyncadd.tile.s32 @!p0 $0x1;
	_ =	shalt  }
.Lfunc_end2:
_tile_overlayer_lowered:
.L_overlay_start_2:
0x7d: {  	(tag) =	ssettag $0x2  }
0x7e: {  	s0 =	rddreg [dreg:$0x0];
	s2 =	stileid.u32  }
0x7f: {  	s1 =	rddreg [dreg:$0x1];
	p0 =	sne.s32 s2, $0x0  }
0x80: {  	s3 =	rddreg [dreg:$0x2];
	[bflag:$0x3] =	sbarrier.arrive $0xFFFF;
	s2 =	simm.s32 @!p0 $0x1C11  }
0x81: {  	[timem:s3], [sflag:s2] =	dma.local @!p0 [hbm:s0], s1  }
0x82: {  	s0 =	simm.s32 @!p0 $0x11  }
0x83: {  	_ =	swait.ge @!p0 [sflag:s0], s1  }
0x84: {  	s1 =	ssub.s32 @!p0 $0x0, s1;
	[sflag:s0] =	ssyncset.done @!p0 $0x0  }
0x85: {  	[sflag:s0] =	ssyncadd.s32 @!p0 s1  }
0x86: {  	[bflag:$0x3] =	sbarrier.arrive $0xFFFF  }
0x87: {  	_ =	shalt  }

</sc_bundles>
